<compile_context>
chip_gen: v7x
topology: tpu7x:2x2x1
jax: 0.10.2.dev20260603
libtpu: 0.0.44.dev20260713+nightly
codegen_flags: <defaults>
</compile_context>

<pallas_src>
import functools

import jax
import jax.numpy as jnp
from jax import lax
from jax.experimental import pallas as pl
from jax.experimental.pallas import tpu as pltpu
from jax.experimental.pallas import tpu_sc as plsc

NC = 2
NS = 16
NW = NC * NS
LANES = 16


CH = 16128
CHH = CH // 2
VMAIN = 999936
VTAIL = 64


def _project_table(table, W):
    V, E = table.shape
    OUT = W.shape[0]
    nmain = VMAIN // CH
    ng = nmain + 1
    tail = jnp.reshape(
        lax.slice(table, (VMAIN, 0), (V, 0 + E)) @ W.T, (VTAIL // 2, 2 * OUT)
    )

    def body(tt_ref, wt_ref, tail_ref, o_ref, lo0, lo1, sem0, sem1):
        i = pl.program_id(0)
        los = [lo0, lo1]
        sems = [sem0, sem1]

        def cp(j, b):
            return pltpu.make_async_copy(
                tt_ref.at[:, pl.ds(CH * j, CH)], los[b], sems[b]
            )

        @pl.when(i == 0)
        def _():
            cp(0, 0).start()

        def work(b):
            @pl.when(i + 1 < nmain)
            def _():
                cp(i + 1, 1 - b).start()
            cp(i, b).wait()
            res = lax.dot_general(
                los[b][...], wt_ref[...],
                (((0,), (0,)), ((), ())),
                preferred_element_type=jnp.float32,
            )
            o_ref[...] = jnp.concatenate(
                [res[:CHH], res[CHH:]], axis=1
            )

        @pl.when(jnp.logical_and(i % 2 == 0, i < nmain))
        def _():
            work(0)

        @pl.when(jnp.logical_and(i % 2 == 1, i < nmain))
        def _():
            work(1)

        @pl.when(i == nmain)
        def _():
            o_ref[pl.ds(0, VTAIL // 2), :] = tail_ref[...]
            o_ref[pl.ds(VTAIL // 2, CHH - VTAIL // 2), :] = jnp.zeros(
                (CHH - VTAIL // 2, 2 * OUT), jnp.float32
            )

    y = pl.pallas_call(
        body,
        grid=(ng,),
        in_specs=[
            pl.BlockSpec(memory_space=pl.ANY),
            pl.BlockSpec((E, OUT), lambda i: (0, 0)),
            pl.BlockSpec((VTAIL // 2, 2 * OUT), lambda i: (0, 0)),
        ],
        out_specs=pl.BlockSpec((CHH, 2 * OUT), lambda i: (i, 0)),
        out_shape=jax.ShapeDtypeStruct((ng * CHH, 2 * OUT), jnp.float32),
        scratch_shapes=[
            pltpu.VMEM((E, CH), jnp.float32),
            pltpu.VMEM((E, CH), jnp.float32),
            pltpu.SemaphoreType.DMA,
            pltpu.SemaphoreType.DMA,
        ],
    )(table.T, W.T, tail)
    return jnp.reshape(y, (ng * CH, OUT))


def _make_bag_kernel(B, L, E, V, interpret=False):
    assert L % 2 == 0
    Lh = L // 2
    bpw = B // NW
    CB = 8
    nchunks = bpw // CB
    assert bpw % CB == 0
    nseg = 2 * CB

    mesh = plsc.VectorSubcoreMesh(
        core_axis_name="c", subcore_axis_name="s", num_cores=NC, num_subcores=NS
    )

    @functools.partial(
        pl.kernel,
        out_type=jax.ShapeDtypeStruct((B, E), jnp.float32),
        mesh=mesh,
        scratch_types=[
            pltpu.VMEM((nseg, Lh), jnp.int32),
            pltpu.VMEM((nseg, Lh, E), jnp.float32),
            pltpu.VMEM((CB, E), jnp.float32),
            pltpu.SemaphoreType.DMA,
        ],
        compiler_params=pltpu.CompilerParams(use_tc_tiling_on_sc=False),
        interpret=interpret,
    )
    def bag_kernel(x_hbm, table_hbm, bag_hbm, idx_v, rows_v, bag_v, sem):
        wid = lax.axis_index("s") * NC + lax.axis_index("c")
        base = wid * bpw
        scale = jnp.float32(1.0 / L)
        chh = jnp.full((LANES,), CHH, jnp.int32)
        vmain = jnp.full((LANES,), VMAIN, jnp.int32)
        lane = lax.iota(jnp.int32, LANES)
        nfull = Lh // LANES
        tail0 = Lh - LANES
        ntrans = nfull * LANES - tail0

        def permute_idx():
            def perm(t):
                n = jnp.right_shift(t, 7)
                j = jnp.right_shift(n * 33289, 22)
                base = j * (-CH) + t + t
                c = t - j * CH
                v = jnp.where(c < chh, base, base - (CH - 1))
                return jnp.where(t < vmain, v, t)

            def row(s, carry):
                def one(i, c2):
                    t = idx_v[s, pl.ds(LANES * i, LANES)]
                    idx_v[s, pl.ds(LANES * i, LANES)] = perm(t)
                    return c2
                lax.fori_loop(0, nfull, one, 0, unroll=2)
                if tail0 % LANES:
                    t = idx_v[s, pl.ds(tail0, LANES)]
                    idx_v[s, pl.ds(tail0, LANES)] = jnp.where(
                        lane < ntrans, t, perm(t)
                    )
                return carry

            lax.fori_loop(0, nseg, row, 0)

        def chunk(ci, carry):
            off = base + ci * CB
            pltpu.sync_copy(x_hbm.at[pl.ds(2 * off, nseg)], idx_v)
            permute_idx()
            cps = [
                pltpu.async_copy(table_hbm.at[idx_v.at[s]], rows_v.at[s], sem)
                for s in range(nseg)
            ]
            for cp in cps:
                cp.wait()
            for r in range(CB):
                def red(j, acc):
                    return tuple(
                        acc[c]
                        + rows_v[2 * r, j, pl.ds(LANES * c, LANES)]
                        + rows_v[2 * r + 1, j, pl.ds(LANES * c, LANES)]
                        for c in range(E // LANES)
                    )
                acc0 = tuple(
                    jnp.zeros((LANES,), jnp.float32) for _ in range(E // LANES)
                )
                acc = lax.fori_loop(0, Lh, red, acc0, unroll=2)
                for c in range(E // LANES):
                    bag_v[r, pl.ds(LANES * c, LANES)] = acc[c] * scale
            pltpu.sync_copy(bag_v, bag_hbm.at[pl.ds(off, CB)])
            return carry

        lax.fori_loop(0, nchunks, chunk, 0)

    return bag_kernel


def _bias_bcast(bag, b2, YLEN):
    B, OUT = bag.shape
    BT = 512

    def body(bag_ref, b_ref, out_ref):
        pot = bag_ref[...].T + b_ref[...]
        out_ref[...] = jnp.broadcast_to(pot[None, :, :], (YLEN, OUT, BT))

    return pl.pallas_call(
        body,
        grid=(B // BT,),
        in_specs=[
            pl.BlockSpec((BT, OUT), lambda i: (i, 0)),
            pl.BlockSpec((OUT, 1), lambda i: (0, 0)),
        ],
        out_specs=pl.BlockSpec((YLEN, OUT, BT), lambda i: (0, 0, i)),
        out_shape=jax.ShapeDtypeStruct((YLEN, OUT, B), jnp.float32),
    )(bag, b2)


def kernel(x, y_c, table, W, b):
    B, L = x.shape
    YLEN = y_c.shape[1]
    V, E = table.shape
    OUT = W.shape[0]
    ptable = _project_table(table, W)
    x_r = x.astype(jnp.int32).reshape(2 * B, L // 2)
    bag = _make_bag_kernel(B, L, OUT, V)(x_r, ptable)
    out = _bias_bcast(bag, b.reshape(OUT, 1), YLEN)
    return jnp.transpose(out, (2, 0, 1))

# --- scband reference (transcript-rebuilt; emitter-appended) ---
"""Pipeline reference for scband-bowencoder-12292196401485 (READ-ONLY COPY).

The authoritative reference and input builder live on the scoring server;
editing this copy changes nothing except your own understanding.
"""

import jax, jax.numpy as jnp
import numpy as np

VOCAB = 1000000
EMBED = 64
OUT = 64
B = 4096
L = 200
YLEN = 50
ORDER = 5

def setup_inputs(seed: int = 0) -> dict:
    key = jax.random.key(seed)
    k1, k2, k3, k4 = jax.random.split(key, 4)
    x = jax.random.randint(k1, (B, L), 0, VOCAB, dtype=jnp.int64) if jax.config.jax_enable_x64 else jax.random.randint(k1, (B, L), 0, VOCAB, dtype=jnp.int32)
    y_c = jax.random.randint(k2, (B, YLEN, ORDER), 0, VOCAB, dtype=jnp.int32)
    table = jax.random.normal(k3, (VOCAB, EMBED), dtype=jnp.float32)
    W = jax.random.normal(k4, (OUT, EMBED), dtype=jnp.float32) * (1.0 / np.sqrt(EMBED))
    b = jnp.zeros((OUT,), dtype=jnp.float32)
    return {"x": x, "y_c": y_c, "table": table, "W": W, "b": b}

def reference(x, y_c, table, W, b):
    # nn.EmbeddingBag default mode='mean' over the bag dimension
    emb = jnp.take(table, x, axis=0)          # [B, L, EMBED]
    bag = jnp.mean(emb, axis=1)               # [B, EMBED]
    out = bag @ W.T + b                        # [B, OUT]
    # y_c is not None -> tile along y_length
    out = jnp.broadcast_to(out[:, None, :], (out.shape[0], y_c.shape[1], out.shape[-1]))
    return out

if __name__ == "__main__":
    import jax
    _d = setup_inputs()
    print(jax.jit(kernel)(*tuple(_d.values())))

</pallas_src>

<mosaic_0001>
#map = affine_map<(d0, d1) -> (0, 0)>
module attributes {stable_mosaic.version = 14 : i64} {
  func.func @bag_kernel(%arg0: i32, %arg1: i32, %arg2: memref<8192x100xi32, #tpu.memory_space<hbm>>, %arg3: memref<1016064x64xf32, #tpu.memory_space<hbm>>, %arg4: memref<4096x64xf32, #tpu.memory_space<hbm>>, %arg5: memref<16x100xi32, #tpu.memory_space<vmem>>, %arg6: memref<16x100x64xf32, #tpu.memory_space<vmem>>, %arg7: memref<8x64xf32, #tpu.memory_space<vmem>>, %arg8: memref<!tpu.dma_semaphore, #tpu.memory_space<semaphore_mem>>) attributes {dimension_semantics = [#tpu.dimension_semantics<core_parallel>, #tpu.dimension_semantics<subcore_parallel>], iteration_bounds = array<i64: 2, 16>, scalar_prefetch = 0 : i64, scratch_operands = 4 : i64, tpu.core_type = #tpu.core_type<sc_vector_subcore>, window_params = [{transform_indices = #map}, {transform_indices = #map}, {transform_indices = #map}]} {
    %mul3A = arith.constant 2 : i32
    %mul3A_0 = arith.muli %arg1, %mul3A : i32
    %add3A = arith.addi %mul3A_0, %arg0 : i32
    %mul3A_1 = arith.constant 128 : i32
    %mul3A_2 = arith.muli %add3A, %mul3A_1 : i32
    %broadcast_in_dim3A = arith.constant 8064 : i32
    %broadcast_in_dim3A_3 = vector.broadcast %broadcast_in_dim3A : i32 to vector<16xi32>
    %broadcast_in_dim3A_4 = arith.constant 999936 : i32
    %broadcast_in_dim3A_5 = vector.broadcast %broadcast_in_dim3A_4 : i32 to vector<16xi32>
    %iota3A = tpu.iota {dimensions = array<i32: 0>} : vector<16xi32>
    %scan3A = arith.constant 0 : i32
    %scan3A_6 = arith.constant 5.000000e-03 : f32
    %scan3A_7 = arith.constant 0 : i32
    %scan3A_8 = arith.constant 16 : i32
    %scan3A_9 = arith.addi %scan3A_7, %scan3A_8 : i32
    %scan3A_10 = arith.constant 1 : i32
    scf.for %scan3A_12 = %scan3A_7 to %scan3A_9 step %scan3A_10  : i32 {
      %mul3A_13 = arith.constant 8 : i32
      %mul3A_14 = arith.muli %scan3A_12, %mul3A_13 : i32
      %add3A_15 = arith.addi %mul3A_2, %mul3A_14 : i32
      %mul3A_16 = arith.constant 2 : i32
      %mul3A_17 = arith.muli %mul3A_16, %add3A_15 : i32
      "tpu.region"() ({
        %run_scoped3A = tpu.sem_alloc : memref<!tpu.dma_semaphore, #tpu.memory_space<semaphore_mem>>
        %dma_start3A_773 = arith.constant 0 : i32
        %dma_start3A_774 = tpu.memref_slice %arg2[%mul3A_17, %dma_start3A_773] : memref<8192x100xi32, #tpu.memory_space<hbm>> -> memref<16x100xi32, #tpu.memory_space<hbm>>
        %dma_start3A_775 = arith.constant 0 : i32
        %dma_start3A_776 = tpu.memref_slice %arg2[%mul3A_17, %dma_start3A_775] : memref<8192x100xi32, #tpu.memory_space<hbm>> -> memref<16x100xi32, #tpu.memory_space<hbm>>
        tpu.enqueue_dma source(%dma_start3A_776 : memref<16x100xi32, #tpu.memory_space<hbm>>) target(%arg5 : memref<16x100xi32, #tpu.memory_space<vmem>>) target_semaphore(%run_scoped3A : memref<!tpu.dma_semaphore, #tpu.memory_space<semaphore_mem>>)
        %dma_wait3A_777 = arith.constant 0 : i32
        %dma_wait3A_778 = tpu.memref_slice %arg2[%mul3A_17, %dma_wait3A_777] : memref<8192x100xi32, #tpu.memory_space<hbm>> -> memref<16x100xi32, #tpu.memory_space<hbm>>
        %dma_wait3A_779 = arith.constant 0 : i32
        %dma_wait3A_780 = tpu.memref_slice %arg2[%mul3A_17, %dma_wait3A_779] : memref<8192x100xi32, #tpu.memory_space<hbm>> -> memref<16x100xi32, #tpu.memory_space<hbm>>
        tpu.wait_dma2 semaphore(%run_scoped3A : memref<!tpu.dma_semaphore, #tpu.memory_space<semaphore_mem>>) src(%dma_wait3A_780 : memref<16x100xi32, #tpu.memory_space<hbm>>) dst(%arg5 : memref<16x100xi32, #tpu.memory_space<vmem>>)
        tpu.yield
      }) : () -> ()
      %scan3A_18 = arith.constant 0 : i32
      %scan3A_19 = arith.constant 0 : i32
      %scan3A_20 = arith.constant 16 : i32
      %scan3A_21 = arith.addi %scan3A_19, %scan3A_20 : i32
      %scan3A_22 = arith.constant 1 : i32
      scf.for %scan3A_773 = %scan3A_19 to %scan3A_21 step %scan3A_22  : i32 {
        %scan3A_774 = arith.constant 0 : i32
        %scan3A_775 = arith.constant 0 : i32
        %scan3A_776 = arith.constant 6 : i32
        %scan3A_777 = arith.addi %scan3A_775, %scan3A_776 : i32
        %scan3A_778 = arith.constant 2 : i32
        scf.for %scan3A_813 = %scan3A_775 to %scan3A_777 step %scan3A_778  : i32 {
          %mul3A_814 = arith.constant 16 : i32
          %mul3A_815 = arith.muli %mul3A_814, %scan3A_813 : i32
          %get3A_816 = arith.index_cast %scan3A_773 : i32 to index
          %get3A_817 = arith.index_cast %mul3A_815 : i32 to index
          %get3A_818 = tpu.vector_load %arg5[%get3A_816, %get3A_817] {strides = array<i32>} : memref<16x100xi32, #tpu.memory_space<vmem>>, vector<1x16xi32>,
          %get3A_819 = vector.shape_cast %get3A_818 : vector<1x16xi32> to vector<16xi32>
          %shift_right_arithmetic3A_820 = arith.constant 7 : i32
          %shift_right_arithmetic3A_821 = vector.broadcast %shift_right_arithmetic3A_820 : i32 to vector<16xi32>
          %shift_right_arithmetic3A_822 = arith.shrsi %get3A_819, %shift_right_arithmetic3A_821 : vector<16xi32>
          %mul3A_823 = arith.constant 33289 : i32
          %mul3A_824 = vector.broadcast %mul3A_823 : i32 to vector<16xi32>
          %mul3A_825 = arith.muli %shift_right_arithmetic3A_822, %mul3A_824 : vector<16xi32>
          %shift_right_arithmetic3A_826 = arith.constant 22 : i32
          %shift_right_arithmetic3A_827 = vector.broadcast %shift_right_arithmetic3A_826 : i32 to vector<16xi32>
          %shift_right_arithmetic3A_828 = arith.shrsi %mul3A_825, %shift_right_arithmetic3A_827 : vector<16xi32>
          %mul3A_829 = arith.constant -16128 : i32
          %mul3A_830 = vector.broadcast %mul3A_829 : i32 to vector<16xi32>
          %mul3A_831 = arith.muli %shift_right_arithmetic3A_828, %mul3A_830 : vector<16xi32>
          %add3A_832 = arith.addi %mul3A_831, %get3A_819 : vector<16xi32>
          %add3A_833 = arith.addi %add3A_832, %get3A_819 : vector<16xi32>
          %mul3A_834 = arith.constant 16128 : i32
          %mul3A_835 = vector.broadcast %mul3A_834 : i32 to vector<16xi32>
          %mul3A_836 = arith.muli %shift_right_arithmetic3A_828, %mul3A_835 : vector<16xi32>
          %sub3A_837 = arith.subi %get3A_819, %mul3A_836 : vector<16xi32>
          %lt3A_838 = arith.cmpi slt, %sub3A_837, %broadcast_in_dim3A_3 : vector<16xi32>
          %sub3A_839 = arith.constant 16127 : i32
          %sub3A_840 = vector.broadcast %sub3A_839 : i32 to vector<16xi32>
          %sub3A_841 = arith.subi %add3A_833, %sub3A_840 : vector<16xi32>
          %select_n3A_842 = arith.select %lt3A_838, %add3A_833, %sub3A_841 : vector<16xi1>, vector<16xi32>
          %lt3A_843 = arith.cmpi slt, %get3A_819, %broadcast_in_dim3A_5 : vector<16xi32>
          %select_n3A_844 = arith.select %lt3A_843, %select_n3A_842, %get3A_819 : vector<16xi1>, vector<16xi32>
          %mul3A_845 = arith.constant 16 : i32
          %mul3A_846 = arith.muli %mul3A_845, %scan3A_813 : i32
          %swap3A_847 = arith.index_cast %scan3A_773 : i32 to index
          %swap3A_848 = arith.index_cast %mul3A_846 : i32 to index
          %swap3A_849 = tpu.vector_load %arg5[%swap3A_847, %swap3A_848] {strides = array<i32>} : memref<16x100xi32, #tpu.memory_space<vmem>>, vector<1x16xi32>,
          %swap3A_850 = vector.shape_cast %swap3A_849 : vector<1x16xi32> to vector<16xi32>
          %swap3A_851 = vector.shape_cast %select_n3A_844 : vector<16xi32> to vector<1x16xi32>
          tpu.vector_store %arg5[%swap3A_847, %swap3A_848], %swap3A_851 {strides = array<i32>} : memref<16x100xi32, #tpu.memory_space<vmem>>, vector<1x16xi32>,
          %scan3A_852 = arith.constant 1 : i32
          %scan3A_853 = arith.addi %scan3A_813, %scan3A_852 : i32
          %mul3A_854 = arith.constant 16 : i32
          %mul3A_855 = arith.muli %mul3A_854, %scan3A_853 : i32
          %get3A_856 = arith.index_cast %scan3A_773 : i32 to index
          %get3A_857 = arith.index_cast %mul3A_855 : i32 to index
          %get3A_858 = tpu.vector_load %arg5[%get3A_856, %get3A_857] {strides = array<i32>} : memref<16x100xi32, #tpu.memory_space<vmem>>, vector<1x16xi32>,
          %get3A_859 = vector.shape_cast %get3A_858 : vector<1x16xi32> to vector<16xi32>
          %shift_right_arithmetic3A_860 = arith.constant 7 : i32
          %shift_right_arithmetic3A_861 = vector.broadcast %shift_right_arithmetic3A_860 : i32 to vector<16xi32>
          %shift_right_arithmetic3A_862 = arith.shrsi %get3A_859, %shift_right_arithmetic3A_861 : vector<16xi32>
          %mul3A_863 = arith.constant 33289 : i32
          %mul3A_864 = vector.broadcast %mul3A_863 : i32 to vector<16xi32>
          %mul3A_865 = arith.muli %shift_right_arithmetic3A_862, %mul3A_864 : vector<16xi32>
          %shift_right_arithmetic3A_866 = arith.constant 22 : i32
          %shift_right_arithmetic3A_867 = vector.broadcast %shift_right_arithmetic3A_866 : i32 to vector<16xi32>
          %shift_right_arithmetic3A_868 = arith.shrsi %mul3A_865, %shift_right_arithmetic3A_867 : vector<16xi32>
          %mul3A_869 = arith.constant -16128 : i32
          %mul3A_870 = vector.broadcast %mul3A_869 : i32 to vector<16xi32>
          %mul3A_871 = arith.muli %shift_right_arithmetic3A_868, %mul3A_870 : vector<16xi32>
          %add3A_872 = arith.addi %mul3A_871, %get3A_859 : vector<16xi32>
          %add3A_873 = arith.addi %add3A_872, %get3A_859 : vector<16xi32>
          %mul3A_874 = arith.constant 16128 : i32
          %mul3A_875 = vector.broadcast %mul3A_874 : i32 to vector<16xi32>
          %mul3A_876 = arith.muli %shift_right_arithmetic3A_868, %mul3A_875 : vector<16xi32>
          %sub3A_877 = arith.subi %get3A_859, %mul3A_876 : vector<16xi32>
          %lt3A_878 = arith.cmpi slt, %sub3A_877, %broadcast_in_dim3A_3 : vector<16xi32>
          %sub3A_879 = arith.constant 16127 : i32
          %sub3A_880 = vector.broadcast %sub3A_879 : i32 to vector<16xi32>
          %sub3A_881 = arith.subi %add3A_873, %sub3A_880 : vector<16xi32>
          %select_n3A_882 = arith.select %lt3A_878, %add3A_873, %sub3A_881 : vector<16xi1>, vector<16xi32>
          %lt3A_883 = arith.cmpi slt, %get3A_859, %broadcast_in_dim3A_5 : vector<16xi32>
          %select_n3A_884 = arith.select %lt3A_883, %select_n3A_882, %get3A_859 : vector<16xi1>, vector<16xi32>
          %mul3A_885 = arith.constant 16 : i32
          %mul3A_886 = arith.muli %mul3A_885, %scan3A_853 : i32
          %swap3A_887 = arith.index_cast %scan3A_773 : i32 to index
          %swap3A_888 = arith.index_cast %mul3A_886 : i32 to index
          %swap3A_889 = tpu.vector_load %arg5[%swap3A_887, %swap3A_888] {strides = array<i32>} : memref<16x100xi32, #tpu.memory_space<vmem>>, vector<1x16xi32>,
          %swap3A_890 = vector.shape_cast %swap3A_889 : vector<1x16xi32> to vector<16xi32>
          %swap3A_891 = vector.shape_cast %select_n3A_884 : vector<16xi32> to vector<1x16xi32>
          tpu.vector_store %arg5[%swap3A_887, %swap3A_888], %swap3A_891 {strides = array<i32>} : memref<16x100xi32, #tpu.memory_space<vmem>>, vector<1x16xi32>,
        }
        %scan3A_779 = arith.constant 6 : i32
        %get3A = arith.index_cast %scan3A_773 : i32 to index
        %get3A_780 = arith.constant 84 : index
        %get3A_781 = tpu.vector_load %arg5[%get3A, %get3A_780] {strides = array<i32>} : memref<16x100xi32, #tpu.memory_space<vmem>>, vector<1x16xi32>,
        %get3A_782 = vector.shape_cast %get3A_781 : vector<1x16xi32> to vector<16xi32>
        %lt3A = arith.constant 12 : i32
        %lt3A_783 = vector.broadcast %lt3A : i32 to vector<16xi32>
        %lt3A_784 = arith.cmpi slt, %iota3A, %lt3A_783 : vector<16xi32>
        %shift_right_arithmetic3A = arith.constant 7 : i32
        %shift_right_arithmetic3A_785 = vector.broadcast %shift_right_arithmetic3A : i32 to vector<16xi32>
        %shift_right_arithmetic3A_786 = arith.shrsi %get3A_782, %shift_right_arithmetic3A_785 : vector<16xi32>
        %mul3A_787 = arith.constant 33289 : i32
        %mul3A_788 = vector.broadcast %mul3A_787 : i32 to vector<16xi32>
        %mul3A_789 = arith.muli %shift_right_arithmetic3A_786, %mul3A_788 : vector<16xi32>
        %shift_right_arithmetic3A_790 = arith.constant 22 : i32
        %shift_right_arithmetic3A_791 = vector.broadcast %shift_right_arithmetic3A_790 : i32 to vector<16xi32>
        %shift_right_arithmetic3A_792 = arith.shrsi %mul3A_789, %shift_right_arithmetic3A_791 : vector<16xi32>
        %mul3A_793 = arith.constant -16128 : i32
        %mul3A_794 = vector.broadcast %mul3A_793 : i32 to vector<16xi32>
        %mul3A_795 = arith.muli %shift_right_arithmetic3A_792, %mul3A_794 : vector<16xi32>
        %add3A_796 = arith.addi %mul3A_795, %get3A_782 : vector<16xi32>
        %add3A_797 = arith.addi %add3A_796, %get3A_782 : vector<16xi32>
        %mul3A_798 = arith.constant 16128 : i32
        %mul3A_799 = vector.broadcast %mul3A_798 : i32 to vector<16xi32>
        %mul3A_800 = arith.muli %shift_right_arithmetic3A_792, %mul3A_799 : vector<16xi32>
        %sub3A = arith.subi %get3A_782, %mul3A_800 : vector<16xi32>
        %lt3A_801 = arith.cmpi slt, %sub3A, %broadcast_in_dim3A_3 : vector<16xi32>
        %sub3A_802 = arith.constant 16127 : i32
        %sub3A_803 = vector.broadcast %sub3A_802 : i32 to vector<16xi32>
        %sub3A_804 = arith.subi %add3A_797, %sub3A_803 : vector<16xi32>
        %select_n3A = arith.select %lt3A_801, %add3A_797, %sub3A_804 : vector<16xi1>, vector<16xi32>
        %lt3A_805 = arith.cmpi slt, %get3A_782, %broadcast_in_dim3A_5 : vector<16xi32>
        %select_n3A_806 = arith.select %lt3A_805, %select_n3A, %get3A_782 : vector<16xi1>, vector<16xi32>
        %select_n3A_807 = arith.select %lt3A_784, %get3A_782, %select_n3A_806 : vector<16xi1>, vector<16xi32>
        %swap3A_808 = arith.index_cast %scan3A_773 : i32 to index
        %swap3A_809 = arith.constant 84 : index
        %swap3A_810 = tpu.vector_load %arg5[%swap3A_808, %swap3A_809] {strides = array<i32>} : memref<16x100xi32, #tpu.memory_space<vmem>>, vector<1x16xi32>,
        %swap3A_811 = vector.shape_cast %swap3A_810 : vector<1x16xi32> to vector<16xi32>
        %swap3A_812 = vector.shape_cast %select_n3A_807 : vector<16xi32> to vector<1x16xi32>
        tpu.vector_store %arg5[%swap3A_808, %swap3A_809], %swap3A_812 {strides = array<i32>} : memref<16x100xi32, #tpu.memory_space<vmem>>, vector<1x16xi32>,
      }
      %scan3A_23 = arith.constant 16 : i32
      %dma_start3A = arith.constant 0 : i32
      %dma_start3A_24 = arith.constant 0 : i32
      %dma_start3A_25 = arith.constant 0 : i32
      %dma_start3A_26 = arith.constant 0 : i32
      %dma_start3A_27 = tpu.memref_slice %arg6[%dma_start3A_24, %dma_start3A_25, %dma_start3A_26] : memref<16x100x64xf32, #tpu.memory_space<vmem>> -> memref<1x100x64xf32, #tpu.memory_space<vmem>>
      %dma_start3A_28 = tpu.memref_squeeze %dma_start3A_27 : memref<1x100x64xf32, #tpu.memory_space<vmem>> -> memref<100x64xf32, #tpu.memory_space<vmem>>
      %dma_start3A_29 = arith.constant 0 : i32
      %dma_start3A_30 = tpu.memref_slice %arg5[%dma_start3A, %dma_start3A_29] : memref<16x100xi32, #tpu.memory_space<vmem>> -> memref<1x100xi32, #tpu.memory_space<vmem>>
      %dma_start3A_31 = tpu.memref_squeeze %dma_start3A_30 : memref<1x100xi32, #tpu.memory_space<vmem>> -> memref<100xi32, #tpu.memory_space<vmem>>
      %dma_start3A_32 = arith.constant 0 : i32
      %dma_start3A_33 = arith.constant 0 : i32
      %dma_start3A_34 = tpu.memref_slice %arg3[%dma_start3A_32, %dma_start3A_33] : memref<1016064x64xf32, #tpu.memory_space<hbm>> -> memref<1016064x64xf32, #tpu.memory_space<hbm>>
      tpu.enqueue_indirect_dma source(%dma_start3A_34 : memref<1016064x64xf32, #tpu.memory_space<hbm>>) target(%dma_start3A_28 : memref<100x64xf32, #tpu.memory_space<vmem>>) offsets(%dma_start3A_31 : memref<100xi32, #tpu.memory_space<vmem>>) semaphore(%arg8 : memref<!tpu.dma_semaphore, #tpu.memory_space<semaphore_mem>>)
      %dma_start3A_35 = arith.constant 1 : i32
      %dma_start3A_36 = arith.constant 1 : i32
      %dma_start3A_37 = arith.constant 0 : i32
      %dma_start3A_38 = arith.constant 0 : i32
      %dma_start3A_39 = tpu.memref_slice %arg6[%dma_start3A_36, %dma_start3A_37, %dma_start3A_38] : memref<16x100x64xf32, #tpu.memory_space<vmem>> -> memref<1x100x64xf32, #tpu.memory_space<vmem>>
      %dma_start3A_40 = tpu.memref_squeeze %dma_start3A_39 : memref<1x100x64xf32, #tpu.memory_space<vmem>> -> memref<100x64xf32, #tpu.memory_space<vmem>>
      %dma_start3A_41 = arith.constant 0 : i32
      %dma_start3A_42 = tpu.memref_slice %arg5[%dma_start3A_35, %dma_start3A_41] : memref<16x100xi32, #tpu.memory_space<vmem>> -> memref<1x100xi32, #tpu.memory_space<vmem>>
      %dma_start3A_43 = tpu.memref_squeeze %dma_start3A_42 : memref<1x100xi32, #tpu.memory_space<vmem>> -> memref<100xi32, #tpu.memory_space<vmem>>
      %dma_start3A_44 = arith.constant 0 : i32
      %dma_start3A_45 = arith.constant 0 : i32
      %dma_start3A_46 = tpu.memref_slice %arg3[%dma_start3A_44, %dma_start3A_45] : memref<1016064x64xf32, #tpu.memory_space<hbm>> -> memref<1016064x64xf32, #tpu.memory_space<hbm>>
      tpu.enqueue_indirect_dma source(%dma_start3A_46 : memref<1016064x64xf32, #tpu.memory_space<hbm>>) target(%dma_start3A_40 : memref<100x64xf32, #tpu.memory_space<vmem>>) offsets(%dma_start3A_43 : memref<100xi32, #tpu.memory_space<vmem>>) semaphore(%arg8 : memref<!tpu.dma_semaphore, #tpu.memory_space<semaphore_mem>>)
      %dma_start3A_47 = arith.constant 2 : i32
      %dma_start3A_48 = arith.constant 2 : i32
      %dma_start3A_49 = arith.constant 0 : i32
      %dma_start3A_50 = arith.constant 0 : i32
      %dma_start3A_51 = tpu.memref_slice %arg6[%dma_start3A_48, %dma_start3A_49, %dma_start3A_50] : memref<16x100x64xf32, #tpu.memory_space<vmem>> -> memref<1x100x64xf32, #tpu.memory_space<vmem>>
      %dma_start3A_52 = tpu.memref_squeeze %dma_start3A_51 : memref<1x100x64xf32, #tpu.memory_space<vmem>> -> memref<100x64xf32, #tpu.memory_space<vmem>>
      %dma_start3A_53 = arith.constant 0 : i32
      %dma_start3A_54 = tpu.memref_slice %arg5[%dma_start3A_47, %dma_start3A_53] : memref<16x100xi32, #tpu.memory_space<vmem>> -> memref<1x100xi32, #tpu.memory_space<vmem>>
      %dma_start3A_55 = tpu.memref_squeeze %dma_start3A_54 : memref<1x100xi32, #tpu.memory_space<vmem>> -> memref<100xi32, #tpu.memory_space<vmem>>
      %dma_start3A_56 = arith.constant 0 : i32
      %dma_start3A_57 = arith.constant 0 : i32
      %dma_start3A_58 = tpu.memref_slice %arg3[%dma_start3A_56, %dma_start3A_57] : memref<1016064x64xf32, #tpu.memory_space<hbm>> -> memref<1016064x64xf32, #tpu.memory_space<hbm>>
      tpu.enqueue_indirect_dma source(%dma_start3A_58 : memref<1016064x64xf32, #tpu.memory_space<hbm>>) target(%dma_start3A_52 : memref<100x64xf32, #tpu.memory_space<vmem>>) offsets(%dma_start3A_55 : memref<100xi32, #tpu.memory_space<vmem>>) semaphore(%arg8 : memref<!tpu.dma_semaphore, #tpu.memory_space<semaphore_mem>>)
      %dma_start3A_59 = arith.constant 3 : i32
      %dma_start3A_60 = arith.constant 3 : i32
      %dma_start3A_61 = arith.constant 0 : i32
      %dma_start3A_62 = arith.constant 0 : i32
      %dma_start3A_63 = tpu.memref_slice %arg6[%dma_start3A_60, %dma_start3A_61, %dma_start3A_62] : memref<16x100x64xf32, #tpu.memory_space<vmem>> -> memref<1x100x64xf32, #tpu.memory_space<vmem>>
      %dma_start3A_64 = tpu.memref_squeeze %dma_start3A_63 : memref<1x100x64xf32, #tpu.memory_space<vmem>> -> memref<100x64xf32, #tpu.memory_space<vmem>>
      %dma_start3A_65 = arith.constant 0 : i32
      %dma_start3A_66 = tpu.memref_slice %arg5[%dma_start3A_59, %dma_start3A_65] : memref<16x100xi32, #tpu.memory_space<vmem>> -> memref<1x100xi32, #tpu.memory_space<vmem>>
      %dma_start3A_67 = tpu.memref_squeeze %dma_start3A_66 : memref<1x100xi32, #tpu.memory_space<vmem>> -> memref<100xi32, #tpu.memory_space<vmem>>
      %dma_start3A_68 = arith.constant 0 : i32
      %dma_start3A_69 = arith.constant 0 : i32
      %dma_start3A_70 = tpu.memref_slice %arg3[%dma_start3A_68, %dma_start3A_69] : memref<1016064x64xf32, #tpu.memory_space<hbm>> -> memref<1016064x64xf32, #tpu.memory_space<hbm>>
      tpu.enqueue_indirect_dma source(%dma_start3A_70 : memref<1016064x64xf32, #tpu.memory_space<hbm>>) target(%dma_start3A_64 : memref<100x64xf32, #tpu.memory_space<vmem>>) offsets(%dma_start3A_67 : memref<100xi32, #tpu.memory_space<vmem>>) semaphore(%arg8 : memref<!tpu.dma_semaphore, #tpu.memory_space<semaphore_mem>>)
      %dma_start3A_71 = arith.constant 4 : i32
      %dma_start3A_72 = arith.constant 4 : i32
      %dma_start3A_73 = arith.constant 0 : i32
      %dma_start3A_74 = arith.constant 0 : i32
      %dma_start3A_75 = tpu.memref_slice %arg6[%dma_start3A_72, %dma_start3A_73, %dma_start3A_74] : memref<16x100x64xf32, #tpu.memory_space<vmem>> -> memref<1x100x64xf32, #tpu.memory_space<vmem>>
      %dma_start3A_76 = tpu.memref_squeeze %dma_start3A_75 : memref<1x100x64xf32, #tpu.memory_space<vmem>> -> memref<100x64xf32, #tpu.memory_space<vmem>>
      %dma_start3A_77 = arith.constant 0 : i32
      %dma_start3A_78 = tpu.memref_slice %arg5[%dma_start3A_71, %dma_start3A_77] : memref<16x100xi32, #tpu.memory_space<vmem>> -> memref<1x100xi32, #tpu.memory_space<vmem>>
      %dma_start3A_79 = tpu.memref_squeeze %dma_start3A_78 : memref<1x100xi32, #tpu.memory_space<vmem>> -> memref<100xi32, #tpu.memory_space<vmem>>
      %dma_start3A_80 = arith.constant 0 : i32
      %dma_start3A_81 = arith.constant 0 : i32
      %dma_start3A_82 = tpu.memref_slice %arg3[%dma_start3A_80, %dma_start3A_81] : memref<1016064x64xf32, #tpu.memory_space<hbm>> -> memref<1016064x64xf32, #tpu.memory_space<hbm>>
      tpu.enqueue_indirect_dma source(%dma_start3A_82 : memref<1016064x64xf32, #tpu.memory_space<hbm>>) target(%dma_start3A_76 : memref<100x64xf32, #tpu.memory_space<vmem>>) offsets(%dma_start3A_79 : memref<100xi32, #tpu.memory_space<vmem>>) semaphore(%arg8 : memref<!tpu.dma_semaphore, #tpu.memory_space<semaphore_mem>>)
      %dma_start3A_83 = arith.constant 5 : i32
      %dma_start3A_84 = arith.constant 5 : i32
      %dma_start3A_85 = arith.constant 0 : i32
      %dma_start3A_86 = arith.constant 0 : i32
      %dma_start3A_87 = tpu.memref_slice %arg6[%dma_start3A_84, %dma_start3A_85, %dma_start3A_86] : memref<16x100x64xf32, #tpu.memory_space<vmem>> -> memref<1x100x64xf32, #tpu.memory_space<vmem>>
      %dma_start3A_88 = tpu.memref_squeeze %dma_start3A_87 : memref<1x100x64xf32, #tpu.memory_space<vmem>> -> memref<100x64xf32, #tpu.memory_space<vmem>>
      %dma_start3A_89 = arith.constant 0 : i32
      %dma_start3A_90 = tpu.memref_slice %arg5[%dma_start3A_83, %dma_start3A_89] : memref<16x100xi32, #tpu.memory_space<vmem>> -> memref<1x100xi32, #tpu.memory_space<vmem>>
      %dma_start3A_91 = tpu.memref_squeeze %dma_start3A_90 : memref<1x100xi32, #tpu.memory_space<vmem>> -> memref<100xi32, #tpu.memory_space<vmem>>
      %dma_start3A_92 = arith.constant 0 : i32
      %dma_start3A_93 = arith.constant 0 : i32
      %dma_start3A_94 = tpu.memref_slice %arg3[%dma_start3A_92, %dma_start3A_93] : memref<1016064x64xf32, #tpu.memory_space<hbm>> -> memref<1016064x64xf32, #tpu.memory_space<hbm>>
      tpu.enqueue_indirect_dma source(%dma_start3A_94 : memref<1016064x64xf32, #tpu.memory_space<hbm>>) target(%dma_start3A_88 : memref<100x64xf32, #tpu.memory_space<vmem>>) offsets(%dma_start3A_91 : memref<100xi32, #tpu.memory_space<vmem>>) semaphore(%arg8 : memref<!tpu.dma_semaphore, #tpu.memory_space<semaphore_mem>>)
      %dma_start3A_95 = arith.constant 6 : i32
      %dma_start3A_96 = arith.constant 6 : i32
      %dma_start3A_97 = arith.constant 0 : i32
      %dma_start3A_98 = arith.constant 0 : i32
      %dma_start3A_99 = tpu.memref_slice %arg6[%dma_start3A_96, %dma_start3A_97, %dma_start3A_98] : memref<16x100x64xf32, #tpu.memory_space<vmem>> -> memref<1x100x64xf32, #tpu.memory_space<vmem>>
      %dma_start3A_100 = tpu.memref_squeeze %dma_start3A_99 : memref<1x100x64xf32, #tpu.memory_space<vmem>> -> memref<100x64xf32, #tpu.memory_space<vmem>>
      %dma_start3A_101 = arith.constant 0 : i32
      %dma_start3A_102 = tpu.memref_slice %arg5[%dma_start3A_95, %dma_start3A_101] : memref<16x100xi32, #tpu.memory_space<vmem>> -> memref<1x100xi32, #tpu.memory_space<vmem>>
      %dma_start3A_103 = tpu.memref_squeeze %dma_start3A_102 : memref<1x100xi32, #tpu.memory_space<vmem>> -> memref<100xi32, #tpu.memory_space<vmem>>
      %dma_start3A_104 = arith.constant 0 : i32
      %dma_start3A_105 = arith.constant 0 : i32
      %dma_start3A_106 = tpu.memref_slice %arg3[%dma_start3A_104, %dma_start3A_105] : memref<1016064x64xf32, #tpu.memory_space<hbm>> -> memref<1016064x64xf32, #tpu.memory_space<hbm>>
      tpu.enqueue_indirect_dma source(%dma_start3A_106 : memref<1016064x64xf32, #tpu.memory_space<hbm>>) target(%dma_start3A_100 : memref<100x64xf32, #tpu.memory_space<vmem>>) offsets(%dma_start3A_103 : memref<100xi32, #tpu.memory_space<vmem>>) semaphore(%arg8 : memref<!tpu.dma_semaphore, #tpu.memory_space<semaphore_mem>>)
      %dma_start3A_107 = arith.constant 7 : i32
      %dma_start3A_108 = arith.constant 7 : i32
      %dma_start3A_109 = arith.constant 0 : i32
      %dma_start3A_110 = arith.constant 0 : i32
      %dma_start3A_111 = tpu.memref_slice %arg6[%dma_start3A_108, %dma_start3A_109, %dma_start3A_110] : memref<16x100x64xf32, #tpu.memory_space<vmem>> -> memref<1x100x64xf32, #tpu.memory_space<vmem>>
      %dma_start3A_112 = tpu.memref_squeeze %dma_start3A_111 : memref<1x100x64xf32, #tpu.memory_space<vmem>> -> memref<100x64xf32, #tpu.memory_space<vmem>>
      %dma_start3A_113 = arith.constant 0 : i32
      %dma_start3A_114 = tpu.memref_slice %arg5[%dma_start3A_107, %dma_start3A_113] : memref<16x100xi32, #tpu.memory_space<vmem>> -> memref<1x100xi32, #tpu.memory_space<vmem>>
      %dma_start3A_115 = tpu.memref_squeeze %dma_start3A_114 : memref<1x100xi32, #tpu.memory_space<vmem>> -> memref<100xi32, #tpu.memory_space<vmem>>
      %dma_start3A_116 = arith.constant 0 : i32
      %dma_start3A_117 = arith.constant 0 : i32
      %dma_start3A_118 = tpu.memref_slice %arg3[%dma_start3A_116, %dma_start3A_117] : memref<1016064x64xf32, #tpu.memory_space<hbm>> -> memref<1016064x64xf32, #tpu.memory_space<hbm>>
      tpu.enqueue_indirect_dma source(%dma_start3A_118 : memref<1016064x64xf32, #tpu.memory_space<hbm>>) target(%dma_start3A_112 : memref<100x64xf32, #tpu.memory_space<vmem>>) offsets(%dma_start3A_115 : memref<100xi32, #tpu.memory_space<vmem>>) semaphore(%arg8 : memref<!tpu.dma_semaphore, #tpu.memory_space<semaphore_mem>>)
      %dma_start3A_119 = arith.constant 8 : i32
      %dma_start3A_120 = arith.constant 8 : i32
      %dma_start3A_121 = arith.constant 0 : i32
      %dma_start3A_122 = arith.constant 0 : i32
      %dma_start3A_123 = tpu.memref_slice %arg6[%dma_start3A_120, %dma_start3A_121, %dma_start3A_122] : memref<16x100x64xf32, #tpu.memory_space<vmem>> -> memref<1x100x64xf32, #tpu.memory_space<vmem>>
      %dma_start3A_124 = tpu.memref_squeeze %dma_start3A_123 : memref<1x100x64xf32, #tpu.memory_space<vmem>> -> memref<100x64xf32, #tpu.memory_space<vmem>>
      %dma_start3A_125 = arith.constant 0 : i32
      %dma_start3A_126 = tpu.memref_slice %arg5[%dma_start3A_119, %dma_start3A_125] : memref<16x100xi32, #tpu.memory_space<vmem>> -> memref<1x100xi32, #tpu.memory_space<vmem>>
      %dma_start3A_127 = tpu.memref_squeeze %dma_start3A_126 : memref<1x100xi32, #tpu.memory_space<vmem>> -> memref<100xi32, #tpu.memory_space<vmem>>
      %dma_start3A_128 = arith.constant 0 : i32
      %dma_start3A_129 = arith.constant 0 : i32
      %dma_start3A_130 = tpu.memref_slice %arg3[%dma_start3A_128, %dma_start3A_129] : memref<1016064x64xf32, #tpu.memory_space<hbm>> -> memref<1016064x64xf32, #tpu.memory_space<hbm>>
      tpu.enqueue_indirect_dma source(%dma_start3A_130 : memref<1016064x64xf32, #tpu.memory_space<hbm>>) target(%dma_start3A_124 : memref<100x64xf32, #tpu.memory_space<vmem>>) offsets(%dma_start3A_127 : memref<100xi32, #tpu.memory_space<vmem>>) semaphore(%arg8 : memref<!tpu.dma_semaphore, #tpu.memory_space<semaphore_mem>>)
      %dma_start3A_131 = arith.constant 9 : i32
      %dma_start3A_132 = arith.constant 9 : i32
      %dma_start3A_133 = arith.constant 0 : i32
      %dma_start3A_134 = arith.constant 0 : i32
      %dma_start3A_135 = tpu.memref_slice %arg6[%dma_start3A_132, %dma_start3A_133, %dma_start3A_134] : memref<16x100x64xf32, #tpu.memory_space<vmem>> -> memref<1x100x64xf32, #tpu.memory_space<vmem>>
      %dma_start3A_136 = tpu.memref_squeeze %dma_start3A_135 : memref<1x100x64xf32, #tpu.memory_space<vmem>> -> memref<100x64xf32, #tpu.memory_space<vmem>>
      %dma_start3A_137 = arith.constant 0 : i32
      %dma_start3A_138 = tpu.memref_slice %arg5[%dma_start3A_131, %dma_start3A_137] : memref<16x100xi32, #tpu.memory_space<vmem>> -> memref<1x100xi32, #tpu.memory_space<vmem>>
      %dma_start3A_139 = tpu.memref_squeeze %dma_start3A_138 : memref<1x100xi32, #tpu.memory_space<vmem>> -> memref<100xi32, #tpu.memory_space<vmem>>
      %dma_start3A_140 = arith.constant 0 : i32
      %dma_start3A_141 = arith.constant 0 : i32
      %dma_start3A_142 = tpu.memref_slice %arg3[%dma_start3A_140, %dma_start3A_141] : memref<1016064x64xf32, #tpu.memory_space<hbm>> -> memref<1016064x64xf32, #tpu.memory_space<hbm>>
      tpu.enqueue_indirect_dma source(%dma_start3A_142 : memref<1016064x64xf32, #tpu.memory_space<hbm>>) target(%dma_start3A_136 : memref<100x64xf32, #tpu.memory_space<vmem>>) offsets(%dma_start3A_139 : memref<100xi32, #tpu.memory_space<vmem>>) semaphore(%arg8 : memref<!tpu.dma_semaphore, #tpu.memory_space<semaphore_mem>>)
      %dma_start3A_143 = arith.constant 10 : i32
      %dma_start3A_144 = arith.constant 10 : i32
      %dma_start3A_145 = arith.constant 0 : i32
      %dma_start3A_146 = arith.constant 0 : i32
      %dma_start3A_147 = tpu.memref_slice %arg6[%dma_start3A_144, %dma_start3A_145, %dma_start3A_146] : memref<16x100x64xf32, #tpu.memory_space<vmem>> -> memref<1x100x64xf32, #tpu.memory_space<vmem>>
      %dma_start3A_148 = tpu.memref_squeeze %dma_start3A_147 : memref<1x100x64xf32, #tpu.memory_space<vmem>> -> memref<100x64xf32, #tpu.memory_space<vmem>>
      %dma_start3A_149 = arith.constant 0 : i32
      %dma_start3A_150 = tpu.memref_slice %arg5[%dma_start3A_143, %dma_start3A_149] : memref<16x100xi32, #tpu.memory_space<vmem>> -> memref<1x100xi32, #tpu.memory_space<vmem>>
      %dma_start3A_151 = tpu.memref_squeeze %dma_start3A_150 : memref<1x100xi32, #tpu.memory_space<vmem>> -> memref<100xi32, #tpu.memory_space<vmem>>
      %dma_start3A_152 = arith.constant 0 : i32
      %dma_start3A_153 = arith.constant 0 : i32
      %dma_start3A_154 = tpu.memref_slice %arg3[%dma_start3A_152, %dma_start3A_153] : memref<1016064x64xf32, #tpu.memory_space<hbm>> -> memref<1016064x64xf32, #tpu.memory_space<hbm>>
      tpu.enqueue_indirect_dma source(%dma_start3A_154 : memref<1016064x64xf32, #tpu.memory_space<hbm>>) target(%dma_start3A_148 : memref<100x64xf32, #tpu.memory_space<vmem>>) offsets(%dma_start3A_151 : memref<100xi32, #tpu.memory_space<vmem>>) semaphore(%arg8 : memref<!tpu.dma_semaphore, #tpu.memory_space<semaphore_mem>>)
      %dma_start3A_155 = arith.constant 11 : i32
      %dma_start3A_156 = arith.constant 11 : i32
      %dma_start3A_157 = arith.constant 0 : i32
      %dma_start3A_158 = arith.constant 0 : i32
      %dma_start3A_159 = tpu.memref_slice %arg6[%dma_start3A_156, %dma_start3A_157, %dma_start3A_158] : memref<16x100x64xf32, #tpu.memory_space<vmem>> -> memref<1x100x64xf32, #tpu.memory_space<vmem>>
      %dma_start3A_160 = tpu.memref_squeeze %dma_start3A_159 : memref<1x100x64xf32, #tpu.memory_space<vmem>> -> memref<100x64xf32, #tpu.memory_space<vmem>>
      %dma_start3A_161 = arith.constant 0 : i32
      %dma_start3A_162 = tpu.memref_slice %arg5[%dma_start3A_155, %dma_start3A_161] : memref<16x100xi32, #tpu.memory_space<vmem>> -> memref<1x100xi32, #tpu.memory_space<vmem>>
      %dma_start3A_163 = tpu.memref_squeeze %dma_start3A_162 : memref<1x100xi32, #tpu.memory_space<vmem>> -> memref<100xi32, #tpu.memory_space<vmem>>
      %dma_start3A_164 = arith.constant 0 : i32
      %dma_start3A_165 = arith.constant 0 : i32
      %dma_start3A_166 = tpu.memref_slice %arg3[%dma_start3A_164, %dma_start3A_165] : memref<1016064x64xf32, #tpu.memory_space<hbm>> -> memref<1016064x64xf32, #tpu.memory_space<hbm>>
      tpu.enqueue_indirect_dma source(%dma_start3A_166 : memref<1016064x64xf32, #tpu.memory_space<hbm>>) target(%dma_start3A_160 : memref<100x64xf32, #tpu.memory_space<vmem>>) offsets(%dma_start3A_163 : memref<100xi32, #tpu.memory_space<vmem>>) semaphore(%arg8 : memref<!tpu.dma_semaphore, #tpu.memory_space<semaphore_mem>>)
      %dma_start3A_167 = arith.constant 12 : i32
      %dma_start3A_168 = arith.constant 12 : i32
      %dma_start3A_169 = arith.constant 0 : i32
      %dma_start3A_170 = arith.constant 0 : i32
      %dma_start3A_171 = tpu.memref_slice %arg6[%dma_start3A_168, %dma_start3A_169, %dma_start3A_170] : memref<16x100x64xf32, #tpu.memory_space<vmem>> -> memref<1x100x64xf32, #tpu.memory_space<vmem>>
      %dma_start3A_172 = tpu.memref_squeeze %dma_start3A_171 : memref<1x100x64xf32, #tpu.memory_space<vmem>> -> memref<100x64xf32, #tpu.memory_space<vmem>>
      %dma_start3A_173 = arith.constant 0 : i32
      %dma_start3A_174 = tpu.memref_slice %arg5[%dma_start3A_167, %dma_start3A_173] : memref<16x100xi32, #tpu.memory_space<vmem>> -> memref<1x100xi32, #tpu.memory_space<vmem>>
      %dma_start3A_175 = tpu.memref_squeeze %dma_start3A_174 : memref<1x100xi32, #tpu.memory_space<vmem>> -> memref<100xi32, #tpu.memory_space<vmem>>
      %dma_start3A_176 = arith.constant 0 : i32
      %dma_start3A_177 = arith.constant 0 : i32
      %dma_start3A_178 = tpu.memref_slice %arg3[%dma_start3A_176, %dma_start3A_177] : memref<1016064x64xf32, #tpu.memory_space<hbm>> -> memref<1016064x64xf32, #tpu.memory_space<hbm>>
      tpu.enqueue_indirect_dma source(%dma_start3A_178 : memref<1016064x64xf32, #tpu.memory_space<hbm>>) target(%dma_start3A_172 : memref<100x64xf32, #tpu.memory_space<vmem>>) offsets(%dma_start3A_175 : memref<100xi32, #tpu.memory_space<vmem>>) semaphore(%arg8 : memref<!tpu.dma_semaphore, #tpu.memory_space<semaphore_mem>>)
      %dma_start3A_179 = arith.constant 13 : i32
      %dma_start3A_180 = arith.constant 13 : i32
      %dma_start3A_181 = arith.constant 0 : i32
      %dma_start3A_182 = arith.constant 0 : i32
      %dma_start3A_183 = tpu.memref_slice %arg6[%dma_start3A_180, %dma_start3A_181, %dma_start3A_182] : memref<16x100x64xf32, #tpu.memory_space<vmem>> -> memref<1x100x64xf32, #tpu.memory_space<vmem>>
      %dma_start3A_184 = tpu.memref_squeeze %dma_start3A_183 : memref<1x100x64xf32, #tpu.memory_space<vmem>> -> memref<100x64xf32, #tpu.memory_space<vmem>>
      %dma_start3A_185 = arith.constant 0 : i32
      %dma_start3A_186 = tpu.memref_slice %arg5[%dma_start3A_179, %dma_start3A_185] : memref<16x100xi32, #tpu.memory_space<vmem>> -> memref<1x100xi32, #tpu.memory_space<vmem>>
      %dma_start3A_187 = tpu.memref_squeeze %dma_start3A_186 : memref<1x100xi32, #tpu.memory_space<vmem>> -> memref<100xi32, #tpu.memory_space<vmem>>
      %dma_start3A_188 = arith.constant 0 : i32
      %dma_start3A_189 = arith.constant 0 : i32
      %dma_start3A_190 = tpu.memref_slice %arg3[%dma_start3A_188, %dma_start3A_189] : memref<1016064x64xf32, #tpu.memory_space<hbm>> -> memref<1016064x64xf32, #tpu.memory_space<hbm>>
      tpu.enqueue_indirect_dma source(%dma_start3A_190 : memref<1016064x64xf32, #tpu.memory_space<hbm>>) target(%dma_start3A_184 : memref<100x64xf32, #tpu.memory_space<vmem>>) offsets(%dma_start3A_187 : memref<100xi32, #tpu.memory_space<vmem>>) semaphore(%arg8 : memref<!tpu.dma_semaphore, #tpu.memory_space<semaphore_mem>>)
      %dma_start3A_191 = arith.constant 14 : i32
      %dma_start3A_192 = arith.constant 14 : i32
      %dma_start3A_193 = arith.constant 0 : i32
      %dma_start3A_194 = arith.constant 0 : i32
      %dma_start3A_195 = tpu.memref_slice %arg6[%dma_start3A_192, %dma_start3A_193, %dma_start3A_194] : memref<16x100x64xf32, #tpu.memory_space<vmem>> -> memref<1x100x64xf32, #tpu.memory_space<vmem>>
      %dma_start3A_196 = tpu.memref_squeeze %dma_start3A_195 : memref<1x100x64xf32, #tpu.memory_space<vmem>> -> memref<100x64xf32, #tpu.memory_space<vmem>>
      %dma_start3A_197 = arith.constant 0 : i32
      %dma_start3A_198 = tpu.memref_slice %arg5[%dma_start3A_191, %dma_start3A_197] : memref<16x100xi32, #tpu.memory_space<vmem>> -> memref<1x100xi32, #tpu.memory_space<vmem>>
      %dma_start3A_199 = tpu.memref_squeeze %dma_start3A_198 : memref<1x100xi32, #tpu.memory_space<vmem>> -> memref<100xi32, #tpu.memory_space<vmem>>
      %dma_start3A_200 = arith.constant 0 : i32
      %dma_start3A_201 = arith.constant 0 : i32
      %dma_start3A_202 = tpu.memref_slice %arg3[%dma_start3A_200, %dma_start3A_201] : memref<1016064x64xf32, #tpu.memory_space<hbm>> -> memref<1016064x64xf32, #tpu.memory_space<hbm>>
      tpu.enqueue_indirect_dma source(%dma_start3A_202 : memref<1016064x64xf32, #tpu.memory_space<hbm>>) target(%dma_start3A_196 : memref<100x64xf32, #tpu.memory_space<vmem>>) offsets(%dma_start3A_199 : memref<100xi32, #tpu.memory_space<vmem>>) semaphore(%arg8 : memref<!tpu.dma_semaphore, #tpu.memory_space<semaphore_mem>>)
      %dma_start3A_203 = arith.constant 15 : i32
      %dma_start3A_204 = arith.constant 15 : i32
      %dma_start3A_205 = arith.constant 0 : i32
      %dma_start3A_206 = arith.constant 0 : i32
      %dma_start3A_207 = tpu.memref_slice %arg6[%dma_start3A_204, %dma_start3A_205, %dma_start3A_206] : memref<16x100x64xf32, #tpu.memory_space<vmem>> -> memref<1x100x64xf32, #tpu.memory_space<vmem>>
      %dma_start3A_208 = tpu.memref_squeeze %dma_start3A_207 : memref<1x100x64xf32, #tpu.memory_space<vmem>> -> memref<100x64xf32, #tpu.memory_space<vmem>>
      %dma_start3A_209 = arith.constant 0 : i32
      %dma_start3A_210 = tpu.memref_slice %arg5[%dma_start3A_203, %dma_start3A_209] : memref<16x100xi32, #tpu.memory_space<vmem>> -> memref<1x100xi32, #tpu.memory_space<vmem>>
      %dma_start3A_211 = tpu.memref_squeeze %dma_start3A_210 : memref<1x100xi32, #tpu.memory_space<vmem>> -> memref<100xi32, #tpu.memory_space<vmem>>
      %dma_start3A_212 = arith.constant 0 : i32
      %dma_start3A_213 = arith.constant 0 : i32
      %dma_start3A_214 = tpu.memref_slice %arg3[%dma_start3A_212, %dma_start3A_213] : memref<1016064x64xf32, #tpu.memory_space<hbm>> -> memref<1016064x64xf32, #tpu.memory_space<hbm>>
      tpu.enqueue_indirect_dma source(%dma_start3A_214 : memref<1016064x64xf32, #tpu.memory_space<hbm>>) target(%dma_start3A_208 : memref<100x64xf32, #tpu.memory_space<vmem>>) offsets(%dma_start3A_211 : memref<100xi32, #tpu.memory_space<vmem>>) semaphore(%arg8 : memref<!tpu.dma_semaphore, #tpu.memory_space<semaphore_mem>>)
      %dma_wait3A = arith.constant 0 : i32
      %dma_wait3A_215 = arith.constant 0 : i32
      %dma_wait3A_216 = arith.constant 0 : i32
      %dma_wait3A_217 = arith.constant 0 : i32
      %dma_wait3A_218 = tpu.memref_slice %arg6[%dma_wait3A_215, %dma_wait3A_216, %dma_wait3A_217] : memref<16x100x64xf32, #tpu.memory_space<vmem>> -> memref<1x100x64xf32, #tpu.memory_space<vmem>>
      %dma_wait3A_219 = tpu.memref_squeeze %dma_wait3A_218 : memref<1x100x64xf32, #tpu.memory_space<vmem>> -> memref<100x64xf32, #tpu.memory_space<vmem>>
      %dma_wait3A_220 = arith.constant 0 : i32
      %dma_wait3A_221 = tpu.memref_slice %arg5[%dma_wait3A, %dma_wait3A_220] : memref<16x100xi32, #tpu.memory_space<vmem>> -> memref<1x100xi32, #tpu.memory_space<vmem>>
      %dma_wait3A_222 = tpu.memref_squeeze %dma_wait3A_221 : memref<1x100xi32, #tpu.memory_space<vmem>> -> memref<100xi32, #tpu.memory_space<vmem>>
      %dma_wait3A_223 = arith.constant 0 : i32
      %dma_wait3A_224 = arith.constant 0 : i32
      %dma_wait3A_225 = tpu.memref_slice %arg3[%dma_wait3A_223, %dma_wait3A_224] : memref<1016064x64xf32, #tpu.memory_space<hbm>> -> memref<1016064x64xf32, #tpu.memory_space<hbm>>
      tpu.wait_indirect_dma semaphore(%arg8 : memref<!tpu.dma_semaphore, #tpu.memory_space<semaphore_mem>>) src(%dma_wait3A_225 : memref<1016064x64xf32, #tpu.memory_space<hbm>>) dst(%dma_wait3A_219 : memref<100x64xf32, #tpu.memory_space<vmem>>)
      %dma_wait3A_226 = arith.constant 1 : i32
      %dma_wait3A_227 = arith.constant 1 : i32
      %dma_wait3A_228 = arith.constant 0 : i32
      %dma_wait3A_229 = arith.constant 0 : i32
      %dma_wait3A_230 = tpu.memref_slice %arg6[%dma_wait3A_227, %dma_wait3A_228, %dma_wait3A_229] : memref<16x100x64xf32, #tpu.memory_space<vmem>> -> memref<1x100x64xf32, #tpu.memory_space<vmem>>
      %dma_wait3A_231 = tpu.memref_squeeze %dma_wait3A_230 : memref<1x100x64xf32, #tpu.memory_space<vmem>> -> memref<100x64xf32, #tpu.memory_space<vmem>>
      %dma_wait3A_232 = arith.constant 0 : i32
      %dma_wait3A_233 = tpu.memref_slice %arg5[%dma_wait3A_226, %dma_wait3A_232] : memref<16x100xi32, #tpu.memory_space<vmem>> -> memref<1x100xi32, #tpu.memory_space<vmem>>
      %dma_wait3A_234 = tpu.memref_squeeze %dma_wait3A_233 : memref<1x100xi32, #tpu.memory_space<vmem>> -> memref<100xi32, #tpu.memory_space<vmem>>
      %dma_wait3A_235 = arith.constant 0 : i32
      %dma_wait3A_236 = arith.constant 0 : i32
      %dma_wait3A_237 = tpu.memref_slice %arg3[%dma_wait3A_235, %dma_wait3A_236] : memref<1016064x64xf32, #tpu.memory_space<hbm>> -> memref<1016064x64xf32, #tpu.memory_space<hbm>>
      tpu.wait_indirect_dma semaphore(%arg8 : memref<!tpu.dma_semaphore, #tpu.memory_space<semaphore_mem>>) src(%dma_wait3A_237 : memref<1016064x64xf32, #tpu.memory_space<hbm>>) dst(%dma_wait3A_231 : memref<100x64xf32, #tpu.memory_space<vmem>>)
      %dma_wait3A_238 = arith.constant 2 : i32
      %dma_wait3A_239 = arith.constant 2 : i32
      %dma_wait3A_240 = arith.constant 0 : i32
      %dma_wait3A_241 = arith.constant 0 : i32
      %dma_wait3A_242 = tpu.memref_slice %arg6[%dma_wait3A_239, %dma_wait3A_240, %dma_wait3A_241] : memref<16x100x64xf32, #tpu.memory_space<vmem>> -> memref<1x100x64xf32, #tpu.memory_space<vmem>>
      %dma_wait3A_243 = tpu.memref_squeeze %dma_wait3A_242 : memref<1x100x64xf32, #tpu.memory_space<vmem>> -> memref<100x64xf32, #tpu.memory_space<vmem>>
      %dma_wait3A_244 = arith.constant 0 : i32
      %dma_wait3A_245 = tpu.memref_slice %arg5[%dma_wait3A_238, %dma_wait3A_244] : memref<16x100xi32, #tpu.memory_space<vmem>> -> memref<1x100xi32, #tpu.memory_space<vmem>>
      %dma_wait3A_246 = tpu.memref_squeeze %dma_wait3A_245 : memref<1x100xi32, #tpu.memory_space<vmem>> -> memref<100xi32, #tpu.memory_space<vmem>>
      %dma_wait3A_247 = arith.constant 0 : i32
      %dma_wait3A_248 = arith.constant 0 : i32
      %dma_wait3A_249 = tpu.memref_slice %arg3[%dma_wait3A_247, %dma_wait3A_248] : memref<1016064x64xf32, #tpu.memory_space<hbm>> -> memref<1016064x64xf32, #tpu.memory_space<hbm>>
      tpu.wait_indirect_dma semaphore(%arg8 : memref<!tpu.dma_semaphore, #tpu.memory_space<semaphore_mem>>) src(%dma_wait3A_249 : memref<1016064x64xf32, #tpu.memory_space<hbm>>) dst(%dma_wait3A_243 : memref<100x64xf32, #tpu.memory_space<vmem>>)
      %dma_wait3A_250 = arith.constant 3 : i32
      %dma_wait3A_251 = arith.constant 3 : i32
      %dma_wait3A_252 = arith.constant 0 : i32
      %dma_wait3A_253 = arith.constant 0 : i32
      %dma_wait3A_254 = tpu.memref_slice %arg6[%dma_wait3A_251, %dma_wait3A_252, %dma_wait3A_253] : memref<16x100x64xf32, #tpu.memory_space<vmem>> -> memref<1x100x64xf32, #tpu.memory_space<vmem>>
      %dma_wait3A_255 = tpu.memref_squeeze %dma_wait3A_254 : memref<1x100x64xf32, #tpu.memory_space<vmem>> -> memref<100x64xf32, #tpu.memory_space<vmem>>
      %dma_wait3A_256 = arith.constant 0 : i32
      %dma_wait3A_257 = tpu.memref_slice %arg5[%dma_wait3A_250, %dma_wait3A_256] : memref<16x100xi32, #tpu.memory_space<vmem>> -> memref<1x100xi32, #tpu.memory_space<vmem>>
      %dma_wait3A_258 = tpu.memref_squeeze %dma_wait3A_257 : memref<1x100xi32, #tpu.memory_space<vmem>> -> memref<100xi32, #tpu.memory_space<vmem>>
      %dma_wait3A_259 = arith.constant 0 : i32
      %dma_wait3A_260 = arith.constant 0 : i32
      %dma_wait3A_261 = tpu.memref_slice %arg3[%dma_wait3A_259, %dma_wait3A_260] : memref<1016064x64xf32, #tpu.memory_space<hbm>> -> memref<1016064x64xf32, #tpu.memory_space<hbm>>
      tpu.wait_indirect_dma semaphore(%arg8 : memref<!tpu.dma_semaphore, #tpu.memory_space<semaphore_mem>>) src(%dma_wait3A_261 : memref<1016064x64xf32, #tpu.memory_space<hbm>>) dst(%dma_wait3A_255 : memref<100x64xf32, #tpu.memory_space<vmem>>)
      %dma_wait3A_262 = arith.constant 4 : i32
      %dma_wait3A_263 = arith.constant 4 : i32
      %dma_wait3A_264 = arith.constant 0 : i32
      %dma_wait3A_265 = arith.constant 0 : i32
      %dma_wait3A_266 = tpu.memref_slice %arg6[%dma_wait3A_263, %dma_wait3A_264, %dma_wait3A_265] : memref<16x100x64xf32, #tpu.memory_space<vmem>> -> memref<1x100x64xf32, #tpu.memory_space<vmem>>
      %dma_wait3A_267 = tpu.memref_squeeze %dma_wait3A_266 : memref<1x100x64xf32, #tpu.memory_space<vmem>> -> memref<100x64xf32, #tpu.memory_space<vmem>>
      %dma_wait3A_268 = arith.constant 0 : i32
      %dma_wait3A_269 = tpu.memref_slice %arg5[%dma_wait3A_262, %dma_wait3A_268] : memref<16x100xi32, #tpu.memory_space<vmem>> -> memref<1x100xi32, #tpu.memory_space<vmem>>
      %dma_wait3A_270 = tpu.memref_squeeze %dma_wait3A_269 : memref<1x100xi32, #tpu.memory_space<vmem>> -> memref<100xi32, #tpu.memory_space<vmem>>
      %dma_wait3A_271 = arith.constant 0 : i32
      %dma_wait3A_272 = arith.constant 0 : i32
      %dma_wait3A_273 = tpu.memref_slice %arg3[%dma_wait3A_271, %dma_wait3A_272] : memref<1016064x64xf32, #tpu.memory_space<hbm>> -> memref<1016064x64xf32, #tpu.memory_space<hbm>>
      tpu.wait_indirect_dma semaphore(%arg8 : memref<!tpu.dma_semaphore, #tpu.memory_space<semaphore_mem>>) src(%dma_wait3A_273 : memref<1016064x64xf32, #tpu.memory_space<hbm>>) dst(%dma_wait3A_267 : memref<100x64xf32, #tpu.memory_space<vmem>>)
      %dma_wait3A_274 = arith.constant 5 : i32
      %dma_wait3A_275 = arith.constant 5 : i32
      %dma_wait3A_276 = arith.constant 0 : i32
      %dma_wait3A_277 = arith.constant 0 : i32
      %dma_wait3A_278 = tpu.memref_slice %arg6[%dma_wait3A_275, %dma_wait3A_276, %dma_wait3A_277] : memref<16x100x64xf32, #tpu.memory_space<vmem>> -> memref<1x100x64xf32, #tpu.memory_space<vmem>>
      %dma_wait3A_279 = tpu.memref_squeeze %dma_wait3A_278 : memref<1x100x64xf32, #tpu.memory_space<vmem>> -> memref<100x64xf32, #tpu.memory_space<vmem>>
      %dma_wait3A_280 = arith.constant 0 : i32
      %dma_wait3A_281 = tpu.memref_slice %arg5[%dma_wait3A_274, %dma_wait3A_280] : memref<16x100xi32, #tpu.memory_space<vmem>> -> memref<1x100xi32, #tpu.memory_space<vmem>>
      %dma_wait3A_282 = tpu.memref_squeeze %dma_wait3A_281 : memref<1x100xi32, #tpu.memory_space<vmem>> -> memref<100xi32, #tpu.memory_space<vmem>>
      %dma_wait3A_283 = arith.constant 0 : i32
      %dma_wait3A_284 = arith.constant 0 : i32
      %dma_wait3A_285 = tpu.memref_slice %arg3[%dma_wait3A_283, %dma_wait3A_284] : memref<1016064x64xf32, #tpu.memory_space<hbm>> -> memref<1016064x64xf32, #tpu.memory_space<hbm>>
      tpu.wait_indirect_dma semaphore(%arg8 : memref<!tpu.dma_semaphore, #tpu.memory_space<semaphore_mem>>) src(%dma_wait3A_285 : memref<1016064x64xf32, #tpu.memory_space<hbm>>) dst(%dma_wait3A_279 : memref<100x64xf32, #tpu.memory_space<vmem>>)
      %dma_wait3A_286 = arith.constant 6 : i32
      %dma_wait3A_287 = arith.constant 6 : i32
      %dma_wait3A_288 = arith.constant 0 : i32
      %dma_wait3A_289 = arith.constant 0 : i32
      %dma_wait3A_290 = tpu.memref_slice %arg6[%dma_wait3A_287, %dma_wait3A_288, %dma_wait3A_289] : memref<16x100x64xf32, #tpu.memory_space<vmem>> -> memref<1x100x64xf32, #tpu.memory_space<vmem>>
      %dma_wait3A_291 = tpu.memref_squeeze %dma_wait3A_290 : memref<1x100x64xf32, #tpu.memory_space<vmem>> -> memref<100x64xf32, #tpu.memory_space<vmem>>
      %dma_wait3A_292 = arith.constant 0 : i32
      %dma_wait3A_293 = tpu.memref_slice %arg5[%dma_wait3A_286, %dma_wait3A_292] : memref<16x100xi32, #tpu.memory_space<vmem>> -> memref<1x100xi32, #tpu.memory_space<vmem>>
      %dma_wait3A_294 = tpu.memref_squeeze %dma_wait3A_293 : memref<1x100xi32, #tpu.memory_space<vmem>> -> memref<100xi32, #tpu.memory_space<vmem>>
      %dma_wait3A_295 = arith.constant 0 : i32
      %dma_wait3A_296 = arith.constant 0 : i32
      %dma_wait3A_297 = tpu.memref_slice %arg3[%dma_wait3A_295, %dma_wait3A_296] : memref<1016064x64xf32, #tpu.memory_space<hbm>> -> memref<1016064x64xf32, #tpu.memory_space<hbm>>
      tpu.wait_indirect_dma semaphore(%arg8 : memref<!tpu.dma_semaphore, #tpu.memory_space<semaphore_mem>>) src(%dma_wait3A_297 : memref<1016064x64xf32, #tpu.memory_space<hbm>>) dst(%dma_wait3A_291 : memref<100x64xf32, #tpu.memory_space<vmem>>)
      %dma_wait3A_298 = arith.constant 7 : i32
      %dma_wait3A_299 = arith.constant 7 : i32
      %dma_wait3A_300 = arith.constant 0 : i32
      %dma_wait3A_301 = arith.constant 0 : i32
      %dma_wait3A_302 = tpu.memref_slice %arg6[%dma_wait3A_299, %dma_wait3A_300, %dma_wait3A_301] : memref<16x100x64xf32, #tpu.memory_space<vmem>> -> memref<1x100x64xf32, #tpu.memory_space<vmem>>
      %dma_wait3A_303 = tpu.memref_squeeze %dma_wait3A_302 : memref<1x100x64xf32, #tpu.memory_space<vmem>> -> memref<100x64xf32, #tpu.memory_space<vmem>>
      %dma_wait3A_304 = arith.constant 0 : i32
      %dma_wait3A_305 = tpu.memref_slice %arg5[%dma_wait3A_298, %dma_wait3A_304] : memref<16x100xi32, #tpu.memory_space<vmem>> -> memref<1x100xi32, #tpu.memory_space<vmem>>
      %dma_wait3A_306 = tpu.memref_squeeze %dma_wait3A_305 : memref<1x100xi32, #tpu.memory_space<vmem>> -> memref<100xi32, #tpu.memory_space<vmem>>
      %dma_wait3A_307 = arith.constant 0 : i32
      %dma_wait3A_308 = arith.constant 0 : i32
      %dma_wait3A_309 = tpu.memref_slice %arg3[%dma_wait3A_307, %dma_wait3A_308] : memref<1016064x64xf32, #tpu.memory_space<hbm>> -> memref<1016064x64xf32, #tpu.memory_space<hbm>>
      tpu.wait_indirect_dma semaphore(%arg8 : memref<!tpu.dma_semaphore, #tpu.memory_space<semaphore_mem>>) src(%dma_wait3A_309 : memref<1016064x64xf32, #tpu.memory_space<hbm>>) dst(%dma_wait3A_303 : memref<100x64xf32, #tpu.memory_space<vmem>>)
      %dma_wait3A_310 = arith.constant 8 : i32
      %dma_wait3A_311 = arith.constant 8 : i32
      %dma_wait3A_312 = arith.constant 0 : i32
      %dma_wait3A_313 = arith.constant 0 : i32
      %dma_wait3A_314 = tpu.memref_slice %arg6[%dma_wait3A_311, %dma_wait3A_312, %dma_wait3A_313] : memref<16x100x64xf32, #tpu.memory_space<vmem>> -> memref<1x100x64xf32, #tpu.memory_space<vmem>>
      %dma_wait3A_315 = tpu.memref_squeeze %dma_wait3A_314 : memref<1x100x64xf32, #tpu.memory_space<vmem>> -> memref<100x64xf32, #tpu.memory_space<vmem>>
      %dma_wait3A_316 = arith.constant 0 : i32
      %dma_wait3A_317 = tpu.memref_slice %arg5[%dma_wait3A_310, %dma_wait3A_316] : memref<16x100xi32, #tpu.memory_space<vmem>> -> memref<1x100xi32, #tpu.memory_space<vmem>>
      %dma_wait3A_318 = tpu.memref_squeeze %dma_wait3A_317 : memref<1x100xi32, #tpu.memory_space<vmem>> -> memref<100xi32, #tpu.memory_space<vmem>>
      %dma_wait3A_319 = arith.constant 0 : i32
      %dma_wait3A_320 = arith.constant 0 : i32
      %dma_wait3A_321 = tpu.memref_slice %arg3[%dma_wait3A_319, %dma_wait3A_320] : memref<1016064x64xf32, #tpu.memory_space<hbm>> -> memref<1016064x64xf32, #tpu.memory_space<hbm>>
      tpu.wait_indirect_dma semaphore(%arg8 : memref<!tpu.dma_semaphore, #tpu.memory_space<semaphore_mem>>) src(%dma_wait3A_321 : memref<1016064x64xf32, #tpu.memory_space<hbm>>) dst(%dma_wait3A_315 : memref<100x64xf32, #tpu.memory_space<vmem>>)
      %dma_wait3A_322 = arith.constant 9 : i32
      %dma_wait3A_323 = arith.constant 9 : i32
      %dma_wait3A_324 = arith.constant 0 : i32
      %dma_wait3A_325 = arith.constant 0 : i32
      %dma_wait3A_326 = tpu.memref_slice %arg6[%dma_wait3A_323, %dma_wait3A_324, %dma_wait3A_325] : memref<16x100x64xf32, #tpu.memory_space<vmem>> -> memref<1x100x64xf32, #tpu.memory_space<vmem>>
      %dma_wait3A_327 = tpu.memref_squeeze %dma_wait3A_326 : memref<1x100x64xf32, #tpu.memory_space<vmem>> -> memref<100x64xf32, #tpu.memory_space<vmem>>
      %dma_wait3A_328 = arith.constant 0 : i32
      %dma_wait3A_329 = tpu.memref_slice %arg5[%dma_wait3A_322, %dma_wait3A_328] : memref<16x100xi32, #tpu.memory_space<vmem>> -> memref<1x100xi32, #tpu.memory_space<vmem>>
      %dma_wait3A_330 = tpu.memref_squeeze %dma_wait3A_329 : memref<1x100xi32, #tpu.memory_space<vmem>> -> memref<100xi32, #tpu.memory_space<vmem>>
      %dma_wait3A_331 = arith.constant 0 : i32
      %dma_wait3A_332 = arith.constant 0 : i32
      %dma_wait3A_333 = tpu.memref_slice %arg3[%dma_wait3A_331, %dma_wait3A_332] : memref<1016064x64xf32, #tpu.memory_space<hbm>> -> memref<1016064x64xf32, #tpu.memory_space<hbm>>
      tpu.wait_indirect_dma semaphore(%arg8 : memref<!tpu.dma_semaphore, #tpu.memory_space<semaphore_mem>>) src(%dma_wait3A_333 : memref<1016064x64xf32, #tpu.memory_space<hbm>>) dst(%dma_wait3A_327 : memref<100x64xf32, #tpu.memory_space<vmem>>)
      %dma_wait3A_334 = arith.constant 10 : i32
      %dma_wait3A_335 = arith.constant 10 : i32
      %dma_wait3A_336 = arith.constant 0 : i32
      %dma_wait3A_337 = arith.constant 0 : i32
      %dma_wait3A_338 = tpu.memref_slice %arg6[%dma_wait3A_335, %dma_wait3A_336, %dma_wait3A_337] : memref<16x100x64xf32, #tpu.memory_space<vmem>> -> memref<1x100x64xf32, #tpu.memory_space<vmem>>
      %dma_wait3A_339 = tpu.memref_squeeze %dma_wait3A_338 : memref<1x100x64xf32, #tpu.memory_space<vmem>> -> memref<100x64xf32, #tpu.memory_space<vmem>>
      %dma_wait3A_340 = arith.constant 0 : i32
      %dma_wait3A_341 = tpu.memref_slice %arg5[%dma_wait3A_334, %dma_wait3A_340] : memref<16x100xi32, #tpu.memory_space<vmem>> -> memref<1x100xi32, #tpu.memory_space<vmem>>
      %dma_wait3A_342 = tpu.memref_squeeze %dma_wait3A_341 : memref<1x100xi32, #tpu.memory_space<vmem>> -> memref<100xi32, #tpu.memory_space<vmem>>
      %dma_wait3A_343 = arith.constant 0 : i32
      %dma_wait3A_344 = arith.constant 0 : i32
      %dma_wait3A_345 = tpu.memref_slice %arg3[%dma_wait3A_343, %dma_wait3A_344] : memref<1016064x64xf32, #tpu.memory_space<hbm>> -> memref<1016064x64xf32, #tpu.memory_space<hbm>>
      tpu.wait_indirect_dma semaphore(%arg8 : memref<!tpu.dma_semaphore, #tpu.memory_space<semaphore_mem>>) src(%dma_wait3A_345 : memref<1016064x64xf32, #tpu.memory_space<hbm>>) dst(%dma_wait3A_339 : memref<100x64xf32, #tpu.memory_space<vmem>>)
      %dma_wait3A_346 = arith.constant 11 : i32
      %dma_wait3A_347 = arith.constant 11 : i32
      %dma_wait3A_348 = arith.constant 0 : i32
      %dma_wait3A_349 = arith.constant 0 : i32
      %dma_wait3A_350 = tpu.memref_slice %arg6[%dma_wait3A_347, %dma_wait3A_348, %dma_wait3A_349] : memref<16x100x64xf32, #tpu.memory_space<vmem>> -> memref<1x100x64xf32, #tpu.memory_space<vmem>>
      %dma_wait3A_351 = tpu.memref_squeeze %dma_wait3A_350 : memref<1x100x64xf32, #tpu.memory_space<vmem>> -> memref<100x64xf32, #tpu.memory_space<vmem>>
      %dma_wait3A_352 = arith.constant 0 : i32
      %dma_wait3A_353 = tpu.memref_slice %arg5[%dma_wait3A_346, %dma_wait3A_352] : memref<16x100xi32, #tpu.memory_space<vmem>> -> memref<1x100xi32, #tpu.memory_space<vmem>>
      %dma_wait3A_354 = tpu.memref_squeeze %dma_wait3A_353 : memref<1x100xi32, #tpu.memory_space<vmem>> -> memref<100xi32, #tpu.memory_space<vmem>>
      %dma_wait3A_355 = arith.constant 0 : i32
      %dma_wait3A_356 = arith.constant 0 : i32
      %dma_wait3A_357 = tpu.memref_slice %arg3[%dma_wait3A_355, %dma_wait3A_356] : memref<1016064x64xf32, #tpu.memory_space<hbm>> -> memref<1016064x64xf32, #tpu.memory_space<hbm>>
      tpu.wait_indirect_dma semaphore(%arg8 : memref<!tpu.dma_semaphore, #tpu.memory_space<semaphore_mem>>) src(%dma_wait3A_357 : memref<1016064x64xf32, #tpu.memory_space<hbm>>) dst(%dma_wait3A_351 : memref<100x64xf32, #tpu.memory_space<vmem>>)
      %dma_wait3A_358 = arith.constant 12 : i32
      %dma_wait3A_359 = arith.constant 12 : i32
      %dma_wait3A_360 = arith.constant 0 : i32
      %dma_wait3A_361 = arith.constant 0 : i32
      %dma_wait3A_362 = tpu.memref_slice %arg6[%dma_wait3A_359, %dma_wait3A_360, %dma_wait3A_361] : memref<16x100x64xf32, #tpu.memory_space<vmem>> -> memref<1x100x64xf32, #tpu.memory_space<vmem>>
      %dma_wait3A_363 = tpu.memref_squeeze %dma_wait3A_362 : memref<1x100x64xf32, #tpu.memory_space<vmem>> -> memref<100x64xf32, #tpu.memory_space<vmem>>
      %dma_wait3A_364 = arith.constant 0 : i32
      %dma_wait3A_365 = tpu.memref_slice %arg5[%dma_wait3A_358, %dma_wait3A_364] : memref<16x100xi32, #tpu.memory_space<vmem>> -> memref<1x100xi32, #tpu.memory_space<vmem>>
      %dma_wait3A_366 = tpu.memref_squeeze %dma_wait3A_365 : memref<1x100xi32, #tpu.memory_space<vmem>> -> memref<100xi32, #tpu.memory_space<vmem>>
      %dma_wait3A_367 = arith.constant 0 : i32
      %dma_wait3A_368 = arith.constant 0 : i32
      %dma_wait3A_369 = tpu.memref_slice %arg3[%dma_wait3A_367, %dma_wait3A_368] : memref<1016064x64xf32, #tpu.memory_space<hbm>> -> memref<1016064x64xf32, #tpu.memory_space<hbm>>
      tpu.wait_indirect_dma semaphore(%arg8 : memref<!tpu.dma_semaphore, #tpu.memory_space<semaphore_mem>>) src(%dma_wait3A_369 : memref<1016064x64xf32, #tpu.memory_space<hbm>>) dst(%dma_wait3A_363 : memref<100x64xf32, #tpu.memory_space<vmem>>)
      %dma_wait3A_370 = arith.constant 13 : i32
      %dma_wait3A_371 = arith.constant 13 : i32
      %dma_wait3A_372 = arith.constant 0 : i32
      %dma_wait3A_373 = arith.constant 0 : i32
      %dma_wait3A_374 = tpu.memref_slice %arg6[%dma_wait3A_371, %dma_wait3A_372, %dma_wait3A_373] : memref<16x100x64xf32, #tpu.memory_space<vmem>> -> memref<1x100x64xf32, #tpu.memory_space<vmem>>
      %dma_wait3A_375 = tpu.memref_squeeze %dma_wait3A_374 : memref<1x100x64xf32, #tpu.memory_space<vmem>> -> memref<100x64xf32, #tpu.memory_space<vmem>>
      %dma_wait3A_376 = arith.constant 0 : i32
      %dma_wait3A_377 = tpu.memref_slice %arg5[%dma_wait3A_370, %dma_wait3A_376] : memref<16x100xi32, #tpu.memory_space<vmem>> -> memref<1x100xi32, #tpu.memory_space<vmem>>
      %dma_wait3A_378 = tpu.memref_squeeze %dma_wait3A_377 : memref<1x100xi32, #tpu.memory_space<vmem>> -> memref<100xi32, #tpu.memory_space<vmem>>
      %dma_wait3A_379 = arith.constant 0 : i32
      %dma_wait3A_380 = arith.constant 0 : i32
      %dma_wait3A_381 = tpu.memref_slice %arg3[%dma_wait3A_379, %dma_wait3A_380] : memref<1016064x64xf32, #tpu.memory_space<hbm>> -> memref<1016064x64xf32, #tpu.memory_space<hbm>>
      tpu.wait_indirect_dma semaphore(%arg8 : memref<!tpu.dma_semaphore, #tpu.memory_space<semaphore_mem>>) src(%dma_wait3A_381 : memref<1016064x64xf32, #tpu.memory_space<hbm>>) dst(%dma_wait3A_375 : memref<100x64xf32, #tpu.memory_space<vmem>>)
      %dma_wait3A_382 = arith.constant 14 : i32
      %dma_wait3A_383 = arith.constant 14 : i32
      %dma_wait3A_384 = arith.constant 0 : i32
      %dma_wait3A_385 = arith.constant 0 : i32
      %dma_wait3A_386 = tpu.memref_slice %arg6[%dma_wait3A_383, %dma_wait3A_384, %dma_wait3A_385] : memref<16x100x64xf32, #tpu.memory_space<vmem>> -> memref<1x100x64xf32, #tpu.memory_space<vmem>>
      %dma_wait3A_387 = tpu.memref_squeeze %dma_wait3A_386 : memref<1x100x64xf32, #tpu.memory_space<vmem>> -> memref<100x64xf32, #tpu.memory_space<vmem>>
      %dma_wait3A_388 = arith.constant 0 : i32
      %dma_wait3A_389 = tpu.memref_slice %arg5[%dma_wait3A_382, %dma_wait3A_388] : memref<16x100xi32, #tpu.memory_space<vmem>> -> memref<1x100xi32, #tpu.memory_space<vmem>>
      %dma_wait3A_390 = tpu.memref_squeeze %dma_wait3A_389 : memref<1x100xi32, #tpu.memory_space<vmem>> -> memref<100xi32, #tpu.memory_space<vmem>>
      %dma_wait3A_391 = arith.constant 0 : i32
      %dma_wait3A_392 = arith.constant 0 : i32
      %dma_wait3A_393 = tpu.memref_slice %arg3[%dma_wait3A_391, %dma_wait3A_392] : memref<1016064x64xf32, #tpu.memory_space<hbm>> -> memref<1016064x64xf32, #tpu.memory_space<hbm>>
      tpu.wait_indirect_dma semaphore(%arg8 : memref<!tpu.dma_semaphore, #tpu.memory_space<semaphore_mem>>) src(%dma_wait3A_393 : memref<1016064x64xf32, #tpu.memory_space<hbm>>) dst(%dma_wait3A_387 : memref<100x64xf32, #tpu.memory_space<vmem>>)
      %dma_wait3A_394 = arith.constant 15 : i32
      %dma_wait3A_395 = arith.constant 15 : i32
      %dma_wait3A_396 = arith.constant 0 : i32
      %dma_wait3A_397 = arith.constant 0 : i32
      %dma_wait3A_398 = tpu.memref_slice %arg6[%dma_wait3A_395, %dma_wait3A_396, %dma_wait3A_397] : memref<16x100x64xf32, #tpu.memory_space<vmem>> -> memref<1x100x64xf32, #tpu.memory_space<vmem>>
      %dma_wait3A_399 = tpu.memref_squeeze %dma_wait3A_398 : memref<1x100x64xf32, #tpu.memory_space<vmem>> -> memref<100x64xf32, #tpu.memory_space<vmem>>
      %dma_wait3A_400 = arith.constant 0 : i32
      %dma_wait3A_401 = tpu.memref_slice %arg5[%dma_wait3A_394, %dma_wait3A_400] : memref<16x100xi32, #tpu.memory_space<vmem>> -> memref<1x100xi32, #tpu.memory_space<vmem>>
      %dma_wait3A_402 = tpu.memref_squeeze %dma_wait3A_401 : memref<1x100xi32, #tpu.memory_space<vmem>> -> memref<100xi32, #tpu.memory_space<vmem>>
      %dma_wait3A_403 = arith.constant 0 : i32
      %dma_wait3A_404 = arith.constant 0 : i32
      %dma_wait3A_405 = tpu.memref_slice %arg3[%dma_wait3A_403, %dma_wait3A_404] : memref<1016064x64xf32, #tpu.memory_space<hbm>> -> memref<1016064x64xf32, #tpu.memory_space<hbm>>
      tpu.wait_indirect_dma semaphore(%arg8 : memref<!tpu.dma_semaphore, #tpu.memory_space<semaphore_mem>>) src(%dma_wait3A_405 : memref<1016064x64xf32, #tpu.memory_space<hbm>>) dst(%dma_wait3A_399 : memref<100x64xf32, #tpu.memory_space<vmem>>)
      %broadcast_in_dim3A_406 = arith.constant 0.000000e+00 : f32
      %broadcast_in_dim3A_407 = vector.broadcast %broadcast_in_dim3A_406 : f32 to vector<16xf32>
      %broadcast_in_dim3A_408 = arith.constant 0.000000e+00 : f32
      %broadcast_in_dim3A_409 = vector.broadcast %broadcast_in_dim3A_408 : f32 to vector<16xf32>
      %broadcast_in_dim3A_410 = arith.constant 0.000000e+00 : f32
      %broadcast_in_dim3A_411 = vector.broadcast %broadcast_in_dim3A_410 : f32 to vector<16xf32>
      %broadcast_in_dim3A_412 = arith.constant 0.000000e+00 : f32
      %broadcast_in_dim3A_413 = vector.broadcast %broadcast_in_dim3A_412 : f32 to vector<16xf32>
      %scan3A_414 = arith.constant 0 : i32
      %scan3A_415 = arith.constant 100 : i32
      %scan3A_416 = arith.addi %scan3A_414, %scan3A_415 : i32
      %scan3A_417 = arith.constant 2 : i32
      %scan3A_418:4 = scf.for %scan3A_773 = %scan3A_414 to %scan3A_416 step %scan3A_417 iter_args(%scan3A_774 = %broadcast_in_dim3A_407, %scan3A_775 = %broadcast_in_dim3A_409, %scan3A_776 = %broadcast_in_dim3A_411, %scan3A_777 = %broadcast_in_dim3A_413) -> (vector<16xf32>, vector<16xf32>, vector<16xf32>, vector<16xf32>)  : i32 {
        %get3A = arith.constant 0 : i32
        %get3A_778 = arith.index_cast %get3A : i32 to index
        %get3A_779 = arith.index_cast %scan3A_773 : i32 to index
        %get3A_780 = arith.constant 0 : index
        %get3A_781 = tpu.vector_load %arg6[%get3A_778, %get3A_779, %get3A_780] {strides = array<i32>} : memref<16x100x64xf32, #tpu.memory_space<vmem>>, vector<1x1x16xf32>,
        %get3A_782 = vector.shape_cast %get3A_781 : vector<1x1x16xf32> to vector<16xf32>
        %add3A_783 = arith.addf %scan3A_774, %get3A_782 : vector<16xf32>
        %get3A_784 = arith.constant 1 : i32
        %get3A_785 = arith.index_cast %get3A_784 : i32 to index
        %get3A_786 = arith.index_cast %scan3A_773 : i32 to index
        %get3A_787 = arith.constant 0 : index
        %get3A_788 = tpu.vector_load %arg6[%get3A_785, %get3A_786, %get3A_787] {strides = array<i32>} : memref<16x100x64xf32, #tpu.memory_space<vmem>>, vector<1x1x16xf32>,
        %get3A_789 = vector.shape_cast %get3A_788 : vector<1x1x16xf32> to vector<16xf32>
        %add3A_790 = arith.addf %add3A_783, %get3A_789 : vector<16xf32>
        %get3A_791 = arith.constant 0 : i32
        %get3A_792 = arith.index_cast %get3A_791 : i32 to index
        %get3A_793 = arith.index_cast %scan3A_773 : i32 to index
        %get3A_794 = arith.constant 16 : index
        %get3A_795 = tpu.vector_load %arg6[%get3A_792, %get3A_793, %get3A_794] {strides = array<i32>} : memref<16x100x64xf32, #tpu.memory_space<vmem>>, vector<1x1x16xf32>,
        %get3A_796 = vector.shape_cast %get3A_795 : vector<1x1x16xf32> to vector<16xf32>
        %add3A_797 = arith.addf %scan3A_775, %get3A_796 : vector<16xf32>
        %get3A_798 = arith.constant 1 : i32
        %get3A_799 = arith.index_cast %get3A_798 : i32 to index
        %get3A_800 = arith.index_cast %scan3A_773 : i32 to index
        %get3A_801 = arith.constant 16 : index
        %get3A_802 = tpu.vector_load %arg6[%get3A_799, %get3A_800, %get3A_801] {strides = array<i32>} : memref<16x100x64xf32, #tpu.memory_space<vmem>>, vector<1x1x16xf32>,
        %get3A_803 = vector.shape_cast %get3A_802 : vector<1x1x16xf32> to vector<16xf32>
        %add3A_804 = arith.addf %add3A_797, %get3A_803 : vector<16xf32>
        %get3A_805 = arith.constant 0 : i32
        %get3A_806 = arith.index_cast %get3A_805 : i32 to index
        %get3A_807 = arith.index_cast %scan3A_773 : i32 to index
        %get3A_808 = arith.constant 32 : index
        %get3A_809 = tpu.vector_load %arg6[%get3A_806, %get3A_807, %get3A_808] {strides = array<i32>} : memref<16x100x64xf32, #tpu.memory_space<vmem>>, vector<1x1x16xf32>,
        %get3A_810 = vector.shape_cast %get3A_809 : vector<1x1x16xf32> to vector<16xf32>
        %add3A_811 = arith.addf %scan3A_776, %get3A_810 : vector<16xf32>
        %get3A_812 = arith.constant 1 : i32
        %get3A_813 = arith.index_cast %get3A_812 : i32 to index
        %get3A_814 = arith.index_cast %scan3A_773 : i32 to index
        %get3A_815 = arith.constant 32 : index
        %get3A_816 = tpu.vector_load %arg6[%get3A_813, %get3A_814, %get3A_815] {strides = array<i32>} : memref<16x100x64xf32, #tpu.memory_space<vmem>>, vector<1x1x16xf32>,
        %get3A_817 = vector.shape_cast %get3A_816 : vector<1x1x16xf32> to vector<16xf32>
        %add3A_818 = arith.addf %add3A_811, %get3A_817 : vector<16xf32>
        %get3A_819 = arith.constant 0 : i32
        %get3A_820 = arith.index_cast %get3A_819 : i32 to index
        %get3A_821 = arith.index_cast %scan3A_773 : i32 to index
        %get3A_822 = arith.constant 48 : index
        %get3A_823 = tpu.vector_load %arg6[%get3A_820, %get3A_821, %get3A_822] {strides = array<i32>} : memref<16x100x64xf32, #tpu.memory_space<vmem>>, vector<1x1x16xf32>,
        %get3A_824 = vector.shape_cast %get3A_823 : vector<1x1x16xf32> to vector<16xf32>
        %add3A_825 = arith.addf %scan3A_777, %get3A_824 : vector<16xf32>
        %get3A_826 = arith.constant 1 : i32
        %get3A_827 = arith.index_cast %get3A_826 : i32 to index
        %get3A_828 = arith.index_cast %scan3A_773 : i32 to index
        %get3A_829 = arith.constant 48 : index
        %get3A_830 = tpu.vector_load %arg6[%get3A_827, %get3A_828, %get3A_829] {strides = array<i32>} : memref<16x100x64xf32, #tpu.memory_space<vmem>>, vector<1x1x16xf32>,
        %get3A_831 = vector.shape_cast %get3A_830 : vector<1x1x16xf32> to vector<16xf32>
        %add3A_832 = arith.addf %add3A_825, %get3A_831 : vector<16xf32>
        %scan3A_833 = arith.constant 1 : i32
        %scan3A_834 = arith.addi %scan3A_773, %scan3A_833 : i32
        %get3A_835 = arith.constant 0 : i32
        %get3A_836 = arith.index_cast %get3A_835 : i32 to index
        %get3A_837 = arith.index_cast %scan3A_834 : i32 to index
        %get3A_838 = arith.constant 0 : index
        %get3A_839 = tpu.vector_load %arg6[%get3A_836, %get3A_837, %get3A_838] {strides = array<i32>} : memref<16x100x64xf32, #tpu.memory_space<vmem>>, vector<1x1x16xf32>,
        %get3A_840 = vector.shape_cast %get3A_839 : vector<1x1x16xf32> to vector<16xf32>
        %add3A_841 = arith.addf %add3A_790, %get3A_840 : vector<16xf32>
        %get3A_842 = arith.constant 1 : i32
        %get3A_843 = arith.index_cast %get3A_842 : i32 to index
        %get3A_844 = arith.index_cast %scan3A_834 : i32 to index
        %get3A_845 = arith.constant 0 : index
        %get3A_846 = tpu.vector_load %arg6[%get3A_843, %get3A_844, %get3A_845] {strides = array<i32>} : memref<16x100x64xf32, #tpu.memory_space<vmem>>, vector<1x1x16xf32>,
        %get3A_847 = vector.shape_cast %get3A_846 : vector<1x1x16xf32> to vector<16xf32>
        %add3A_848 = arith.addf %add3A_841, %get3A_847 : vector<16xf32>
        %get3A_849 = arith.constant 0 : i32
        %get3A_850 = arith.index_cast %get3A_849 : i32 to index
        %get3A_851 = arith.index_cast %scan3A_834 : i32 to index
        %get3A_852 = arith.constant 16 : index
        %get3A_853 = tpu.vector_load %arg6[%get3A_850, %get3A_851, %get3A_852] {strides = array<i32>} : memref<16x100x64xf32, #tpu.memory_space<vmem>>, vector<1x1x16xf32>,
        %get3A_854 = vector.shape_cast %get3A_853 : vector<1x1x16xf32> to vector<16xf32>
        %add3A_855 = arith.addf %add3A_804, %get3A_854 : vector<16xf32>
        %get3A_856 = arith.constant 1 : i32
        %get3A_857 = arith.index_cast %get3A_856 : i32 to index
        %get3A_858 = arith.index_cast %scan3A_834 : i32 to index
        %get3A_859 = arith.constant 16 : index
        %get3A_860 = tpu.vector_load %arg6[%get3A_857, %get3A_858, %get3A_859] {strides = array<i32>} : memref<16x100x64xf32, #tpu.memory_space<vmem>>, vector<1x1x16xf32>,
        %get3A_861 = vector.shape_cast %get3A_860 : vector<1x1x16xf32> to vector<16xf32>
        %add3A_862 = arith.addf %add3A_855, %get3A_861 : vector<16xf32>
        %get3A_863 = arith.constant 0 : i32
        %get3A_864 = arith.index_cast %get3A_863 : i32 to index
        %get3A_865 = arith.index_cast %scan3A_834 : i32 to index
        %get3A_866 = arith.constant 32 : index
        %get3A_867 = tpu.vector_load %arg6[%get3A_864, %get3A_865, %get3A_866] {strides = array<i32>} : memref<16x100x64xf32, #tpu.memory_space<vmem>>, vector<1x1x16xf32>,
        %get3A_868 = vector.shape_cast %get3A_867 : vector<1x1x16xf32> to vector<16xf32>
        %add3A_869 = arith.addf %add3A_818, %get3A_868 : vector<16xf32>
        %get3A_870 = arith.constant 1 : i32
        %get3A_871 = arith.index_cast %get3A_870 : i32 to index
        %get3A_872 = arith.index_cast %scan3A_834 : i32 to index
        %get3A_873 = arith.constant 32 : index
        %get3A_874 = tpu.vector_load %arg6[%get3A_871, %get3A_872, %get3A_873] {strides = array<i32>} : memref<16x100x64xf32, #tpu.memory_space<vmem>>, vector<1x1x16xf32>,
        %get3A_875 = vector.shape_cast %get3A_874 : vector<1x1x16xf32> to vector<16xf32>
        %add3A_876 = arith.addf %add3A_869, %get3A_875 : vector<16xf32>
        %get3A_877 = arith.constant 0 : i32
        %get3A_878 = arith.index_cast %get3A_877 : i32 to index
        %get3A_879 = arith.index_cast %scan3A_834 : i32 to index
        %get3A_880 = arith.constant 48 : index
        %get3A_881 = tpu.vector_load %arg6[%get3A_878, %get3A_879, %get3A_880] {strides = array<i32>} : memref<16x100x64xf32, #tpu.memory_space<vmem>>, vector<1x1x16xf32>,
        %get3A_882 = vector.shape_cast %get3A_881 : vector<1x1x16xf32> to vector<16xf32>
        %add3A_883 = arith.addf %add3A_832, %get3A_882 : vector<16xf32>
        %get3A_884 = arith.constant 1 : i32
        %get3A_885 = arith.index_cast %get3A_884 : i32 to index
        %get3A_886 = arith.index_cast %scan3A_834 : i32 to index
        %get3A_887 = arith.constant 48 : index
        %get3A_888 = tpu.vector_load %arg6[%get3A_885, %get3A_886, %get3A_887] {strides = array<i32>} : memref<16x100x64xf32, #tpu.memory_space<vmem>>, vector<1x1x16xf32>,
        %get3A_889 = vector.shape_cast %get3A_888 : vector<1x1x16xf32> to vector<16xf32>
        %add3A_890 = arith.addf %add3A_883, %get3A_889 : vector<16xf32>
        scf.yield %add3A_848, %add3A_862, %add3A_876, %add3A_890 : vector<16xf32>, vector<16xf32>, vector<16xf32>, vector<16xf32>
      }
      %scan3A_419 = arith.constant 100 : i32
      %mul3A_420 = vector.broadcast %scan3A_6 : f32 to vector<16xf32>
      %mul3A_421 = arith.mulf %scan3A_418#0, %mul3A_420 : vector<16xf32>
      %swap3A = arith.constant 0 : i32
      %swap3A_422 = arith.index_cast %swap3A : i32 to index
      %swap3A_423 = arith.constant 0 : index
      %swap3A_424 = tpu.vector_load %arg7[%swap3A_422, %swap3A_423] {strides = array<i32>} : memref<8x64xf32, #tpu.memory_space<vmem>>, vector<1x16xf32>,
      %swap3A_425 = vector.shape_cast %swap3A_424 : vector<1x16xf32> to vector<16xf32>
      %swap3A_426 = vector.shape_cast %mul3A_421 : vector<16xf32> to vector<1x16xf32>
      tpu.vector_store %arg7[%swap3A_422, %swap3A_423], %swap3A_426 {strides = array<i32>} : memref<8x64xf32, #tpu.memory_space<vmem>>, vector<1x16xf32>,
      %mul3A_427 = vector.broadcast %scan3A_6 : f32 to vector<16xf32>
      %mul3A_428 = arith.mulf %scan3A_418#1, %mul3A_427 : vector<16xf32>
      %swap3A_429 = arith.constant 0 : i32
      %swap3A_430 = arith.index_cast %swap3A_429 : i32 to index
      %swap3A_431 = arith.constant 16 : index
      %swap3A_432 = tpu.vector_load %arg7[%swap3A_430, %swap3A_431] {strides = array<i32>} : memref<8x64xf32, #tpu.memory_space<vmem>>, vector<1x16xf32>,
      %swap3A_433 = vector.shape_cast %swap3A_432 : vector<1x16xf32> to vector<16xf32>
      %swap3A_434 = vector.shape_cast %mul3A_428 : vector<16xf32> to vector<1x16xf32>
      tpu.vector_store %arg7[%swap3A_430, %swap3A_431], %swap3A_434 {strides = array<i32>} : memref<8x64xf32, #tpu.memory_space<vmem>>, vector<1x16xf32>,
      %mul3A_435 = vector.broadcast %scan3A_6 : f32 to vector<16xf32>
      %mul3A_436 = arith.mulf %scan3A_418#2, %mul3A_435 : vector<16xf32>
      %swap3A_437 = arith.constant 0 : i32
      %swap3A_438 = arith.index_cast %swap3A_437 : i32 to index
      %swap3A_439 = arith.constant 32 : index
      %swap3A_440 = tpu.vector_load %arg7[%swap3A_438, %swap3A_439] {strides = array<i32>} : memref<8x64xf32, #tpu.memory_space<vmem>>, vector<1x16xf32>,
      %swap3A_441 = vector.shape_cast %swap3A_440 : vector<1x16xf32> to vector<16xf32>
      %swap3A_442 = vector.shape_cast %mul3A_436 : vector<16xf32> to vector<1x16xf32>
      tpu.vector_store %arg7[%swap3A_438, %swap3A_439], %swap3A_442 {strides = array<i32>} : memref<8x64xf32, #tpu.memory_space<vmem>>, vector<1x16xf32>,
      %mul3A_443 = vector.broadcast %scan3A_6 : f32 to vector<16xf32>
      %mul3A_444 = arith.mulf %scan3A_418#3, %mul3A_443 : vector<16xf32>
      %swap3A_445 = arith.constant 0 : i32
      %swap3A_446 = arith.index_cast %swap3A_445 : i32 to index
      %swap3A_447 = arith.constant 48 : index
      %swap3A_448 = tpu.vector_load %arg7[%swap3A_446, %swap3A_447] {strides = array<i32>} : memref<8x64xf32, #tpu.memory_space<vmem>>, vector<1x16xf32>,
      %swap3A_449 = vector.shape_cast %swap3A_448 : vector<1x16xf32> to vector<16xf32>
      %swap3A_450 = vector.shape_cast %mul3A_444 : vector<16xf32> to vector<1x16xf32>
      tpu.vector_store %arg7[%swap3A_446, %swap3A_447], %swap3A_450 {strides = array<i32>} : memref<8x64xf32, #tpu.memory_space<vmem>>, vector<1x16xf32>,
      %broadcast_in_dim3A_451 = arith.constant 0.000000e+00 : f32
      %broadcast_in_dim3A_452 = vector.broadcast %broadcast_in_dim3A_451 : f32 to vector<16xf32>
      %broadcast_in_dim3A_453 = arith.constant 0.000000e+00 : f32
      %broadcast_in_dim3A_454 = vector.broadcast %broadcast_in_dim3A_453 : f32 to vector<16xf32>
      %broadcast_in_dim3A_455 = arith.constant 0.000000e+00 : f32
      %broadcast_in_dim3A_456 = vector.broadcast %broadcast_in_dim3A_455 : f32 to vector<16xf32>
      %broadcast_in_dim3A_457 = arith.constant 0.000000e+00 : f32
      %broadcast_in_dim3A_458 = vector.broadcast %broadcast_in_dim3A_457 : f32 to vector<16xf32>
      %scan3A_459 = arith.constant 0 : i32
      %scan3A_460 = arith.constant 100 : i32
      %scan3A_461 = arith.addi %scan3A_459, %scan3A_460 : i32
      %scan3A_462 = arith.constant 2 : i32
      %scan3A_463:4 = scf.for %scan3A_773 = %scan3A_459 to %scan3A_461 step %scan3A_462 iter_args(%scan3A_774 = %broadcast_in_dim3A_452, %scan3A_775 = %broadcast_in_dim3A_454, %scan3A_776 = %broadcast_in_dim3A_456, %scan3A_777 = %broadcast_in_dim3A_458) -> (vector<16xf32>, vector<16xf32>, vector<16xf32>, vector<16xf32>)  : i32 {
        %get3A = arith.constant 2 : i32
        %get3A_778 = arith.index_cast %get3A : i32 to index
        %get3A_779 = arith.index_cast %scan3A_773 : i32 to index
        %get3A_780 = arith.constant 0 : index
        %get3A_781 = tpu.vector_load %arg6[%get3A_778, %get3A_779, %get3A_780] {strides = array<i32>} : memref<16x100x64xf32, #tpu.memory_space<vmem>>, vector<1x1x16xf32>,
        %get3A_782 = vector.shape_cast %get3A_781 : vector<1x1x16xf32> to vector<16xf32>
        %add3A_783 = arith.addf %scan3A_774, %get3A_782 : vector<16xf32>
        %get3A_784 = arith.constant 3 : i32
        %get3A_785 = arith.index_cast %get3A_784 : i32 to index
        %get3A_786 = arith.index_cast %scan3A_773 : i32 to index
        %get3A_787 = arith.constant 0 : index
        %get3A_788 = tpu.vector_load %arg6[%get3A_785, %get3A_786, %get3A_787] {strides = array<i32>} : memref<16x100x64xf32, #tpu.memory_space<vmem>>, vector<1x1x16xf32>,
        %get3A_789 = vector.shape_cast %get3A_788 : vector<1x1x16xf32> to vector<16xf32>
        %add3A_790 = arith.addf %add3A_783, %get3A_789 : vector<16xf32>
        %get3A_791 = arith.constant 2 : i32
        %get3A_792 = arith.index_cast %get3A_791 : i32 to index
        %get3A_793 = arith.index_cast %scan3A_773 : i32 to index
        %get3A_794 = arith.constant 16 : index
        %get3A_795 = tpu.vector_load %arg6[%get3A_792, %get3A_793, %get3A_794] {strides = array<i32>} : memref<16x100x64xf32, #tpu.memory_space<vmem>>, vector<1x1x16xf32>,
        %get3A_796 = vector.shape_cast %get3A_795 : vector<1x1x16xf32> to vector<16xf32>
        %add3A_797 = arith.addf %scan3A_775, %get3A_796 : vector<16xf32>
        %get3A_798 = arith.constant 3 : i32
        %get3A_799 = arith.index_cast %get3A_798 : i32 to index
        %get3A_800 = arith.index_cast %scan3A_773 : i32 to index
        %get3A_801 = arith.constant 16 : index
        %get3A_802 = tpu.vector_load %arg6[%get3A_799, %get3A_800, %get3A_801] {strides = array<i32>} : memref<16x100x64xf32, #tpu.memory_space<vmem>>, vector<1x1x16xf32>,
        %get3A_803 = vector.shape_cast %get3A_802 : vector<1x1x16xf32> to vector<16xf32>
        %add3A_804 = arith.addf %add3A_797, %get3A_803 : vector<16xf32>
        %get3A_805 = arith.constant 2 : i32
        %get3A_806 = arith.index_cast %get3A_805 : i32 to index
        %get3A_807 = arith.index_cast %scan3A_773 : i32 to index
        %get3A_808 = arith.constant 32 : index
        %get3A_809 = tpu.vector_load %arg6[%get3A_806, %get3A_807, %get3A_808] {strides = array<i32>} : memref<16x100x64xf32, #tpu.memory_space<vmem>>, vector<1x1x16xf32>,
        %get3A_810 = vector.shape_cast %get3A_809 : vector<1x1x16xf32> to vector<16xf32>
        %add3A_811 = arith.addf %scan3A_776, %get3A_810 : vector<16xf32>
        %get3A_812 = arith.constant 3 : i32
        %get3A_813 = arith.index_cast %get3A_812 : i32 to index
        %get3A_814 = arith.index_cast %scan3A_773 : i32 to index
        %get3A_815 = arith.constant 32 : index
        %get3A_816 = tpu.vector_load %arg6[%get3A_813, %get3A_814, %get3A_815] {strides = array<i32>} : memref<16x100x64xf32, #tpu.memory_space<vmem>>, vector<1x1x16xf32>,
        %get3A_817 = vector.shape_cast %get3A_816 : vector<1x1x16xf32> to vector<16xf32>
        %add3A_818 = arith.addf %add3A_811, %get3A_817 : vector<16xf32>
        %get3A_819 = arith.constant 2 : i32
        %get3A_820 = arith.index_cast %get3A_819 : i32 to index
        %get3A_821 = arith.index_cast %scan3A_773 : i32 to index
        %get3A_822 = arith.constant 48 : index
        %get3A_823 = tpu.vector_load %arg6[%get3A_820, %get3A_821, %get3A_822] {strides = array<i32>} : memref<16x100x64xf32, #tpu.memory_space<vmem>>, vector<1x1x16xf32>,
        %get3A_824 = vector.shape_cast %get3A_823 : vector<1x1x16xf32> to vector<16xf32>
        %add3A_825 = arith.addf %scan3A_777, %get3A_824 : vector<16xf32>
        %get3A_826 = arith.constant 3 : i32
        %get3A_827 = arith.index_cast %get3A_826 : i32 to index
        %get3A_828 = arith.index_cast %scan3A_773 : i32 to index
        %get3A_829 = arith.constant 48 : index
        %get3A_830 = tpu.vector_load %arg6[%get3A_827, %get3A_828, %get3A_829] {strides = array<i32>} : memref<16x100x64xf32, #tpu.memory_space<vmem>>, vector<1x1x16xf32>,
        %get3A_831 = vector.shape_cast %get3A_830 : vector<1x1x16xf32> to vector<16xf32>
        %add3A_832 = arith.addf %add3A_825, %get3A_831 : vector<16xf32>
        %scan3A_833 = arith.constant 1 : i32
        %scan3A_834 = arith.addi %scan3A_773, %scan3A_833 : i32
        %get3A_835 = arith.constant 2 : i32
        %get3A_836 = arith.index_cast %get3A_835 : i32 to index
        %get3A_837 = arith.index_cast %scan3A_834 : i32 to index
        %get3A_838 = arith.constant 0 : index
        %get3A_839 = tpu.vector_load %arg6[%get3A_836, %get3A_837, %get3A_838] {strides = array<i32>} : memref<16x100x64xf32, #tpu.memory_space<vmem>>, vector<1x1x16xf32>,
        %get3A_840 = vector.shape_cast %get3A_839 : vector<1x1x16xf32> to vector<16xf32>
        %add3A_841 = arith.addf %add3A_790, %get3A_840 : vector<16xf32>
        %get3A_842 = arith.constant 3 : i32
        %get3A_843 = arith.index_cast %get3A_842 : i32 to index
        %get3A_844 = arith.index_cast %scan3A_834 : i32 to index
        %get3A_845 = arith.constant 0 : index
        %get3A_846 = tpu.vector_load %arg6[%get3A_843, %get3A_844, %get3A_845] {strides = array<i32>} : memref<16x100x64xf32, #tpu.memory_space<vmem>>, vector<1x1x16xf32>,
        %get3A_847 = vector.shape_cast %get3A_846 : vector<1x1x16xf32> to vector<16xf32>
        %add3A_848 = arith.addf %add3A_841, %get3A_847 : vector<16xf32>
        %get3A_849 = arith.constant 2 : i32
        %get3A_850 = arith.index_cast %get3A_849 : i32 to index
        %get3A_851 = arith.index_cast %scan3A_834 : i32 to index
        %get3A_852 = arith.constant 16 : index
        %get3A_853 = tpu.vector_load %arg6[%get3A_850, %get3A_851, %get3A_852] {strides = array<i32>} : memref<16x100x64xf32, #tpu.memory_space<vmem>>, vector<1x1x16xf32>,
        %get3A_854 = vector.shape_cast %get3A_853 : vector<1x1x16xf32> to vector<16xf32>
        %add3A_855 = arith.addf %add3A_804, %get3A_854 : vector<16xf32>
        %get3A_856 = arith.constant 3 : i32
        %get3A_857 = arith.index_cast %get3A_856 : i32 to index
        %get3A_858 = arith.index_cast %scan3A_834 : i32 to index
        %get3A_859 = arith.constant 16 : index
        %get3A_860 = tpu.vector_load %arg6[%get3A_857, %get3A_858, %get3A_859] {strides = array<i32>} : memref<16x100x64xf32, #tpu.memory_space<vmem>>, vector<1x1x16xf32>,
        %get3A_861 = vector.shape_cast %get3A_860 : vector<1x1x16xf32> to vector<16xf32>
        %add3A_862 = arith.addf %add3A_855, %get3A_861 : vector<16xf32>
        %get3A_863 = arith.constant 2 : i32
        %get3A_864 = arith.index_cast %get3A_863 : i32 to index
        %get3A_865 = arith.index_cast %scan3A_834 : i32 to index
        %get3A_866 = arith.constant 32 : index
        %get3A_867 = tpu.vector_load %arg6[%get3A_864, %get3A_865, %get3A_866] {strides = array<i32>} : memref<16x100x64xf32, #tpu.memory_space<vmem>>, vector<1x1x16xf32>,
        %get3A_868 = vector.shape_cast %get3A_867 : vector<1x1x16xf32> to vector<16xf32>
        %add3A_869 = arith.addf %add3A_818, %get3A_868 : vector<16xf32>
        %get3A_870 = arith.constant 3 : i32
        %get3A_871 = arith.index_cast %get3A_870 : i32 to index
        %get3A_872 = arith.index_cast %scan3A_834 : i32 to index
        %get3A_873 = arith.constant 32 : index
        %get3A_874 = tpu.vector_load %arg6[%get3A_871, %get3A_872, %get3A_873] {strides = array<i32>} : memref<16x100x64xf32, #tpu.memory_space<vmem>>, vector<1x1x16xf32>,
        %get3A_875 = vector.shape_cast %get3A_874 : vector<1x1x16xf32> to vector<16xf32>
        %add3A_876 = arith.addf %add3A_869, %get3A_875 : vector<16xf32>
        %get3A_877 = arith.constant 2 : i32
        %get3A_878 = arith.index_cast %get3A_877 : i32 to index
        %get3A_879 = arith.index_cast %scan3A_834 : i32 to index
        %get3A_880 = arith.constant 48 : index
        %get3A_881 = tpu.vector_load %arg6[%get3A_878, %get3A_879, %get3A_880] {strides = array<i32>} : memref<16x100x64xf32, #tpu.memory_space<vmem>>, vector<1x1x16xf32>,
        %get3A_882 = vector.shape_cast %get3A_881 : vector<1x1x16xf32> to vector<16xf32>
        %add3A_883 = arith.addf %add3A_832, %get3A_882 : vector<16xf32>
        %get3A_884 = arith.constant 3 : i32
        %get3A_885 = arith.index_cast %get3A_884 : i32 to index
        %get3A_886 = arith.index_cast %scan3A_834 : i32 to index
        %get3A_887 = arith.constant 48 : index
        %get3A_888 = tpu.vector_load %arg6[%get3A_885, %get3A_886, %get3A_887] {strides = array<i32>} : memref<16x100x64xf32, #tpu.memory_space<vmem>>, vector<1x1x16xf32>,
        %get3A_889 = vector.shape_cast %get3A_888 : vector<1x1x16xf32> to vector<16xf32>
        %add3A_890 = arith.addf %add3A_883, %get3A_889 : vector<16xf32>
        scf.yield %add3A_848, %add3A_862, %add3A_876, %add3A_890 : vector<16xf32>, vector<16xf32>, vector<16xf32>, vector<16xf32>
      }
      %scan3A_464 = arith.constant 100 : i32
      %mul3A_465 = vector.broadcast %scan3A_6 : f32 to vector<16xf32>
      %mul3A_466 = arith.mulf %scan3A_463#0, %mul3A_465 : vector<16xf32>
      %swap3A_467 = arith.constant 1 : i32
      %swap3A_468 = arith.index_cast %swap3A_467 : i32 to index
      %swap3A_469 = arith.constant 0 : index
      %swap3A_470 = tpu.vector_load %arg7[%swap3A_468, %swap3A_469] {strides = array<i32>} : memref<8x64xf32, #tpu.memory_space<vmem>>, vector<1x16xf32>,
      %swap3A_471 = vector.shape_cast %swap3A_470 : vector<1x16xf32> to vector<16xf32>
      %swap3A_472 = vector.shape_cast %mul3A_466 : vector<16xf32> to vector<1x16xf32>
      tpu.vector_store %arg7[%swap3A_468, %swap3A_469], %swap3A_472 {strides = array<i32>} : memref<8x64xf32, #tpu.memory_space<vmem>>, vector<1x16xf32>,
      %mul3A_473 = vector.broadcast %scan3A_6 : f32 to vector<16xf32>
      %mul3A_474 = arith.mulf %scan3A_463#1, %mul3A_473 : vector<16xf32>
      %swap3A_475 = arith.constant 1 : i32
      %swap3A_476 = arith.index_cast %swap3A_475 : i32 to index
      %swap3A_477 = arith.constant 16 : index
      %swap3A_478 = tpu.vector_load %arg7[%swap3A_476, %swap3A_477] {strides = array<i32>} : memref<8x64xf32, #tpu.memory_space<vmem>>, vector<1x16xf32>,
      %swap3A_479 = vector.shape_cast %swap3A_478 : vector<1x16xf32> to vector<16xf32>
      %swap3A_480 = vector.shape_cast %mul3A_474 : vector<16xf32> to vector<1x16xf32>
      tpu.vector_store %arg7[%swap3A_476, %swap3A_477], %swap3A_480 {strides = array<i32>} : memref<8x64xf32, #tpu.memory_space<vmem>>, vector<1x16xf32>,
      %mul3A_481 = vector.broadcast %scan3A_6 : f32 to vector<16xf32>
      %mul3A_482 = arith.mulf %scan3A_463#2, %mul3A_481 : vector<16xf32>
      %swap3A_483 = arith.constant 1 : i32
      %swap3A_484 = arith.index_cast %swap3A_483 : i32 to index
      %swap3A_485 = arith.constant 32 : index
      %swap3A_486 = tpu.vector_load %arg7[%swap3A_484, %swap3A_485] {strides = array<i32>} : memref<8x64xf32, #tpu.memory_space<vmem>>, vector<1x16xf32>,
      %swap3A_487 = vector.shape_cast %swap3A_486 : vector<1x16xf32> to vector<16xf32>
      %swap3A_488 = vector.shape_cast %mul3A_482 : vector<16xf32> to vector<1x16xf32>
      tpu.vector_store %arg7[%swap3A_484, %swap3A_485], %swap3A_488 {strides = array<i32>} : memref<8x64xf32, #tpu.memory_space<vmem>>, vector<1x16xf32>,
      %mul3A_489 = vector.broadcast %scan3A_6 : f32 to vector<16xf32>
      %mul3A_490 = arith.mulf %scan3A_463#3, %mul3A_489 : vector<16xf32>
      %swap3A_491 = arith.constant 1 : i32
      %swap3A_492 = arith.index_cast %swap3A_491 : i32 to index
      %swap3A_493 = arith.constant 48 : index
      %swap3A_494 = tpu.vector_load %arg7[%swap3A_492, %swap3A_493] {strides = array<i32>} : memref<8x64xf32, #tpu.memory_space<vmem>>, vector<1x16xf32>,
      %swap3A_495 = vector.shape_cast %swap3A_494 : vector<1x16xf32> to vector<16xf32>
      %swap3A_496 = vector.shape_cast %mul3A_490 : vector<16xf32> to vector<1x16xf32>
      tpu.vector_store %arg7[%swap3A_492, %swap3A_493], %swap3A_496 {strides = array<i32>} : memref<8x64xf32, #tpu.memory_space<vmem>>, vector<1x16xf32>,
      %broadcast_in_dim3A_497 = arith.constant 0.000000e+00 : f32
      %broadcast_in_dim3A_498 = vector.broadcast %broadcast_in_dim3A_497 : f32 to vector<16xf32>
      %broadcast_in_dim3A_499 = arith.constant 0.000000e+00 : f32
      %broadcast_in_dim3A_500 = vector.broadcast %broadcast_in_dim3A_499 : f32 to vector<16xf32>
      %broadcast_in_dim3A_501 = arith.constant 0.000000e+00 : f32
      %broadcast_in_dim3A_502 = vector.broadcast %broadcast_in_dim3A_501 : f32 to vector<16xf32>
      %broadcast_in_dim3A_503 = arith.constant 0.000000e+00 : f32
      %broadcast_in_dim3A_504 = vector.broadcast %broadcast_in_dim3A_503 : f32 to vector<16xf32>
      %scan3A_505 = arith.constant 0 : i32
      %scan3A_506 = arith.constant 100 : i32
      %scan3A_507 = arith.addi %scan3A_505, %scan3A_506 : i32
      %scan3A_508 = arith.constant 2 : i32
      %scan3A_509:4 = scf.for %scan3A_773 = %scan3A_505 to %scan3A_507 step %scan3A_508 iter_args(%scan3A_774 = %broadcast_in_dim3A_498, %scan3A_775 = %broadcast_in_dim3A_500, %scan3A_776 = %broadcast_in_dim3A_502, %scan3A_777 = %broadcast_in_dim3A_504) -> (vector<16xf32>, vector<16xf32>, vector<16xf32>, vector<16xf32>)  : i32 {
        %get3A = arith.constant 4 : i32
        %get3A_778 = arith.index_cast %get3A : i32 to index
        %get3A_779 = arith.index_cast %scan3A_773 : i32 to index
        %get3A_780 = arith.constant 0 : index
        %get3A_781 = tpu.vector_load %arg6[%get3A_778, %get3A_779, %get3A_780] {strides = array<i32>} : memref<16x100x64xf32, #tpu.memory_space<vmem>>, vector<1x1x16xf32>,
        %get3A_782 = vector.shape_cast %get3A_781 : vector<1x1x16xf32> to vector<16xf32>
        %add3A_783 = arith.addf %scan3A_774, %get3A_782 : vector<16xf32>
        %get3A_784 = arith.constant 5 : i32
        %get3A_785 = arith.index_cast %get3A_784 : i32 to index
        %get3A_786 = arith.index_cast %scan3A_773 : i32 to index
        %get3A_787 = arith.constant 0 : index
        %get3A_788 = tpu.vector_load %arg6[%get3A_785, %get3A_786, %get3A_787] {strides = array<i32>} : memref<16x100x64xf32, #tpu.memory_space<vmem>>, vector<1x1x16xf32>,
        %get3A_789 = vector.shape_cast %get3A_788 : vector<1x1x16xf32> to vector<16xf32>
        %add3A_790 = arith.addf %add3A_783, %get3A_789 : vector<16xf32>
        %get3A_791 = arith.constant 4 : i32
        %get3A_792 = arith.index_cast %get3A_791 : i32 to index
        %get3A_793 = arith.index_cast %scan3A_773 : i32 to index
        %get3A_794 = arith.constant 16 : index
        %get3A_795 = tpu.vector_load %arg6[%get3A_792, %get3A_793, %get3A_794] {strides = array<i32>} : memref<16x100x64xf32, #tpu.memory_space<vmem>>, vector<1x1x16xf32>,
        %get3A_796 = vector.shape_cast %get3A_795 : vector<1x1x16xf32> to vector<16xf32>
        %add3A_797 = arith.addf %scan3A_775, %get3A_796 : vector<16xf32>
        %get3A_798 = arith.constant 5 : i32
        %get3A_799 = arith.index_cast %get3A_798 : i32 to index
        %get3A_800 = arith.index_cast %scan3A_773 : i32 to index
        %get3A_801 = arith.constant 16 : index
        %get3A_802 = tpu.vector_load %arg6[%get3A_799, %get3A_800, %get3A_801] {strides = array<i32>} : memref<16x100x64xf32, #tpu.memory_space<vmem>>, vector<1x1x16xf32>,
        %get3A_803 = vector.shape_cast %get3A_802 : vector<1x1x16xf32> to vector<16xf32>
        %add3A_804 = arith.addf %add3A_797, %get3A_803 : vector<16xf32>
        %get3A_805 = arith.constant 4 : i32
        %get3A_806 = arith.index_cast %get3A_805 : i32 to index
        %get3A_807 = arith.index_cast %scan3A_773 : i32 to index
        %get3A_808 = arith.constant 32 : index
        %get3A_809 = tpu.vector_load %arg6[%get3A_806, %get3A_807, %get3A_808] {strides = array<i32>} : memref<16x100x64xf32, #tpu.memory_space<vmem>>, vector<1x1x16xf32>,
        %get3A_810 = vector.shape_cast %get3A_809 : vector<1x1x16xf32> to vector<16xf32>
        %add3A_811 = arith.addf %scan3A_776, %get3A_810 : vector<16xf32>
        %get3A_812 = arith.constant 5 : i32
        %get3A_813 = arith.index_cast %get3A_812 : i32 to index
        %get3A_814 = arith.index_cast %scan3A_773 : i32 to index
        %get3A_815 = arith.constant 32 : index
        %get3A_816 = tpu.vector_load %arg6[%get3A_813, %get3A_814, %get3A_815] {strides = array<i32>} : memref<16x100x64xf32, #tpu.memory_space<vmem>>, vector<1x1x16xf32>,
        %get3A_817 = vector.shape_cast %get3A_816 : vector<1x1x16xf32> to vector<16xf32>
        %add3A_818 = arith.addf %add3A_811, %get3A_817 : vector<16xf32>
        %get3A_819 = arith.constant 4 : i32
        %get3A_820 = arith.index_cast %get3A_819 : i32 to index
        %get3A_821 = arith.index_cast %scan3A_773 : i32 to index
        %get3A_822 = arith.constant 48 : index
        %get3A_823 = tpu.vector_load %arg6[%get3A_820, %get3A_821, %get3A_822] {strides = array<i32>} : memref<16x100x64xf32, #tpu.memory_space<vmem>>, vector<1x1x16xf32>,
        %get3A_824 = vector.shape_cast %get3A_823 : vector<1x1x16xf32> to vector<16xf32>
        %add3A_825 = arith.addf %scan3A_777, %get3A_824 : vector<16xf32>
        %get3A_826 = arith.constant 5 : i32
        %get3A_827 = arith.index_cast %get3A_826 : i32 to index
        %get3A_828 = arith.index_cast %scan3A_773 : i32 to index
        %get3A_829 = arith.constant 48 : index
        %get3A_830 = tpu.vector_load %arg6[%get3A_827, %get3A_828, %get3A_829] {strides = array<i32>} : memref<16x100x64xf32, #tpu.memory_space<vmem>>, vector<1x1x16xf32>,
        %get3A_831 = vector.shape_cast %get3A_830 : vector<1x1x16xf32> to vector<16xf32>
        %add3A_832 = arith.addf %add3A_825, %get3A_831 : vector<16xf32>
        %scan3A_833 = arith.constant 1 : i32
        %scan3A_834 = arith.addi %scan3A_773, %scan3A_833 : i32
        %get3A_835 = arith.constant 4 : i32
        %get3A_836 = arith.index_cast %get3A_835 : i32 to index
        %get3A_837 = arith.index_cast %scan3A_834 : i32 to index
        %get3A_838 = arith.constant 0 : index
        %get3A_839 = tpu.vector_load %arg6[%get3A_836, %get3A_837, %get3A_838] {strides = array<i32>} : memref<16x100x64xf32, #tpu.memory_space<vmem>>, vector<1x1x16xf32>,
        %get3A_840 = vector.shape_cast %get3A_839 : vector<1x1x16xf32> to vector<16xf32>
        %add3A_841 = arith.addf %add3A_790, %get3A_840 : vector<16xf32>
        %get3A_842 = arith.constant 5 : i32
        %get3A_843 = arith.index_cast %get3A_842 : i32 to index
        %get3A_844 = arith.index_cast %scan3A_834 : i32 to index
        %get3A_845 = arith.constant 0 : index
        %get3A_846 = tpu.vector_load %arg6[%get3A_843, %get3A_844, %get3A_845] {strides = array<i32>} : memref<16x100x64xf32, #tpu.memory_space<vmem>>, vector<1x1x16xf32>,
        %get3A_847 = vector.shape_cast %get3A_846 : vector<1x1x16xf32> to vector<16xf32>
        %add3A_848 = arith.addf %add3A_841, %get3A_847 : vector<16xf32>
        %get3A_849 = arith.constant 4 : i32
        %get3A_850 = arith.index_cast %get3A_849 : i32 to index
        %get3A_851 = arith.index_cast %scan3A_834 : i32 to index
        %get3A_852 = arith.constant 16 : index
        %get3A_853 = tpu.vector_load %arg6[%get3A_850, %get3A_851, %get3A_852] {strides = array<i32>} : memref<16x100x64xf32, #tpu.memory_space<vmem>>, vector<1x1x16xf32>,
        %get3A_854 = vector.shape_cast %get3A_853 : vector<1x1x16xf32> to vector<16xf32>
        %add3A_855 = arith.addf %add3A_804, %get3A_854 : vector<16xf32>
        %get3A_856 = arith.constant 5 : i32
        %get3A_857 = arith.index_cast %get3A_856 : i32 to index
        %get3A_858 = arith.index_cast %scan3A_834 : i32 to index
        %get3A_859 = arith.constant 16 : index
        %get3A_860 = tpu.vector_load %arg6[%get3A_857, %get3A_858, %get3A_859] {strides = array<i32>} : memref<16x100x64xf32, #tpu.memory_space<vmem>>, vector<1x1x16xf32>,
        %get3A_861 = vector.shape_cast %get3A_860 : vector<1x1x16xf32> to vector<16xf32>
        %add3A_862 = arith.addf %add3A_855, %get3A_861 : vector<16xf32>
        %get3A_863 = arith.constant 4 : i32
        %get3A_864 = arith.index_cast %get3A_863 : i32 to index
        %get3A_865 = arith.index_cast %scan3A_834 : i32 to index
        %get3A_866 = arith.constant 32 : index
        %get3A_867 = tpu.vector_load %arg6[%get3A_864, %get3A_865, %get3A_866] {strides = array<i32>} : memref<16x100x64xf32, #tpu.memory_space<vmem>>, vector<1x1x16xf32>,
        %get3A_868 = vector.shape_cast %get3A_867 : vector<1x1x16xf32> to vector<16xf32>
        %add3A_869 = arith.addf %add3A_818, %get3A_868 : vector<16xf32>
        %get3A_870 = arith.constant 5 : i32
        %get3A_871 = arith.index_cast %get3A_870 : i32 to index
        %get3A_872 = arith.index_cast %scan3A_834 : i32 to index
        %get3A_873 = arith.constant 32 : index
        %get3A_874 = tpu.vector_load %arg6[%get3A_871, %get3A_872, %get3A_873] {strides = array<i32>} : memref<16x100x64xf32, #tpu.memory_space<vmem>>, vector<1x1x16xf32>,
        %get3A_875 = vector.shape_cast %get3A_874 : vector<1x1x16xf32> to vector<16xf32>
        %add3A_876 = arith.addf %add3A_869, %get3A_875 : vector<16xf32>
        %get3A_877 = arith.constant 4 : i32
        %get3A_878 = arith.index_cast %get3A_877 : i32 to index
        %get3A_879 = arith.index_cast %scan3A_834 : i32 to index
        %get3A_880 = arith.constant 48 : index
        %get3A_881 = tpu.vector_load %arg6[%get3A_878, %get3A_879, %get3A_880] {strides = array<i32>} : memref<16x100x64xf32, #tpu.memory_space<vmem>>, vector<1x1x16xf32>,
        %get3A_882 = vector.shape_cast %get3A_881 : vector<1x1x16xf32> to vector<16xf32>
        %add3A_883 = arith.addf %add3A_832, %get3A_882 : vector<16xf32>
        %get3A_884 = arith.constant 5 : i32
        %get3A_885 = arith.index_cast %get3A_884 : i32 to index
        %get3A_886 = arith.index_cast %scan3A_834 : i32 to index
        %get3A_887 = arith.constant 48 : index
        %get3A_888 = tpu.vector_load %arg6[%get3A_885, %get3A_886, %get3A_887] {strides = array<i32>} : memref<16x100x64xf32, #tpu.memory_space<vmem>>, vector<1x1x16xf32>,
        %get3A_889 = vector.shape_cast %get3A_888 : vector<1x1x16xf32> to vector<16xf32>
        %add3A_890 = arith.addf %add3A_883, %get3A_889 : vector<16xf32>
        scf.yield %add3A_848, %add3A_862, %add3A_876, %add3A_890 : vector<16xf32>, vector<16xf32>, vector<16xf32>, vector<16xf32>
      }
      %scan3A_510 = arith.constant 100 : i32
      %mul3A_511 = vector.broadcast %scan3A_6 : f32 to vector<16xf32>
      %mul3A_512 = arith.mulf %scan3A_509#0, %mul3A_511 : vector<16xf32>
      %swap3A_513 = arith.constant 2 : i32
      %swap3A_514 = arith.index_cast %swap3A_513 : i32 to index
      %swap3A_515 = arith.constant 0 : index
      %swap3A_516 = tpu.vector_load %arg7[%swap3A_514, %swap3A_515] {strides = array<i32>} : memref<8x64xf32, #tpu.memory_space<vmem>>, vector<1x16xf32>,
      %swap3A_517 = vector.shape_cast %swap3A_516 : vector<1x16xf32> to vector<16xf32>
      %swap3A_518 = vector.shape_cast %mul3A_512 : vector<16xf32> to vector<1x16xf32>
      tpu.vector_store %arg7[%swap3A_514, %swap3A_515], %swap3A_518 {strides = array<i32>} : memref<8x64xf32, #tpu.memory_space<vmem>>, vector<1x16xf32>,
      %mul3A_519 = vector.broadcast %scan3A_6 : f32 to vector<16xf32>
      %mul3A_520 = arith.mulf %scan3A_509#1, %mul3A_519 : vector<16xf32>
      %swap3A_521 = arith.constant 2 : i32
      %swap3A_522 = arith.index_cast %swap3A_521 : i32 to index
      %swap3A_523 = arith.constant 16 : index
      %swap3A_524 = tpu.vector_load %arg7[%swap3A_522, %swap3A_523] {strides = array<i32>} : memref<8x64xf32, #tpu.memory_space<vmem>>, vector<1x16xf32>,
      %swap3A_525 = vector.shape_cast %swap3A_524 : vector<1x16xf32> to vector<16xf32>
      %swap3A_526 = vector.shape_cast %mul3A_520 : vector<16xf32> to vector<1x16xf32>
      tpu.vector_store %arg7[%swap3A_522, %swap3A_523], %swap3A_526 {strides = array<i32>} : memref<8x64xf32, #tpu.memory_space<vmem>>, vector<1x16xf32>,
      %mul3A_527 = vector.broadcast %scan3A_6 : f32 to vector<16xf32>
      %mul3A_528 = arith.mulf %scan3A_509#2, %mul3A_527 : vector<16xf32>
      %swap3A_529 = arith.constant 2 : i32
      %swap3A_530 = arith.index_cast %swap3A_529 : i32 to index
      %swap3A_531 = arith.constant 32 : index
      %swap3A_532 = tpu.vector_load %arg7[%swap3A_530, %swap3A_531] {strides = array<i32>} : memref<8x64xf32, #tpu.memory_space<vmem>>, vector<1x16xf32>,
      %swap3A_533 = vector.shape_cast %swap3A_532 : vector<1x16xf32> to vector<16xf32>
      %swap3A_534 = vector.shape_cast %mul3A_528 : vector<16xf32> to vector<1x16xf32>
      tpu.vector_store %arg7[%swap3A_530, %swap3A_531], %swap3A_534 {strides = array<i32>} : memref<8x64xf32, #tpu.memory_space<vmem>>, vector<1x16xf32>,
      %mul3A_535 = vector.broadcast %scan3A_6 : f32 to vector<16xf32>
      %mul3A_536 = arith.mulf %scan3A_509#3, %mul3A_535 : vector<16xf32>
      %swap3A_537 = arith.constant 2 : i32
      %swap3A_538 = arith.index_cast %swap3A_537 : i32 to index
      %swap3A_539 = arith.constant 48 : index
      %swap3A_540 = tpu.vector_load %arg7[%swap3A_538, %swap3A_539] {strides = array<i32>} : memref<8x64xf32, #tpu.memory_space<vmem>>, vector<1x16xf32>,
      %swap3A_541 = vector.shape_cast %swap3A_540 : vector<1x16xf32> to vector<16xf32>
      %swap3A_542 = vector.shape_cast %mul3A_536 : vector<16xf32> to vector<1x16xf32>
      tpu.vector_store %arg7[%swap3A_538, %swap3A_539], %swap3A_542 {strides = array<i32>} : memref<8x64xf32, #tpu.memory_space<vmem>>, vector<1x16xf32>,
      %broadcast_in_dim3A_543 = arith.constant 0.000000e+00 : f32
      %broadcast_in_dim3A_544 = vector.broadcast %broadcast_in_dim3A_543 : f32 to vector<16xf32>
      %broadcast_in_dim3A_545 = arith.constant 0.000000e+00 : f32
      %broadcast_in_dim3A_546 = vector.broadcast %broadcast_in_dim3A_545 : f32 to vector<16xf32>
      %broadcast_in_dim3A_547 = arith.constant 0.000000e+00 : f32
      %broadcast_in_dim3A_548 = vector.broadcast %broadcast_in_dim3A_547 : f32 to vector<16xf32>
      %broadcast_in_dim3A_549 = arith.constant 0.000000e+00 : f32
      %broadcast_in_dim3A_550 = vector.broadcast %broadcast_in_dim3A_549 : f32 to vector<16xf32>
      %scan3A_551 = arith.constant 0 : i32
      %scan3A_552 = arith.constant 100 : i32
      %scan3A_553 = arith.addi %scan3A_551, %scan3A_552 : i32
      %scan3A_554 = arith.constant 2 : i32
      %scan3A_555:4 = scf.for %scan3A_773 = %scan3A_551 to %scan3A_553 step %scan3A_554 iter_args(%scan3A_774 = %broadcast_in_dim3A_544, %scan3A_775 = %broadcast_in_dim3A_546, %scan3A_776 = %broadcast_in_dim3A_548, %scan3A_777 = %broadcast_in_dim3A_550) -> (vector<16xf32>, vector<16xf32>, vector<16xf32>, vector<16xf32>)  : i32 {
        %get3A = arith.constant 6 : i32
        %get3A_778 = arith.index_cast %get3A : i32 to index
        %get3A_779 = arith.index_cast %scan3A_773 : i32 to index
        %get3A_780 = arith.constant 0 : index
        %get3A_781 = tpu.vector_load %arg6[%get3A_778, %get3A_779, %get3A_780] {strides = array<i32>} : memref<16x100x64xf32, #tpu.memory_space<vmem>>, vector<1x1x16xf32>,
        %get3A_782 = vector.shape_cast %get3A_781 : vector<1x1x16xf32> to vector<16xf32>
        %add3A_783 = arith.addf %scan3A_774, %get3A_782 : vector<16xf32>
        %get3A_784 = arith.constant 7 : i32
        %get3A_785 = arith.index_cast %get3A_784 : i32 to index
        %get3A_786 = arith.index_cast %scan3A_773 : i32 to index
        %get3A_787 = arith.constant 0 : index
        %get3A_788 = tpu.vector_load %arg6[%get3A_785, %get3A_786, %get3A_787] {strides = array<i32>} : memref<16x100x64xf32, #tpu.memory_space<vmem>>, vector<1x1x16xf32>,
        %get3A_789 = vector.shape_cast %get3A_788 : vector<1x1x16xf32> to vector<16xf32>
        %add3A_790 = arith.addf %add3A_783, %get3A_789 : vector<16xf32>
        %get3A_791 = arith.constant 6 : i32
        %get3A_792 = arith.index_cast %get3A_791 : i32 to index
        %get3A_793 = arith.index_cast %scan3A_773 : i32 to index
        %get3A_794 = arith.constant 16 : index
        %get3A_795 = tpu.vector_load %arg6[%get3A_792, %get3A_793, %get3A_794] {strides = array<i32>} : memref<16x100x64xf32, #tpu.memory_space<vmem>>, vector<1x1x16xf32>,
        %get3A_796 = vector.shape_cast %get3A_795 : vector<1x1x16xf32> to vector<16xf32>
        %add3A_797 = arith.addf %scan3A_775, %get3A_796 : vector<16xf32>
        %get3A_798 = arith.constant 7 : i32
        %get3A_799 = arith.index_cast %get3A_798 : i32 to index
        %get3A_800 = arith.index_cast %scan3A_773 : i32 to index
        %get3A_801 = arith.constant 16 : index
        %get3A_802 = tpu.vector_load %arg6[%get3A_799, %get3A_800, %get3A_801] {strides = array<i32>} : memref<16x100x64xf32, #tpu.memory_space<vmem>>, vector<1x1x16xf32>,
        %get3A_803 = vector.shape_cast %get3A_802 : vector<1x1x16xf32> to vector<16xf32>
        %add3A_804 = arith.addf %add3A_797, %get3A_803 : vector<16xf32>
        %get3A_805 = arith.constant 6 : i32
        %get3A_806 = arith.index_cast %get3A_805 : i32 to index
        %get3A_807 = arith.index_cast %scan3A_773 : i32 to index
        %get3A_808 = arith.constant 32 : index
        %get3A_809 = tpu.vector_load %arg6[%get3A_806, %get3A_807, %get3A_808] {strides = array<i32>} : memref<16x100x64xf32, #tpu.memory_space<vmem>>, vector<1x1x16xf32>,
        %get3A_810 = vector.shape_cast %get3A_809 : vector<1x1x16xf32> to vector<16xf32>
        %add3A_811 = arith.addf %scan3A_776, %get3A_810 : vector<16xf32>
        %get3A_812 = arith.constant 7 : i32
        %get3A_813 = arith.index_cast %get3A_812 : i32 to index
        %get3A_814 = arith.index_cast %scan3A_773 : i32 to index
        %get3A_815 = arith.constant 32 : index
        %get3A_816 = tpu.vector_load %arg6[%get3A_813, %get3A_814, %get3A_815] {strides = array<i32>} : memref<16x100x64xf32, #tpu.memory_space<vmem>>, vector<1x1x16xf32>,
        %get3A_817 = vector.shape_cast %get3A_816 : vector<1x1x16xf32> to vector<16xf32>
        %add3A_818 = arith.addf %add3A_811, %get3A_817 : vector<16xf32>
        %get3A_819 = arith.constant 6 : i32
        %get3A_820 = arith.index_cast %get3A_819 : i32 to index
        %get3A_821 = arith.index_cast %scan3A_773 : i32 to index
        %get3A_822 = arith.constant 48 : index
        %get3A_823 = tpu.vector_load %arg6[%get3A_820, %get3A_821, %get3A_822] {strides = array<i32>} : memref<16x100x64xf32, #tpu.memory_space<vmem>>, vector<1x1x16xf32>,
        %get3A_824 = vector.shape_cast %get3A_823 : vector<1x1x16xf32> to vector<16xf32>
        %add3A_825 = arith.addf %scan3A_777, %get3A_824 : vector<16xf32>
        %get3A_826 = arith.constant 7 : i32
        %get3A_827 = arith.index_cast %get3A_826 : i32 to index
        %get3A_828 = arith.index_cast %scan3A_773 : i32 to index
        %get3A_829 = arith.constant 48 : index
        %get3A_830 = tpu.vector_load %arg6[%get3A_827, %get3A_828, %get3A_829] {strides = array<i32>} : memref<16x100x64xf32, #tpu.memory_space<vmem>>, vector<1x1x16xf32>,
        %get3A_831 = vector.shape_cast %get3A_830 : vector<1x1x16xf32> to vector<16xf32>
        %add3A_832 = arith.addf %add3A_825, %get3A_831 : vector<16xf32>
        %scan3A_833 = arith.constant 1 : i32
        %scan3A_834 = arith.addi %scan3A_773, %scan3A_833 : i32
        %get3A_835 = arith.constant 6 : i32
        %get3A_836 = arith.index_cast %get3A_835 : i32 to index
        %get3A_837 = arith.index_cast %scan3A_834 : i32 to index
        %get3A_838 = arith.constant 0 : index
        %get3A_839 = tpu.vector_load %arg6[%get3A_836, %get3A_837, %get3A_838] {strides = array<i32>} : memref<16x100x64xf32, #tpu.memory_space<vmem>>, vector<1x1x16xf32>,
        %get3A_840 = vector.shape_cast %get3A_839 : vector<1x1x16xf32> to vector<16xf32>
        %add3A_841 = arith.addf %add3A_790, %get3A_840 : vector<16xf32>
        %get3A_842 = arith.constant 7 : i32
        %get3A_843 = arith.index_cast %get3A_842 : i32 to index
        %get3A_844 = arith.index_cast %scan3A_834 : i32 to index
        %get3A_845 = arith.constant 0 : index
        %get3A_846 = tpu.vector_load %arg6[%get3A_843, %get3A_844, %get3A_845] {strides = array<i32>} : memref<16x100x64xf32, #tpu.memory_space<vmem>>, vector<1x1x16xf32>,
        %get3A_847 = vector.shape_cast %get3A_846 : vector<1x1x16xf32> to vector<16xf32>
        %add3A_848 = arith.addf %add3A_841, %get3A_847 : vector<16xf32>
        %get3A_849 = arith.constant 6 : i32
        %get3A_850 = arith.index_cast %get3A_849 : i32 to index
        %get3A_851 = arith.index_cast %scan3A_834 : i32 to index
        %get3A_852 = arith.constant 16 : index
        %get3A_853 = tpu.vector_load %arg6[%get3A_850, %get3A_851, %get3A_852] {strides = array<i32>} : memref<16x100x64xf32, #tpu.memory_space<vmem>>, vector<1x1x16xf32>,
        %get3A_854 = vector.shape_cast %get3A_853 : vector<1x1x16xf32> to vector<16xf32>
        %add3A_855 = arith.addf %add3A_804, %get3A_854 : vector<16xf32>
        %get3A_856 = arith.constant 7 : i32
        %get3A_857 = arith.index_cast %get3A_856 : i32 to index
        %get3A_858 = arith.index_cast %scan3A_834 : i32 to index
        %get3A_859 = arith.constant 16 : index
        %get3A_860 = tpu.vector_load %arg6[%get3A_857, %get3A_858, %get3A_859] {strides = array<i32>} : memref<16x100x64xf32, #tpu.memory_space<vmem>>, vector<1x1x16xf32>,
        %get3A_861 = vector.shape_cast %get3A_860 : vector<1x1x16xf32> to vector<16xf32>
        %add3A_862 = arith.addf %add3A_855, %get3A_861 : vector<16xf32>
        %get3A_863 = arith.constant 6 : i32
        %get3A_864 = arith.index_cast %get3A_863 : i32 to index
        %get3A_865 = arith.index_cast %scan3A_834 : i32 to index
        %get3A_866 = arith.constant 32 : index
        %get3A_867 = tpu.vector_load %arg6[%get3A_864, %get3A_865, %get3A_866] {strides = array<i32>} : memref<16x100x64xf32, #tpu.memory_space<vmem>>, vector<1x1x16xf32>,
        %get3A_868 = vector.shape_cast %get3A_867 : vector<1x1x16xf32> to vector<16xf32>
        %add3A_869 = arith.addf %add3A_818, %get3A_868 : vector<16xf32>
        %get3A_870 = arith.constant 7 : i32
        %get3A_871 = arith.index_cast %get3A_870 : i32 to index
        %get3A_872 = arith.index_cast %scan3A_834 : i32 to index
        %get3A_873 = arith.constant 32 : index
        %get3A_874 = tpu.vector_load %arg6[%get3A_871, %get3A_872, %get3A_873] {strides = array<i32>} : memref<16x100x64xf32, #tpu.memory_space<vmem>>, vector<1x1x16xf32>,
        %get3A_875 = vector.shape_cast %get3A_874 : vector<1x1x16xf32> to vector<16xf32>
        %add3A_876 = arith.addf %add3A_869, %get3A_875 : vector<16xf32>
        %get3A_877 = arith.constant 6 : i32
        %get3A_878 = arith.index_cast %get3A_877 : i32 to index
        %get3A_879 = arith.index_cast %scan3A_834 : i32 to index
        %get3A_880 = arith.constant 48 : index
        %get3A_881 = tpu.vector_load %arg6[%get3A_878, %get3A_879, %get3A_880] {strides = array<i32>} : memref<16x100x64xf32, #tpu.memory_space<vmem>>, vector<1x1x16xf32>,
        %get3A_882 = vector.shape_cast %get3A_881 : vector<1x1x16xf32> to vector<16xf32>
        %add3A_883 = arith.addf %add3A_832, %get3A_882 : vector<16xf32>
        %get3A_884 = arith.constant 7 : i32
        %get3A_885 = arith.index_cast %get3A_884 : i32 to index
        %get3A_886 = arith.index_cast %scan3A_834 : i32 to index
        %get3A_887 = arith.constant 48 : index
        %get3A_888 = tpu.vector_load %arg6[%get3A_885, %get3A_886, %get3A_887] {strides = array<i32>} : memref<16x100x64xf32, #tpu.memory_space<vmem>>, vector<1x1x16xf32>,
        %get3A_889 = vector.shape_cast %get3A_888 : vector<1x1x16xf32> to vector<16xf32>
        %add3A_890 = arith.addf %add3A_883, %get3A_889 : vector<16xf32>
        scf.yield %add3A_848, %add3A_862, %add3A_876, %add3A_890 : vector<16xf32>, vector<16xf32>, vector<16xf32>, vector<16xf32>
      }
      %scan3A_556 = arith.constant 100 : i32
      %mul3A_557 = vector.broadcast %scan3A_6 : f32 to vector<16xf32>
      %mul3A_558 = arith.mulf %scan3A_555#0, %mul3A_557 : vector<16xf32>
      %swap3A_559 = arith.constant 3 : i32
      %swap3A_560 = arith.index_cast %swap3A_559 : i32 to index
      %swap3A_561 = arith.constant 0 : index
      %swap3A_562 = tpu.vector_load %arg7[%swap3A_560, %swap3A_561] {strides = array<i32>} : memref<8x64xf32, #tpu.memory_space<vmem>>, vector<1x16xf32>,
      %swap3A_563 = vector.shape_cast %swap3A_562 : vector<1x16xf32> to vector<16xf32>
      %swap3A_564 = vector.shape_cast %mul3A_558 : vector<16xf32> to vector<1x16xf32>
      tpu.vector_store %arg7[%swap3A_560, %swap3A_561], %swap3A_564 {strides = array<i32>} : memref<8x64xf32, #tpu.memory_space<vmem>>, vector<1x16xf32>,
      %mul3A_565 = vector.broadcast %scan3A_6 : f32 to vector<16xf32>
      %mul3A_566 = arith.mulf %scan3A_555#1, %mul3A_565 : vector<16xf32>
      %swap3A_567 = arith.constant 3 : i32
      %swap3A_568 = arith.index_cast %swap3A_567 : i32 to index
      %swap3A_569 = arith.constant 16 : index
      %swap3A_570 = tpu.vector_load %arg7[%swap3A_568, %swap3A_569] {strides = array<i32>} : memref<8x64xf32, #tpu.memory_space<vmem>>, vector<1x16xf32>,
      %swap3A_571 = vector.shape_cast %swap3A_570 : vector<1x16xf32> to vector<16xf32>
      %swap3A_572 = vector.shape_cast %mul3A_566 : vector<16xf32> to vector<1x16xf32>
      tpu.vector_store %arg7[%swap3A_568, %swap3A_569], %swap3A_572 {strides = array<i32>} : memref<8x64xf32, #tpu.memory_space<vmem>>, vector<1x16xf32>,
      %mul3A_573 = vector.broadcast %scan3A_6 : f32 to vector<16xf32>
      %mul3A_574 = arith.mulf %scan3A_555#2, %mul3A_573 : vector<16xf32>
      %swap3A_575 = arith.constant 3 : i32
      %swap3A_576 = arith.index_cast %swap3A_575 : i32 to index
      %swap3A_577 = arith.constant 32 : index
      %swap3A_578 = tpu.vector_load %arg7[%swap3A_576, %swap3A_577] {strides = array<i32>} : memref<8x64xf32, #tpu.memory_space<vmem>>, vector<1x16xf32>,
      %swap3A_579 = vector.shape_cast %swap3A_578 : vector<1x16xf32> to vector<16xf32>
      %swap3A_580 = vector.shape_cast %mul3A_574 : vector<16xf32> to vector<1x16xf32>
      tpu.vector_store %arg7[%swap3A_576, %swap3A_577], %swap3A_580 {strides = array<i32>} : memref<8x64xf32, #tpu.memory_space<vmem>>, vector<1x16xf32>,
      %mul3A_581 = vector.broadcast %scan3A_6 : f32 to vector<16xf32>
      %mul3A_582 = arith.mulf %scan3A_555#3, %mul3A_581 : vector<16xf32>
      %swap3A_583 = arith.constant 3 : i32
      %swap3A_584 = arith.index_cast %swap3A_583 : i32 to index
      %swap3A_585 = arith.constant 48 : index
      %swap3A_586 = tpu.vector_load %arg7[%swap3A_584, %swap3A_585] {strides = array<i32>} : memref<8x64xf32, #tpu.memory_space<vmem>>, vector<1x16xf32>,
      %swap3A_587 = vector.shape_cast %swap3A_586 : vector<1x16xf32> to vector<16xf32>
      %swap3A_588 = vector.shape_cast %mul3A_582 : vector<16xf32> to vector<1x16xf32>
      tpu.vector_store %arg7[%swap3A_584, %swap3A_585], %swap3A_588 {strides = array<i32>} : memref<8x64xf32, #tpu.memory_space<vmem>>, vector<1x16xf32>,
      %broadcast_in_dim3A_589 = arith.constant 0.000000e+00 : f32
      %broadcast_in_dim3A_590 = vector.broadcast %broadcast_in_dim3A_589 : f32 to vector<16xf32>
      %broadcast_in_dim3A_591 = arith.constant 0.000000e+00 : f32
      %broadcast_in_dim3A_592 = vector.broadcast %broadcast_in_dim3A_591 : f32 to vector<16xf32>
      %broadcast_in_dim3A_593 = arith.constant 0.000000e+00 : f32
      %broadcast_in_dim3A_594 = vector.broadcast %broadcast_in_dim3A_593 : f32 to vector<16xf32>
      %broadcast_in_dim3A_595 = arith.constant 0.000000e+00 : f32
      %broadcast_in_dim3A_596 = vector.broadcast %broadcast_in_dim3A_595 : f32 to vector<16xf32>
      %scan3A_597 = arith.constant 0 : i32
      %scan3A_598 = arith.constant 100 : i32
      %scan3A_599 = arith.addi %scan3A_597, %scan3A_598 : i32
      %scan3A_600 = arith.constant 2 : i32
      %scan3A_601:4 = scf.for %scan3A_773 = %scan3A_597 to %scan3A_599 step %scan3A_600 iter_args(%scan3A_774 = %broadcast_in_dim3A_590, %scan3A_775 = %broadcast_in_dim3A_592, %scan3A_776 = %broadcast_in_dim3A_594, %scan3A_777 = %broadcast_in_dim3A_596) -> (vector<16xf32>, vector<16xf32>, vector<16xf32>, vector<16xf32>)  : i32 {
        %get3A = arith.constant 8 : i32
        %get3A_778 = arith.index_cast %get3A : i32 to index
        %get3A_779 = arith.index_cast %scan3A_773 : i32 to index
        %get3A_780 = arith.constant 0 : index
        %get3A_781 = tpu.vector_load %arg6[%get3A_778, %get3A_779, %get3A_780] {strides = array<i32>} : memref<16x100x64xf32, #tpu.memory_space<vmem>>, vector<1x1x16xf32>,
        %get3A_782 = vector.shape_cast %get3A_781 : vector<1x1x16xf32> to vector<16xf32>
        %add3A_783 = arith.addf %scan3A_774, %get3A_782 : vector<16xf32>
        %get3A_784 = arith.constant 9 : i32
        %get3A_785 = arith.index_cast %get3A_784 : i32 to index
        %get3A_786 = arith.index_cast %scan3A_773 : i32 to index
        %get3A_787 = arith.constant 0 : index
        %get3A_788 = tpu.vector_load %arg6[%get3A_785, %get3A_786, %get3A_787] {strides = array<i32>} : memref<16x100x64xf32, #tpu.memory_space<vmem>>, vector<1x1x16xf32>,
        %get3A_789 = vector.shape_cast %get3A_788 : vector<1x1x16xf32> to vector<16xf32>
        %add3A_790 = arith.addf %add3A_783, %get3A_789 : vector<16xf32>
        %get3A_791 = arith.constant 8 : i32
        %get3A_792 = arith.index_cast %get3A_791 : i32 to index
        %get3A_793 = arith.index_cast %scan3A_773 : i32 to index
        %get3A_794 = arith.constant 16 : index
        %get3A_795 = tpu.vector_load %arg6[%get3A_792, %get3A_793, %get3A_794] {strides = array<i32>} : memref<16x100x64xf32, #tpu.memory_space<vmem>>, vector<1x1x16xf32>,
        %get3A_796 = vector.shape_cast %get3A_795 : vector<1x1x16xf32> to vector<16xf32>
        %add3A_797 = arith.addf %scan3A_775, %get3A_796 : vector<16xf32>
        %get3A_798 = arith.constant 9 : i32
        %get3A_799 = arith.index_cast %get3A_798 : i32 to index
        %get3A_800 = arith.index_cast %scan3A_773 : i32 to index
        %get3A_801 = arith.constant 16 : index
        %get3A_802 = tpu.vector_load %arg6[%get3A_799, %get3A_800, %get3A_801] {strides = array<i32>} : memref<16x100x64xf32, #tpu.memory_space<vmem>>, vector<1x1x16xf32>,
        %get3A_803 = vector.shape_cast %get3A_802 : vector<1x1x16xf32> to vector<16xf32>
        %add3A_804 = arith.addf %add3A_797, %get3A_803 : vector<16xf32>
        %get3A_805 = arith.constant 8 : i32
        %get3A_806 = arith.index_cast %get3A_805 : i32 to index
        %get3A_807 = arith.index_cast %scan3A_773 : i32 to index
        %get3A_808 = arith.constant 32 : index
        %get3A_809 = tpu.vector_load %arg6[%get3A_806, %get3A_807, %get3A_808] {strides = array<i32>} : memref<16x100x64xf32, #tpu.memory_space<vmem>>, vector<1x1x16xf32>,
        %get3A_810 = vector.shape_cast %get3A_809 : vector<1x1x16xf32> to vector<16xf32>
        %add3A_811 = arith.addf %scan3A_776, %get3A_810 : vector<16xf32>
        %get3A_812 = arith.constant 9 : i32
        %get3A_813 = arith.index_cast %get3A_812 : i32 to index
        %get3A_814 = arith.index_cast %scan3A_773 : i32 to index
        %get3A_815 = arith.constant 32 : index
        %get3A_816 = tpu.vector_load %arg6[%get3A_813, %get3A_814, %get3A_815] {strides = array<i32>} : memref<16x100x64xf32, #tpu.memory_space<vmem>>, vector<1x1x16xf32>,
        %get3A_817 = vector.shape_cast %get3A_816 : vector<1x1x16xf32> to vector<16xf32>
        %add3A_818 = arith.addf %add3A_811, %get3A_817 : vector<16xf32>
        %get3A_819 = arith.constant 8 : i32
        %get3A_820 = arith.index_cast %get3A_819 : i32 to index
        %get3A_821 = arith.index_cast %scan3A_773 : i32 to index
        %get3A_822 = arith.constant 48 : index
        %get3A_823 = tpu.vector_load %arg6[%get3A_820, %get3A_821, %get3A_822] {strides = array<i32>} : memref<16x100x64xf32, #tpu.memory_space<vmem>>, vector<1x1x16xf32>,
        %get3A_824 = vector.shape_cast %get3A_823 : vector<1x1x16xf32> to vector<16xf32>
        %add3A_825 = arith.addf %scan3A_777, %get3A_824 : vector<16xf32>
        %get3A_826 = arith.constant 9 : i32
        %get3A_827 = arith.index_cast %get3A_826 : i32 to index
        %get3A_828 = arith.index_cast %scan3A_773 : i32 to index
        %get3A_829 = arith.constant 48 : index
        %get3A_830 = tpu.vector_load %arg6[%get3A_827, %get3A_828, %get3A_829] {strides = array<i32>} : memref<16x100x64xf32, #tpu.memory_space<vmem>>, vector<1x1x16xf32>,
        %get3A_831 = vector.shape_cast %get3A_830 : vector<1x1x16xf32> to vector<16xf32>
        %add3A_832 = arith.addf %add3A_825, %get3A_831 : vector<16xf32>
        %scan3A_833 = arith.constant 1 : i32
        %scan3A_834 = arith.addi %scan3A_773, %scan3A_833 : i32
        %get3A_835 = arith.constant 8 : i32
        %get3A_836 = arith.index_cast %get3A_835 : i32 to index
        %get3A_837 = arith.index_cast %scan3A_834 : i32 to index
        %get3A_838 = arith.constant 0 : index
        %get3A_839 = tpu.vector_load %arg6[%get3A_836, %get3A_837, %get3A_838] {strides = array<i32>} : memref<16x100x64xf32, #tpu.memory_space<vmem>>, vector<1x1x16xf32>,
        %get3A_840 = vector.shape_cast %get3A_839 : vector<1x1x16xf32> to vector<16xf32>
        %add3A_841 = arith.addf %add3A_790, %get3A_840 : vector<16xf32>
        %get3A_842 = arith.constant 9 : i32
        %get3A_843 = arith.index_cast %get3A_842 : i32 to index
        %get3A_844 = arith.index_cast %scan3A_834 : i32 to index
        %get3A_845 = arith.constant 0 : index
        %get3A_846 = tpu.vector_load %arg6[%get3A_843, %get3A_844, %get3A_845] {strides = array<i32>} : memref<16x100x64xf32, #tpu.memory_space<vmem>>, vector<1x1x16xf32>,
        %get3A_847 = vector.shape_cast %get3A_846 : vector<1x1x16xf32> to vector<16xf32>
        %add3A_848 = arith.addf %add3A_841, %get3A_847 : vector<16xf32>
        %get3A_849 = arith.constant 8 : i32
        %get3A_850 = arith.index_cast %get3A_849 : i32 to index
        %get3A_851 = arith.index_cast %scan3A_834 : i32 to index
        %get3A_852 = arith.constant 16 : index
        %get3A_853 = tpu.vector_load %arg6[%get3A_850, %get3A_851, %get3A_852] {strides = array<i32>} : memref<16x100x64xf32, #tpu.memory_space<vmem>>, vector<1x1x16xf32>,
        %get3A_854 = vector.shape_cast %get3A_853 : vector<1x1x16xf32> to vector<16xf32>
        %add3A_855 = arith.addf %add3A_804, %get3A_854 : vector<16xf32>
        %get3A_856 = arith.constant 9 : i32
        %get3A_857 = arith.index_cast %get3A_856 : i32 to index
        %get3A_858 = arith.index_cast %scan3A_834 : i32 to index
        %get3A_859 = arith.constant 16 : index
        %get3A_860 = tpu.vector_load %arg6[%get3A_857, %get3A_858, %get3A_859] {strides = array<i32>} : memref<16x100x64xf32, #tpu.memory_space<vmem>>, vector<1x1x16xf32>,
        %get3A_861 = vector.shape_cast %get3A_860 : vector<1x1x16xf32> to vector<16xf32>
        %add3A_862 = arith.addf %add3A_855, %get3A_861 : vector<16xf32>
        %get3A_863 = arith.constant 8 : i32
        %get3A_864 = arith.index_cast %get3A_863 : i32 to index
        %get3A_865 = arith.index_cast %scan3A_834 : i32 to index
        %get3A_866 = arith.constant 32 : index
        %get3A_867 = tpu.vector_load %arg6[%get3A_864, %get3A_865, %get3A_866] {strides = array<i32>} : memref<16x100x64xf32, #tpu.memory_space<vmem>>, vector<1x1x16xf32>,
        %get3A_868 = vector.shape_cast %get3A_867 : vector<1x1x16xf32> to vector<16xf32>
        %add3A_869 = arith.addf %add3A_818, %get3A_868 : vector<16xf32>
        %get3A_870 = arith.constant 9 : i32
        %get3A_871 = arith.index_cast %get3A_870 : i32 to index
        %get3A_872 = arith.index_cast %scan3A_834 : i32 to index
        %get3A_873 = arith.constant 32 : index
        %get3A_874 = tpu.vector_load %arg6[%get3A_871, %get3A_872, %get3A_873] {strides = array<i32>} : memref<16x100x64xf32, #tpu.memory_space<vmem>>, vector<1x1x16xf32>,
        %get3A_875 = vector.shape_cast %get3A_874 : vector<1x1x16xf32> to vector<16xf32>
        %add3A_876 = arith.addf %add3A_869, %get3A_875 : vector<16xf32>
        %get3A_877 = arith.constant 8 : i32
        %get3A_878 = arith.index_cast %get3A_877 : i32 to index
        %get3A_879 = arith.index_cast %scan3A_834 : i32 to index
        %get3A_880 = arith.constant 48 : index
        %get3A_881 = tpu.vector_load %arg6[%get3A_878, %get3A_879, %get3A_880] {strides = array<i32>} : memref<16x100x64xf32, #tpu.memory_space<vmem>>, vector<1x1x16xf32>,
        %get3A_882 = vector.shape_cast %get3A_881 : vector<1x1x16xf32> to vector<16xf32>
        %add3A_883 = arith.addf %add3A_832, %get3A_882 : vector<16xf32>
        %get3A_884 = arith.constant 9 : i32
        %get3A_885 = arith.index_cast %get3A_884 : i32 to index
        %get3A_886 = arith.index_cast %scan3A_834 : i32 to index
        %get3A_887 = arith.constant 48 : index
        %get3A_888 = tpu.vector_load %arg6[%get3A_885, %get3A_886, %get3A_887] {strides = array<i32>} : memref<16x100x64xf32, #tpu.memory_space<vmem>>, vector<1x1x16xf32>,
        %get3A_889 = vector.shape_cast %get3A_888 : vector<1x1x16xf32> to vector<16xf32>
        %add3A_890 = arith.addf %add3A_883, %get3A_889 : vector<16xf32>
        scf.yield %add3A_848, %add3A_862, %add3A_876, %add3A_890 : vector<16xf32>, vector<16xf32>, vector<16xf32>, vector<16xf32>
      }
      %scan3A_602 = arith.constant 100 : i32
      %mul3A_603 = vector.broadcast %scan3A_6 : f32 to vector<16xf32>
      %mul3A_604 = arith.mulf %scan3A_601#0, %mul3A_603 : vector<16xf32>
      %swap3A_605 = arith.constant 4 : i32
      %swap3A_606 = arith.index_cast %swap3A_605 : i32 to index
      %swap3A_607 = arith.constant 0 : index
      %swap3A_608 = tpu.vector_load %arg7[%swap3A_606, %swap3A_607] {strides = array<i32>} : memref<8x64xf32, #tpu.memory_space<vmem>>, vector<1x16xf32>,
      %swap3A_609 = vector.shape_cast %swap3A_608 : vector<1x16xf32> to vector<16xf32>
      %swap3A_610 = vector.shape_cast %mul3A_604 : vector<16xf32> to vector<1x16xf32>
      tpu.vector_store %arg7[%swap3A_606, %swap3A_607], %swap3A_610 {strides = array<i32>} : memref<8x64xf32, #tpu.memory_space<vmem>>, vector<1x16xf32>,
      %mul3A_611 = vector.broadcast %scan3A_6 : f32 to vector<16xf32>
      %mul3A_612 = arith.mulf %scan3A_601#1, %mul3A_611 : vector<16xf32>
      %swap3A_613 = arith.constant 4 : i32
      %swap3A_614 = arith.index_cast %swap3A_613 : i32 to index
      %swap3A_615 = arith.constant 16 : index
      %swap3A_616 = tpu.vector_load %arg7[%swap3A_614, %swap3A_615] {strides = array<i32>} : memref<8x64xf32, #tpu.memory_space<vmem>>, vector<1x16xf32>,
      %swap3A_617 = vector.shape_cast %swap3A_616 : vector<1x16xf32> to vector<16xf32>
      %swap3A_618 = vector.shape_cast %mul3A_612 : vector<16xf32> to vector<1x16xf32>
      tpu.vector_store %arg7[%swap3A_614, %swap3A_615], %swap3A_618 {strides = array<i32>} : memref<8x64xf32, #tpu.memory_space<vmem>>, vector<1x16xf32>,
      %mul3A_619 = vector.broadcast %scan3A_6 : f32 to vector<16xf32>
      %mul3A_620 = arith.mulf %scan3A_601#2, %mul3A_619 : vector<16xf32>
      %swap3A_621 = arith.constant 4 : i32
      %swap3A_622 = arith.index_cast %swap3A_621 : i32 to index
      %swap3A_623 = arith.constant 32 : index
      %swap3A_624 = tpu.vector_load %arg7[%swap3A_622, %swap3A_623] {strides = array<i32>} : memref<8x64xf32, #tpu.memory_space<vmem>>, vector<1x16xf32>,
      %swap3A_625 = vector.shape_cast %swap3A_624 : vector<1x16xf32> to vector<16xf32>
      %swap3A_626 = vector.shape_cast %mul3A_620 : vector<16xf32> to vector<1x16xf32>
      tpu.vector_store %arg7[%swap3A_622, %swap3A_623], %swap3A_626 {strides = array<i32>} : memref<8x64xf32, #tpu.memory_space<vmem>>, vector<1x16xf32>,
      %mul3A_627 = vector.broadcast %scan3A_6 : f32 to vector<16xf32>
      %mul3A_628 = arith.mulf %scan3A_601#3, %mul3A_627 : vector<16xf32>
      %swap3A_629 = arith.constant 4 : i32
      %swap3A_630 = arith.index_cast %swap3A_629 : i32 to index
      %swap3A_631 = arith.constant 48 : index
      %swap3A_632 = tpu.vector_load %arg7[%swap3A_630, %swap3A_631] {strides = array<i32>} : memref<8x64xf32, #tpu.memory_space<vmem>>, vector<1x16xf32>,
      %swap3A_633 = vector.shape_cast %swap3A_632 : vector<1x16xf32> to vector<16xf32>
      %swap3A_634 = vector.shape_cast %mul3A_628 : vector<16xf32> to vector<1x16xf32>
      tpu.vector_store %arg7[%swap3A_630, %swap3A_631], %swap3A_634 {strides = array<i32>} : memref<8x64xf32, #tpu.memory_space<vmem>>, vector<1x16xf32>,
      %broadcast_in_dim3A_635 = arith.constant 0.000000e+00 : f32
      %broadcast_in_dim3A_636 = vector.broadcast %broadcast_in_dim3A_635 : f32 to vector<16xf32>
      %broadcast_in_dim3A_637 = arith.constant 0.000000e+00 : f32
      %broadcast_in_dim3A_638 = vector.broadcast %broadcast_in_dim3A_637 : f32 to vector<16xf32>
      %broadcast_in_dim3A_639 = arith.constant 0.000000e+00 : f32
      %broadcast_in_dim3A_640 = vector.broadcast %broadcast_in_dim3A_639 : f32 to vector<16xf32>
      %broadcast_in_dim3A_641 = arith.constant 0.000000e+00 : f32
      %broadcast_in_dim3A_642 = vector.broadcast %broadcast_in_dim3A_641 : f32 to vector<16xf32>
      %scan3A_643 = arith.constant 0 : i32
      %scan3A_644 = arith.constant 100 : i32
      %scan3A_645 = arith.addi %scan3A_643, %scan3A_644 : i32
      %scan3A_646 = arith.constant 2 : i32
      %scan3A_647:4 = scf.for %scan3A_773 = %scan3A_643 to %scan3A_645 step %scan3A_646 iter_args(%scan3A_774 = %broadcast_in_dim3A_636, %scan3A_775 = %broadcast_in_dim3A_638, %scan3A_776 = %broadcast_in_dim3A_640, %scan3A_777 = %broadcast_in_dim3A_642) -> (vector<16xf32>, vector<16xf32>, vector<16xf32>, vector<16xf32>)  : i32 {
        %get3A = arith.constant 10 : i32
        %get3A_778 = arith.index_cast %get3A : i32 to index
        %get3A_779 = arith.index_cast %scan3A_773 : i32 to index
        %get3A_780 = arith.constant 0 : index
        %get3A_781 = tpu.vector_load %arg6[%get3A_778, %get3A_779, %get3A_780] {strides = array<i32>} : memref<16x100x64xf32, #tpu.memory_space<vmem>>, vector<1x1x16xf32>,
        %get3A_782 = vector.shape_cast %get3A_781 : vector<1x1x16xf32> to vector<16xf32>
        %add3A_783 = arith.addf %scan3A_774, %get3A_782 : vector<16xf32>
        %get3A_784 = arith.constant 11 : i32
        %get3A_785 = arith.index_cast %get3A_784 : i32 to index
        %get3A_786 = arith.index_cast %scan3A_773 : i32 to index
        %get3A_787 = arith.constant 0 : index
        %get3A_788 = tpu.vector_load %arg6[%get3A_785, %get3A_786, %get3A_787] {strides = array<i32>} : memref<16x100x64xf32, #tpu.memory_space<vmem>>, vector<1x1x16xf32>,
        %get3A_789 = vector.shape_cast %get3A_788 : vector<1x1x16xf32> to vector<16xf32>
        %add3A_790 = arith.addf %add3A_783, %get3A_789 : vector<16xf32>
        %get3A_791 = arith.constant 10 : i32
        %get3A_792 = arith.index_cast %get3A_791 : i32 to index
        %get3A_793 = arith.index_cast %scan3A_773 : i32 to index
        %get3A_794 = arith.constant 16 : index
        %get3A_795 = tpu.vector_load %arg6[%get3A_792, %get3A_793, %get3A_794] {strides = array<i32>} : memref<16x100x64xf32, #tpu.memory_space<vmem>>, vector<1x1x16xf32>,
        %get3A_796 = vector.shape_cast %get3A_795 : vector<1x1x16xf32> to vector<16xf32>
        %add3A_797 = arith.addf %scan3A_775, %get3A_796 : vector<16xf32>
        %get3A_798 = arith.constant 11 : i32
        %get3A_799 = arith.index_cast %get3A_798 : i32 to index
        %get3A_800 = arith.index_cast %scan3A_773 : i32 to index
        %get3A_801 = arith.constant 16 : index
        %get3A_802 = tpu.vector_load %arg6[%get3A_799, %get3A_800, %get3A_801] {strides = array<i32>} : memref<16x100x64xf32, #tpu.memory_space<vmem>>, vector<1x1x16xf32>,
        %get3A_803 = vector.shape_cast %get3A_802 : vector<1x1x16xf32> to vector<16xf32>
        %add3A_804 = arith.addf %add3A_797, %get3A_803 : vector<16xf32>
        %get3A_805 = arith.constant 10 : i32
        %get3A_806 = arith.index_cast %get3A_805 : i32 to index
        %get3A_807 = arith.index_cast %scan3A_773 : i32 to index
        %get3A_808 = arith.constant 32 : index
        %get3A_809 = tpu.vector_load %arg6[%get3A_806, %get3A_807, %get3A_808] {strides = array<i32>} : memref<16x100x64xf32, #tpu.memory_space<vmem>>, vector<1x1x16xf32>,
        %get3A_810 = vector.shape_cast %get3A_809 : vector<1x1x16xf32> to vector<16xf32>
        %add3A_811 = arith.addf %scan3A_776, %get3A_810 : vector<16xf32>
        %get3A_812 = arith.constant 11 : i32
        %get3A_813 = arith.index_cast %get3A_812 : i32 to index
        %get3A_814 = arith.index_cast %scan3A_773 : i32 to index
        %get3A_815 = arith.constant 32 : index
        %get3A_816 = tpu.vector_load %arg6[%get3A_813, %get3A_814, %get3A_815] {strides = array<i32>} : memref<16x100x64xf32, #tpu.memory_space<vmem>>, vector<1x1x16xf32>,
        %get3A_817 = vector.shape_cast %get3A_816 : vector<1x1x16xf32> to vector<16xf32>
        %add3A_818 = arith.addf %add3A_811, %get3A_817 : vector<16xf32>
        %get3A_819 = arith.constant 10 : i32
        %get3A_820 = arith.index_cast %get3A_819 : i32 to index
        %get3A_821 = arith.index_cast %scan3A_773 : i32 to index
        %get3A_822 = arith.constant 48 : index
        %get3A_823 = tpu.vector_load %arg6[%get3A_820, %get3A_821, %get3A_822] {strides = array<i32>} : memref<16x100x64xf32, #tpu.memory_space<vmem>>, vector<1x1x16xf32>,
        %get3A_824 = vector.shape_cast %get3A_823 : vector<1x1x16xf32> to vector<16xf32>
        %add3A_825 = arith.addf %scan3A_777, %get3A_824 : vector<16xf32>
        %get3A_826 = arith.constant 11 : i32
        %get3A_827 = arith.index_cast %get3A_826 : i32 to index
        %get3A_828 = arith.index_cast %scan3A_773 : i32 to index
        %get3A_829 = arith.constant 48 : index
        %get3A_830 = tpu.vector_load %arg6[%get3A_827, %get3A_828, %get3A_829] {strides = array<i32>} : memref<16x100x64xf32, #tpu.memory_space<vmem>>, vector<1x1x16xf32>,
        %get3A_831 = vector.shape_cast %get3A_830 : vector<1x1x16xf32> to vector<16xf32>
        %add3A_832 = arith.addf %add3A_825, %get3A_831 : vector<16xf32>
        %scan3A_833 = arith.constant 1 : i32
        %scan3A_834 = arith.addi %scan3A_773, %scan3A_833 : i32
        %get3A_835 = arith.constant 10 : i32
        %get3A_836 = arith.index_cast %get3A_835 : i32 to index
        %get3A_837 = arith.index_cast %scan3A_834 : i32 to index
        %get3A_838 = arith.constant 0 : index
        %get3A_839 = tpu.vector_load %arg6[%get3A_836, %get3A_837, %get3A_838] {strides = array<i32>} : memref<16x100x64xf32, #tpu.memory_space<vmem>>, vector<1x1x16xf32>,
        %get3A_840 = vector.shape_cast %get3A_839 : vector<1x1x16xf32> to vector<16xf32>
        %add3A_841 = arith.addf %add3A_790, %get3A_840 : vector<16xf32>
        %get3A_842 = arith.constant 11 : i32
        %get3A_843 = arith.index_cast %get3A_842 : i32 to index
        %get3A_844 = arith.index_cast %scan3A_834 : i32 to index
        %get3A_845 = arith.constant 0 : index
        %get3A_846 = tpu.vector_load %arg6[%get3A_843, %get3A_844, %get3A_845] {strides = array<i32>} : memref<16x100x64xf32, #tpu.memory_space<vmem>>, vector<1x1x16xf32>,
        %get3A_847 = vector.shape_cast %get3A_846 : vector<1x1x16xf32> to vector<16xf32>
        %add3A_848 = arith.addf %add3A_841, %get3A_847 : vector<16xf32>
        %get3A_849 = arith.constant 10 : i32
        %get3A_850 = arith.index_cast %get3A_849 : i32 to index
        %get3A_851 = arith.index_cast %scan3A_834 : i32 to index
        %get3A_852 = arith.constant 16 : index
        %get3A_853 = tpu.vector_load %arg6[%get3A_850, %get3A_851, %get3A_852] {strides = array<i32>} : memref<16x100x64xf32, #tpu.memory_space<vmem>>, vector<1x1x16xf32>,
        %get3A_854 = vector.shape_cast %get3A_853 : vector<1x1x16xf32> to vector<16xf32>
        %add3A_855 = arith.addf %add3A_804, %get3A_854 : vector<16xf32>
        %get3A_856 = arith.constant 11 : i32
        %get3A_857 = arith.index_cast %get3A_856 : i32 to index
        %get3A_858 = arith.index_cast %scan3A_834 : i32 to index
        %get3A_859 = arith.constant 16 : index
        %get3A_860 = tpu.vector_load %arg6[%get3A_857, %get3A_858, %get3A_859] {strides = array<i32>} : memref<16x100x64xf32, #tpu.memory_space<vmem>>, vector<1x1x16xf32>,
        %get3A_861 = vector.shape_cast %get3A_860 : vector<1x1x16xf32> to vector<16xf32>
        %add3A_862 = arith.addf %add3A_855, %get3A_861 : vector<16xf32>
        %get3A_863 = arith.constant 10 : i32
        %get3A_864 = arith.index_cast %get3A_863 : i32 to index
        %get3A_865 = arith.index_cast %scan3A_834 : i32 to index
        %get3A_866 = arith.constant 32 : index
        %get3A_867 = tpu.vector_load %arg6[%get3A_864, %get3A_865, %get3A_866] {strides = array<i32>} : memref<16x100x64xf32, #tpu.memory_space<vmem>>, vector<1x1x16xf32>,
        %get3A_868 = vector.shape_cast %get3A_867 : vector<1x1x16xf32> to vector<16xf32>
        %add3A_869 = arith.addf %add3A_818, %get3A_868 : vector<16xf32>
        %get3A_870 = arith.constant 11 : i32
        %get3A_871 = arith.index_cast %get3A_870 : i32 to index
        %get3A_872 = arith.index_cast %scan3A_834 : i32 to index
        %get3A_873 = arith.constant 32 : index
        %get3A_874 = tpu.vector_load %arg6[%get3A_871, %get3A_872, %get3A_873] {strides = array<i32>} : memref<16x100x64xf32, #tpu.memory_space<vmem>>, vector<1x1x16xf32>,
        %get3A_875 = vector.shape_cast %get3A_874 : vector<1x1x16xf32> to vector<16xf32>
        %add3A_876 = arith.addf %add3A_869, %get3A_875 : vector<16xf32>
        %get3A_877 = arith.constant 10 : i32
        %get3A_878 = arith.index_cast %get3A_877 : i32 to index
        %get3A_879 = arith.index_cast %scan3A_834 : i32 to index
        %get3A_880 = arith.constant 48 : index
        %get3A_881 = tpu.vector_load %arg6[%get3A_878, %get3A_879, %get3A_880] {strides = array<i32>} : memref<16x100x64xf32, #tpu.memory_space<vmem>>, vector<1x1x16xf32>,
        %get3A_882 = vector.shape_cast %get3A_881 : vector<1x1x16xf32> to vector<16xf32>
        %add3A_883 = arith.addf %add3A_832, %get3A_882 : vector<16xf32>
        %get3A_884 = arith.constant 11 : i32
        %get3A_885 = arith.index_cast %get3A_884 : i32 to index
        %get3A_886 = arith.index_cast %scan3A_834 : i32 to index
        %get3A_887 = arith.constant 48 : index
        %get3A_888 = tpu.vector_load %arg6[%get3A_885, %get3A_886, %get3A_887] {strides = array<i32>} : memref<16x100x64xf32, #tpu.memory_space<vmem>>, vector<1x1x16xf32>,
        %get3A_889 = vector.shape_cast %get3A_888 : vector<1x1x16xf32> to vector<16xf32>
        %add3A_890 = arith.addf %add3A_883, %get3A_889 : vector<16xf32>
        scf.yield %add3A_848, %add3A_862, %add3A_876, %add3A_890 : vector<16xf32>, vector<16xf32>, vector<16xf32>, vector<16xf32>
      }
      %scan3A_648 = arith.constant 100 : i32
      %mul3A_649 = vector.broadcast %scan3A_6 : f32 to vector<16xf32>
      %mul3A_650 = arith.mulf %scan3A_647#0, %mul3A_649 : vector<16xf32>
      %swap3A_651 = arith.constant 5 : i32
      %swap3A_652 = arith.index_cast %swap3A_651 : i32 to index
      %swap3A_653 = arith.constant 0 : index
      %swap3A_654 = tpu.vector_load %arg7[%swap3A_652, %swap3A_653] {strides = array<i32>} : memref<8x64xf32, #tpu.memory_space<vmem>>, vector<1x16xf32>,
      %swap3A_655 = vector.shape_cast %swap3A_654 : vector<1x16xf32> to vector<16xf32>
      %swap3A_656 = vector.shape_cast %mul3A_650 : vector<16xf32> to vector<1x16xf32>
      tpu.vector_store %arg7[%swap3A_652, %swap3A_653], %swap3A_656 {strides = array<i32>} : memref<8x64xf32, #tpu.memory_space<vmem>>, vector<1x16xf32>,
      %mul3A_657 = vector.broadcast %scan3A_6 : f32 to vector<16xf32>
      %mul3A_658 = arith.mulf %scan3A_647#1, %mul3A_657 : vector<16xf32>
      %swap3A_659 = arith.constant 5 : i32
      %swap3A_660 = arith.index_cast %swap3A_659 : i32 to index
      %swap3A_661 = arith.constant 16 : index
      %swap3A_662 = tpu.vector_load %arg7[%swap3A_660, %swap3A_661] {strides = array<i32>} : memref<8x64xf32, #tpu.memory_space<vmem>>, vector<1x16xf32>,
      %swap3A_663 = vector.shape_cast %swap3A_662 : vector<1x16xf32> to vector<16xf32>
      %swap3A_664 = vector.shape_cast %mul3A_658 : vector<16xf32> to vector<1x16xf32>
      tpu.vector_store %arg7[%swap3A_660, %swap3A_661], %swap3A_664 {strides = array<i32>} : memref<8x64xf32, #tpu.memory_space<vmem>>, vector<1x16xf32>,
      %mul3A_665 = vector.broadcast %scan3A_6 : f32 to vector<16xf32>
      %mul3A_666 = arith.mulf %scan3A_647#2, %mul3A_665 : vector<16xf32>
      %swap3A_667 = arith.constant 5 : i32
      %swap3A_668 = arith.index_cast %swap3A_667 : i32 to index
      %swap3A_669 = arith.constant 32 : index
      %swap3A_670 = tpu.vector_load %arg7[%swap3A_668, %swap3A_669] {strides = array<i32>} : memref<8x64xf32, #tpu.memory_space<vmem>>, vector<1x16xf32>,
      %swap3A_671 = vector.shape_cast %swap3A_670 : vector<1x16xf32> to vector<16xf32>
      %swap3A_672 = vector.shape_cast %mul3A_666 : vector<16xf32> to vector<1x16xf32>
      tpu.vector_store %arg7[%swap3A_668, %swap3A_669], %swap3A_672 {strides = array<i32>} : memref<8x64xf32, #tpu.memory_space<vmem>>, vector<1x16xf32>,
      %mul3A_673 = vector.broadcast %scan3A_6 : f32 to vector<16xf32>
      %mul3A_674 = arith.mulf %scan3A_647#3, %mul3A_673 : vector<16xf32>
      %swap3A_675 = arith.constant 5 : i32
      %swap3A_676 = arith.index_cast %swap3A_675 : i32 to index
      %swap3A_677 = arith.constant 48 : index
      %swap3A_678 = tpu.vector_load %arg7[%swap3A_676, %swap3A_677] {strides = array<i32>} : memref<8x64xf32, #tpu.memory_space<vmem>>, vector<1x16xf32>,
      %swap3A_679 = vector.shape_cast %swap3A_678 : vector<1x16xf32> to vector<16xf32>
      %swap3A_680 = vector.shape_cast %mul3A_674 : vector<16xf32> to vector<1x16xf32>
      tpu.vector_store %arg7[%swap3A_676, %swap3A_677], %swap3A_680 {strides = array<i32>} : memref<8x64xf32, #tpu.memory_space<vmem>>, vector<1x16xf32>,
      %broadcast_in_dim3A_681 = arith.constant 0.000000e+00 : f32
      %broadcast_in_dim3A_682 = vector.broadcast %broadcast_in_dim3A_681 : f32 to vector<16xf32>
      %broadcast_in_dim3A_683 = arith.constant 0.000000e+00 : f32
      %broadcast_in_dim3A_684 = vector.broadcast %broadcast_in_dim3A_683 : f32 to vector<16xf32>
      %broadcast_in_dim3A_685 = arith.constant 0.000000e+00 : f32
      %broadcast_in_dim3A_686 = vector.broadcast %broadcast_in_dim3A_685 : f32 to vector<16xf32>
      %broadcast_in_dim3A_687 = arith.constant 0.000000e+00 : f32
      %broadcast_in_dim3A_688 = vector.broadcast %broadcast_in_dim3A_687 : f32 to vector<16xf32>
      %scan3A_689 = arith.constant 0 : i32
      %scan3A_690 = arith.constant 100 : i32
      %scan3A_691 = arith.addi %scan3A_689, %scan3A_690 : i32
      %scan3A_692 = arith.constant 2 : i32
      %scan3A_693:4 = scf.for %scan3A_773 = %scan3A_689 to %scan3A_691 step %scan3A_692 iter_args(%scan3A_774 = %broadcast_in_dim3A_682, %scan3A_775 = %broadcast_in_dim3A_684, %scan3A_776 = %broadcast_in_dim3A_686, %scan3A_777 = %broadcast_in_dim3A_688) -> (vector<16xf32>, vector<16xf32>, vector<16xf32>, vector<16xf32>)  : i32 {
        %get3A = arith.constant 12 : i32
        %get3A_778 = arith.index_cast %get3A : i32 to index
        %get3A_779 = arith.index_cast %scan3A_773 : i32 to index
        %get3A_780 = arith.constant 0 : index
        %get3A_781 = tpu.vector_load %arg6[%get3A_778, %get3A_779, %get3A_780] {strides = array<i32>} : memref<16x100x64xf32, #tpu.memory_space<vmem>>, vector<1x1x16xf32>,
        %get3A_782 = vector.shape_cast %get3A_781 : vector<1x1x16xf32> to vector<16xf32>
        %add3A_783 = arith.addf %scan3A_774, %get3A_782 : vector<16xf32>
        %get3A_784 = arith.constant 13 : i32
        %get3A_785 = arith.index_cast %get3A_784 : i32 to index
        %get3A_786 = arith.index_cast %scan3A_773 : i32 to index
        %get3A_787 = arith.constant 0 : index
        %get3A_788 = tpu.vector_load %arg6[%get3A_785, %get3A_786, %get3A_787] {strides = array<i32>} : memref<16x100x64xf32, #tpu.memory_space<vmem>>, vector<1x1x16xf32>,
        %get3A_789 = vector.shape_cast %get3A_788 : vector<1x1x16xf32> to vector<16xf32>
        %add3A_790 = arith.addf %add3A_783, %get3A_789 : vector<16xf32>
        %get3A_791 = arith.constant 12 : i32
        %get3A_792 = arith.index_cast %get3A_791 : i32 to index
        %get3A_793 = arith.index_cast %scan3A_773 : i32 to index
        %get3A_794 = arith.constant 16 : index
        %get3A_795 = tpu.vector_load %arg6[%get3A_792, %get3A_793, %get3A_794] {strides = array<i32>} : memref<16x100x64xf32, #tpu.memory_space<vmem>>, vector<1x1x16xf32>,
        %get3A_796 = vector.shape_cast %get3A_795 : vector<1x1x16xf32> to vector<16xf32>
        %add3A_797 = arith.addf %scan3A_775, %get3A_796 : vector<16xf32>
        %get3A_798 = arith.constant 13 : i32
        %get3A_799 = arith.index_cast %get3A_798 : i32 to index
        %get3A_800 = arith.index_cast %scan3A_773 : i32 to index
        %get3A_801 = arith.constant 16 : index
        %get3A_802 = tpu.vector_load %arg6[%get3A_799, %get3A_800, %get3A_801] {strides = array<i32>} : memref<16x100x64xf32, #tpu.memory_space<vmem>>, vector<1x1x16xf32>,
        %get3A_803 = vector.shape_cast %get3A_802 : vector<1x1x16xf32> to vector<16xf32>
        %add3A_804 = arith.addf %add3A_797, %get3A_803 : vector<16xf32>
        %get3A_805 = arith.constant 12 : i32
        %get3A_806 = arith.index_cast %get3A_805 : i32 to index
        %get3A_807 = arith.index_cast %scan3A_773 : i32 to index
        %get3A_808 = arith.constant 32 : index
        %get3A_809 = tpu.vector_load %arg6[%get3A_806, %get3A_807, %get3A_808] {strides = array<i32>} : memref<16x100x64xf32, #tpu.memory_space<vmem>>, vector<1x1x16xf32>,
        %get3A_810 = vector.shape_cast %get3A_809 : vector<1x1x16xf32> to vector<16xf32>
        %add3A_811 = arith.addf %scan3A_776, %get3A_810 : vector<16xf32>
        %get3A_812 = arith.constant 13 : i32
        %get3A_813 = arith.index_cast %get3A_812 : i32 to index
        %get3A_814 = arith.index_cast %scan3A_773 : i32 to index
        %get3A_815 = arith.constant 32 : index
        %get3A_816 = tpu.vector_load %arg6[%get3A_813, %get3A_814, %get3A_815] {strides = array<i32>} : memref<16x100x64xf32, #tpu.memory_space<vmem>>, vector<1x1x16xf32>,
        %get3A_817 = vector.shape_cast %get3A_816 : vector<1x1x16xf32> to vector<16xf32>
        %add3A_818 = arith.addf %add3A_811, %get3A_817 : vector<16xf32>
        %get3A_819 = arith.constant 12 : i32
        %get3A_820 = arith.index_cast %get3A_819 : i32 to index
        %get3A_821 = arith.index_cast %scan3A_773 : i32 to index
        %get3A_822 = arith.constant 48 : index
        %get3A_823 = tpu.vector_load %arg6[%get3A_820, %get3A_821, %get3A_822] {strides = array<i32>} : memref<16x100x64xf32, #tpu.memory_space<vmem>>, vector<1x1x16xf32>,
        %get3A_824 = vector.shape_cast %get3A_823 : vector<1x1x16xf32> to vector<16xf32>
        %add3A_825 = arith.addf %scan3A_777, %get3A_824 : vector<16xf32>
        %get3A_826 = arith.constant 13 : i32
        %get3A_827 = arith.index_cast %get3A_826 : i32 to index
        %get3A_828 = arith.index_cast %scan3A_773 : i32 to index
        %get3A_829 = arith.constant 48 : index
        %get3A_830 = tpu.vector_load %arg6[%get3A_827, %get3A_828, %get3A_829] {strides = array<i32>} : memref<16x100x64xf32, #tpu.memory_space<vmem>>, vector<1x1x16xf32>,
        %get3A_831 = vector.shape_cast %get3A_830 : vector<1x1x16xf32> to vector<16xf32>
        %add3A_832 = arith.addf %add3A_825, %get3A_831 : vector<16xf32>
        %scan3A_833 = arith.constant 1 : i32
        %scan3A_834 = arith.addi %scan3A_773, %scan3A_833 : i32
        %get3A_835 = arith.constant 12 : i32
        %get3A_836 = arith.index_cast %get3A_835 : i32 to index
        %get3A_837 = arith.index_cast %scan3A_834 : i32 to index
        %get3A_838 = arith.constant 0 : index
        %get3A_839 = tpu.vector_load %arg6[%get3A_836, %get3A_837, %get3A_838] {strides = array<i32>} : memref<16x100x64xf32, #tpu.memory_space<vmem>>, vector<1x1x16xf32>,
        %get3A_840 = vector.shape_cast %get3A_839 : vector<1x1x16xf32> to vector<16xf32>
        %add3A_841 = arith.addf %add3A_790, %get3A_840 : vector<16xf32>
        %get3A_842 = arith.constant 13 : i32
        %get3A_843 = arith.index_cast %get3A_842 : i32 to index
        %get3A_844 = arith.index_cast %scan3A_834 : i32 to index
        %get3A_845 = arith.constant 0 : index
        %get3A_846 = tpu.vector_load %arg6[%get3A_843, %get3A_844, %get3A_845] {strides = array<i32>} : memref<16x100x64xf32, #tpu.memory_space<vmem>>, vector<1x1x16xf32>,
        %get3A_847 = vector.shape_cast %get3A_846 : vector<1x1x16xf32> to vector<16xf32>
        %add3A_848 = arith.addf %add3A_841, %get3A_847 : vector<16xf32>
        %get3A_849 = arith.constant 12 : i32
        %get3A_850 = arith.index_cast %get3A_849 : i32 to index
        %get3A_851 = arith.index_cast %scan3A_834 : i32 to index
        %get3A_852 = arith.constant 16 : index
        %get3A_853 = tpu.vector_load %arg6[%get3A_850, %get3A_851, %get3A_852] {strides = array<i32>} : memref<16x100x64xf32, #tpu.memory_space<vmem>>, vector<1x1x16xf32>,
        %get3A_854 = vector.shape_cast %get3A_853 : vector<1x1x16xf32> to vector<16xf32>
        %add3A_855 = arith.addf %add3A_804, %get3A_854 : vector<16xf32>
        %get3A_856 = arith.constant 13 : i32
        %get3A_857 = arith.index_cast %get3A_856 : i32 to index
        %get3A_858 = arith.index_cast %scan3A_834 : i32 to index
        %get3A_859 = arith.constant 16 : index
        %get3A_860 = tpu.vector_load %arg6[%get3A_857, %get3A_858, %get3A_859] {strides = array<i32>} : memref<16x100x64xf32, #tpu.memory_space<vmem>>, vector<1x1x16xf32>,
        %get3A_861 = vector.shape_cast %get3A_860 : vector<1x1x16xf32> to vector<16xf32>
        %add3A_862 = arith.addf %add3A_855, %get3A_861 : vector<16xf32>
        %get3A_863 = arith.constant 12 : i32
        %get3A_864 = arith.index_cast %get3A_863 : i32 to index
        %get3A_865 = arith.index_cast %scan3A_834 : i32 to index
        %get3A_866 = arith.constant 32 : index
        %get3A_867 = tpu.vector_load %arg6[%get3A_864, %get3A_865, %get3A_866] {strides = array<i32>} : memref<16x100x64xf32, #tpu.memory_space<vmem>>, vector<1x1x16xf32>,
        %get3A_868 = vector.shape_cast %get3A_867 : vector<1x1x16xf32> to vector<16xf32>
        %add3A_869 = arith.addf %add3A_818, %get3A_868 : vector<16xf32>
        %get3A_870 = arith.constant 13 : i32
        %get3A_871 = arith.index_cast %get3A_870 : i32 to index
        %get3A_872 = arith.index_cast %scan3A_834 : i32 to index
        %get3A_873 = arith.constant 32 : index
        %get3A_874 = tpu.vector_load %arg6[%get3A_871, %get3A_872, %get3A_873] {strides = array<i32>} : memref<16x100x64xf32, #tpu.memory_space<vmem>>, vector<1x1x16xf32>,
        %get3A_875 = vector.shape_cast %get3A_874 : vector<1x1x16xf32> to vector<16xf32>
        %add3A_876 = arith.addf %add3A_869, %get3A_875 : vector<16xf32>
        %get3A_877 = arith.constant 12 : i32
        %get3A_878 = arith.index_cast %get3A_877 : i32 to index
        %get3A_879 = arith.index_cast %scan3A_834 : i32 to index
        %get3A_880 = arith.constant 48 : index
        %get3A_881 = tpu.vector_load %arg6[%get3A_878, %get3A_879, %get3A_880] {strides = array<i32>} : memref<16x100x64xf32, #tpu.memory_space<vmem>>, vector<1x1x16xf32>,
        %get3A_882 = vector.shape_cast %get3A_881 : vector<1x1x16xf32> to vector<16xf32>
        %add3A_883 = arith.addf %add3A_832, %get3A_882 : vector<16xf32>
        %get3A_884 = arith.constant 13 : i32
        %get3A_885 = arith.index_cast %get3A_884 : i32 to index
        %get3A_886 = arith.index_cast %scan3A_834 : i32 to index
        %get3A_887 = arith.constant 48 : index
        %get3A_888 = tpu.vector_load %arg6[%get3A_885, %get3A_886, %get3A_887] {strides = array<i32>} : memref<16x100x64xf32, #tpu.memory_space<vmem>>, vector<1x1x16xf32>,
        %get3A_889 = vector.shape_cast %get3A_888 : vector<1x1x16xf32> to vector<16xf32>
        %add3A_890 = arith.addf %add3A_883, %get3A_889 : vector<16xf32>
        scf.yield %add3A_848, %add3A_862, %add3A_876, %add3A_890 : vector<16xf32>, vector<16xf32>, vector<16xf32>, vector<16xf32>
      }
      %scan3A_694 = arith.constant 100 : i32
      %mul3A_695 = vector.broadcast %scan3A_6 : f32 to vector<16xf32>
      %mul3A_696 = arith.mulf %scan3A_693#0, %mul3A_695 : vector<16xf32>
      %swap3A_697 = arith.constant 6 : i32
      %swap3A_698 = arith.index_cast %swap3A_697 : i32 to index
      %swap3A_699 = arith.constant 0 : index
      %swap3A_700 = tpu.vector_load %arg7[%swap3A_698, %swap3A_699] {strides = array<i32>} : memref<8x64xf32, #tpu.memory_space<vmem>>, vector<1x16xf32>,
      %swap3A_701 = vector.shape_cast %swap3A_700 : vector<1x16xf32> to vector<16xf32>
      %swap3A_702 = vector.shape_cast %mul3A_696 : vector<16xf32> to vector<1x16xf32>
      tpu.vector_store %arg7[%swap3A_698, %swap3A_699], %swap3A_702 {strides = array<i32>} : memref<8x64xf32, #tpu.memory_space<vmem>>, vector<1x16xf32>,
      %mul3A_703 = vector.broadcast %scan3A_6 : f32 to vector<16xf32>
      %mul3A_704 = arith.mulf %scan3A_693#1, %mul3A_703 : vector<16xf32>
      %swap3A_705 = arith.constant 6 : i32
      %swap3A_706 = arith.index_cast %swap3A_705 : i32 to index
      %swap3A_707 = arith.constant 16 : index
      %swap3A_708 = tpu.vector_load %arg7[%swap3A_706, %swap3A_707] {strides = array<i32>} : memref<8x64xf32, #tpu.memory_space<vmem>>, vector<1x16xf32>,
      %swap3A_709 = vector.shape_cast %swap3A_708 : vector<1x16xf32> to vector<16xf32>
      %swap3A_710 = vector.shape_cast %mul3A_704 : vector<16xf32> to vector<1x16xf32>
      tpu.vector_store %arg7[%swap3A_706, %swap3A_707], %swap3A_710 {strides = array<i32>} : memref<8x64xf32, #tpu.memory_space<vmem>>, vector<1x16xf32>,
      %mul3A_711 = vector.broadcast %scan3A_6 : f32 to vector<16xf32>
      %mul3A_712 = arith.mulf %scan3A_693#2, %mul3A_711 : vector<16xf32>
      %swap3A_713 = arith.constant 6 : i32
      %swap3A_714 = arith.index_cast %swap3A_713 : i32 to index
      %swap3A_715 = arith.constant 32 : index
      %swap3A_716 = tpu.vector_load %arg7[%swap3A_714, %swap3A_715] {strides = array<i32>} : memref<8x64xf32, #tpu.memory_space<vmem>>, vector<1x16xf32>,
      %swap3A_717 = vector.shape_cast %swap3A_716 : vector<1x16xf32> to vector<16xf32>
      %swap3A_718 = vector.shape_cast %mul3A_712 : vector<16xf32> to vector<1x16xf32>
      tpu.vector_store %arg7[%swap3A_714, %swap3A_715], %swap3A_718 {strides = array<i32>} : memref<8x64xf32, #tpu.memory_space<vmem>>, vector<1x16xf32>,
      %mul3A_719 = vector.broadcast %scan3A_6 : f32 to vector<16xf32>
      %mul3A_720 = arith.mulf %scan3A_693#3, %mul3A_719 : vector<16xf32>
      %swap3A_721 = arith.constant 6 : i32
      %swap3A_722 = arith.index_cast %swap3A_721 : i32 to index
      %swap3A_723 = arith.constant 48 : index
      %swap3A_724 = tpu.vector_load %arg7[%swap3A_722, %swap3A_723] {strides = array<i32>} : memref<8x64xf32, #tpu.memory_space<vmem>>, vector<1x16xf32>,
      %swap3A_725 = vector.shape_cast %swap3A_724 : vector<1x16xf32> to vector<16xf32>
      %swap3A_726 = vector.shape_cast %mul3A_720 : vector<16xf32> to vector<1x16xf32>
      tpu.vector_store %arg7[%swap3A_722, %swap3A_723], %swap3A_726 {strides = array<i32>} : memref<8x64xf32, #tpu.memory_space<vmem>>, vector<1x16xf32>,
      %broadcast_in_dim3A_727 = arith.constant 0.000000e+00 : f32
      %broadcast_in_dim3A_728 = vector.broadcast %broadcast_in_dim3A_727 : f32 to vector<16xf32>
      %broadcast_in_dim3A_729 = arith.constant 0.000000e+00 : f32
      %broadcast_in_dim3A_730 = vector.broadcast %broadcast_in_dim3A_729 : f32 to vector<16xf32>
      %broadcast_in_dim3A_731 = arith.constant 0.000000e+00 : f32
      %broadcast_in_dim3A_732 = vector.broadcast %broadcast_in_dim3A_731 : f32 to vector<16xf32>
      %broadcast_in_dim3A_733 = arith.constant 0.000000e+00 : f32
      %broadcast_in_dim3A_734 = vector.broadcast %broadcast_in_dim3A_733 : f32 to vector<16xf32>
      %scan3A_735 = arith.constant 0 : i32
      %scan3A_736 = arith.constant 100 : i32
      %scan3A_737 = arith.addi %scan3A_735, %scan3A_736 : i32
      %scan3A_738 = arith.constant 2 : i32
      %scan3A_739:4 = scf.for %scan3A_773 = %scan3A_735 to %scan3A_737 step %scan3A_738 iter_args(%scan3A_774 = %broadcast_in_dim3A_728, %scan3A_775 = %broadcast_in_dim3A_730, %scan3A_776 = %broadcast_in_dim3A_732, %scan3A_777 = %broadcast_in_dim3A_734) -> (vector<16xf32>, vector<16xf32>, vector<16xf32>, vector<16xf32>)  : i32 {
        %get3A = arith.constant 14 : i32
        %get3A_778 = arith.index_cast %get3A : i32 to index
        %get3A_779 = arith.index_cast %scan3A_773 : i32 to index
        %get3A_780 = arith.constant 0 : index
        %get3A_781 = tpu.vector_load %arg6[%get3A_778, %get3A_779, %get3A_780] {strides = array<i32>} : memref<16x100x64xf32, #tpu.memory_space<vmem>>, vector<1x1x16xf32>,
        %get3A_782 = vector.shape_cast %get3A_781 : vector<1x1x16xf32> to vector<16xf32>
        %add3A_783 = arith.addf %scan3A_774, %get3A_782 : vector<16xf32>
        %get3A_784 = arith.constant 15 : i32
        %get3A_785 = arith.index_cast %get3A_784 : i32 to index
        %get3A_786 = arith.index_cast %scan3A_773 : i32 to index
        %get3A_787 = arith.constant 0 : index
        %get3A_788 = tpu.vector_load %arg6[%get3A_785, %get3A_786, %get3A_787] {strides = array<i32>} : memref<16x100x64xf32, #tpu.memory_space<vmem>>, vector<1x1x16xf32>,
        %get3A_789 = vector.shape_cast %get3A_788 : vector<1x1x16xf32> to vector<16xf32>
        %add3A_790 = arith.addf %add3A_783, %get3A_789 : vector<16xf32>
        %get3A_791 = arith.constant 14 : i32
        %get3A_792 = arith.index_cast %get3A_791 : i32 to index
        %get3A_793 = arith.index_cast %scan3A_773 : i32 to index
        %get3A_794 = arith.constant 16 : index
        %get3A_795 = tpu.vector_load %arg6[%get3A_792, %get3A_793, %get3A_794] {strides = array<i32>} : memref<16x100x64xf32, #tpu.memory_space<vmem>>, vector<1x1x16xf32>,
        %get3A_796 = vector.shape_cast %get3A_795 : vector<1x1x16xf32> to vector<16xf32>
        %add3A_797 = arith.addf %scan3A_775, %get3A_796 : vector<16xf32>
        %get3A_798 = arith.constant 15 : i32
        %get3A_799 = arith.index_cast %get3A_798 : i32 to index
        %get3A_800 = arith.index_cast %scan3A_773 : i32 to index
        %get3A_801 = arith.constant 16 : index
        %get3A_802 = tpu.vector_load %arg6[%get3A_799, %get3A_800, %get3A_801] {strides = array<i32>} : memref<16x100x64xf32, #tpu.memory_space<vmem>>, vector<1x1x16xf32>,
        %get3A_803 = vector.shape_cast %get3A_802 : vector<1x1x16xf32> to vector<16xf32>
        %add3A_804 = arith.addf %add3A_797, %get3A_803 : vector<16xf32>
        %get3A_805 = arith.constant 14 : i32
        %get3A_806 = arith.index_cast %get3A_805 : i32 to index
        %get3A_807 = arith.index_cast %scan3A_773 : i32 to index
        %get3A_808 = arith.constant 32 : index
        %get3A_809 = tpu.vector_load %arg6[%get3A_806, %get3A_807, %get3A_808] {strides = array<i32>} : memref<16x100x64xf32, #tpu.memory_space<vmem>>, vector<1x1x16xf32>,
        %get3A_810 = vector.shape_cast %get3A_809 : vector<1x1x16xf32> to vector<16xf32>
        %add3A_811 = arith.addf %scan3A_776, %get3A_810 : vector<16xf32>
        %get3A_812 = arith.constant 15 : i32
        %get3A_813 = arith.index_cast %get3A_812 : i32 to index
        %get3A_814 = arith.index_cast %scan3A_773 : i32 to index
        %get3A_815 = arith.constant 32 : index
        %get3A_816 = tpu.vector_load %arg6[%get3A_813, %get3A_814, %get3A_815] {strides = array<i32>} : memref<16x100x64xf32, #tpu.memory_space<vmem>>, vector<1x1x16xf32>,
        %get3A_817 = vector.shape_cast %get3A_816 : vector<1x1x16xf32> to vector<16xf32>
        %add3A_818 = arith.addf %add3A_811, %get3A_817 : vector<16xf32>
        %get3A_819 = arith.constant 14 : i32
        %get3A_820 = arith.index_cast %get3A_819 : i32 to index
        %get3A_821 = arith.index_cast %scan3A_773 : i32 to index
        %get3A_822 = arith.constant 48 : index
        %get3A_823 = tpu.vector_load %arg6[%get3A_820, %get3A_821, %get3A_822] {strides = array<i32>} : memref<16x100x64xf32, #tpu.memory_space<vmem>>, vector<1x1x16xf32>,
        %get3A_824 = vector.shape_cast %get3A_823 : vector<1x1x16xf32> to vector<16xf32>
        %add3A_825 = arith.addf %scan3A_777, %get3A_824 : vector<16xf32>
        %get3A_826 = arith.constant 15 : i32
        %get3A_827 = arith.index_cast %get3A_826 : i32 to index
        %get3A_828 = arith.index_cast %scan3A_773 : i32 to index
        %get3A_829 = arith.constant 48 : index
        %get3A_830 = tpu.vector_load %arg6[%get3A_827, %get3A_828, %get3A_829] {strides = array<i32>} : memref<16x100x64xf32, #tpu.memory_space<vmem>>, vector<1x1x16xf32>,
        %get3A_831 = vector.shape_cast %get3A_830 : vector<1x1x16xf32> to vector<16xf32>
        %add3A_832 = arith.addf %add3A_825, %get3A_831 : vector<16xf32>
        %scan3A_833 = arith.constant 1 : i32
        %scan3A_834 = arith.addi %scan3A_773, %scan3A_833 : i32
        %get3A_835 = arith.constant 14 : i32
        %get3A_836 = arith.index_cast %get3A_835 : i32 to index
        %get3A_837 = arith.index_cast %scan3A_834 : i32 to index
        %get3A_838 = arith.constant 0 : index
        %get3A_839 = tpu.vector_load %arg6[%get3A_836, %get3A_837, %get3A_838] {strides = array<i32>} : memref<16x100x64xf32, #tpu.memory_space<vmem>>, vector<1x1x16xf32>,
        %get3A_840 = vector.shape_cast %get3A_839 : vector<1x1x16xf32> to vector<16xf32>
        %add3A_841 = arith.addf %add3A_790, %get3A_840 : vector<16xf32>
        %get3A_842 = arith.constant 15 : i32
        %get3A_843 = arith.index_cast %get3A_842 : i32 to index
        %get3A_844 = arith.index_cast %scan3A_834 : i32 to index
        %get3A_845 = arith.constant 0 : index
        %get3A_846 = tpu.vector_load %arg6[%get3A_843, %get3A_844, %get3A_845] {strides = array<i32>} : memref<16x100x64xf32, #tpu.memory_space<vmem>>, vector<1x1x16xf32>,
        %get3A_847 = vector.shape_cast %get3A_846 : vector<1x1x16xf32> to vector<16xf32>
        %add3A_848 = arith.addf %add3A_841, %get3A_847 : vector<16xf32>
        %get3A_849 = arith.constant 14 : i32
        %get3A_850 = arith.index_cast %get3A_849 : i32 to index
        %get3A_851 = arith.index_cast %scan3A_834 : i32 to index
        %get3A_852 = arith.constant 16 : index
        %get3A_853 = tpu.vector_load %arg6[%get3A_850, %get3A_851, %get3A_852] {strides = array<i32>} : memref<16x100x64xf32, #tpu.memory_space<vmem>>, vector<1x1x16xf32>,
        %get3A_854 = vector.shape_cast %get3A_853 : vector<1x1x16xf32> to vector<16xf32>
        %add3A_855 = arith.addf %add3A_804, %get3A_854 : vector<16xf32>
        %get3A_856 = arith.constant 15 : i32
        %get3A_857 = arith.index_cast %get3A_856 : i32 to index
        %get3A_858 = arith.index_cast %scan3A_834 : i32 to index
        %get3A_859 = arith.constant 16 : index
        %get3A_860 = tpu.vector_load %arg6[%get3A_857, %get3A_858, %get3A_859] {strides = array<i32>} : memref<16x100x64xf32, #tpu.memory_space<vmem>>, vector<1x1x16xf32>,
        %get3A_861 = vector.shape_cast %get3A_860 : vector<1x1x16xf32> to vector<16xf32>
        %add3A_862 = arith.addf %add3A_855, %get3A_861 : vector<16xf32>
        %get3A_863 = arith.constant 14 : i32
        %get3A_864 = arith.index_cast %get3A_863 : i32 to index
        %get3A_865 = arith.index_cast %scan3A_834 : i32 to index
        %get3A_866 = arith.constant 32 : index
        %get3A_867 = tpu.vector_load %arg6[%get3A_864, %get3A_865, %get3A_866] {strides = array<i32>} : memref<16x100x64xf32, #tpu.memory_space<vmem>>, vector<1x1x16xf32>,
        %get3A_868 = vector.shape_cast %get3A_867 : vector<1x1x16xf32> to vector<16xf32>
        %add3A_869 = arith.addf %add3A_818, %get3A_868 : vector<16xf32>
        %get3A_870 = arith.constant 15 : i32
        %get3A_871 = arith.index_cast %get3A_870 : i32 to index
        %get3A_872 = arith.index_cast %scan3A_834 : i32 to index
        %get3A_873 = arith.constant 32 : index
        %get3A_874 = tpu.vector_load %arg6[%get3A_871, %get3A_872, %get3A_873] {strides = array<i32>} : memref<16x100x64xf32, #tpu.memory_space<vmem>>, vector<1x1x16xf32>,
        %get3A_875 = vector.shape_cast %get3A_874 : vector<1x1x16xf32> to vector<16xf32>
        %add3A_876 = arith.addf %add3A_869, %get3A_875 : vector<16xf32>
        %get3A_877 = arith.constant 14 : i32
        %get3A_878 = arith.index_cast %get3A_877 : i32 to index
        %get3A_879 = arith.index_cast %scan3A_834 : i32 to index
        %get3A_880 = arith.constant 48 : index
        %get3A_881 = tpu.vector_load %arg6[%get3A_878, %get3A_879, %get3A_880] {strides = array<i32>} : memref<16x100x64xf32, #tpu.memory_space<vmem>>, vector<1x1x16xf32>,
        %get3A_882 = vector.shape_cast %get3A_881 : vector<1x1x16xf32> to vector<16xf32>
        %add3A_883 = arith.addf %add3A_832, %get3A_882 : vector<16xf32>
        %get3A_884 = arith.constant 15 : i32
        %get3A_885 = arith.index_cast %get3A_884 : i32 to index
        %get3A_886 = arith.index_cast %scan3A_834 : i32 to index
        %get3A_887 = arith.constant 48 : index
        %get3A_888 = tpu.vector_load %arg6[%get3A_885, %get3A_886, %get3A_887] {strides = array<i32>} : memref<16x100x64xf32, #tpu.memory_space<vmem>>, vector<1x1x16xf32>,
        %get3A_889 = vector.shape_cast %get3A_888 : vector<1x1x16xf32> to vector<16xf32>
        %add3A_890 = arith.addf %add3A_883, %get3A_889 : vector<16xf32>
        scf.yield %add3A_848, %add3A_862, %add3A_876, %add3A_890 : vector<16xf32>, vector<16xf32>, vector<16xf32>, vector<16xf32>
      }
      %scan3A_740 = arith.constant 100 : i32
      %mul3A_741 = vector.broadcast %scan3A_6 : f32 to vector<16xf32>
      %mul3A_742 = arith.mulf %scan3A_739#0, %mul3A_741 : vector<16xf32>
      %swap3A_743 = arith.constant 7 : i32
      %swap3A_744 = arith.index_cast %swap3A_743 : i32 to index
      %swap3A_745 = arith.constant 0 : index
      %swap3A_746 = tpu.vector_load %arg7[%swap3A_744, %swap3A_745] {strides = array<i32>} : memref<8x64xf32, #tpu.memory_space<vmem>>, vector<1x16xf32>,
      %swap3A_747 = vector.shape_cast %swap3A_746 : vector<1x16xf32> to vector<16xf32>
      %swap3A_748 = vector.shape_cast %mul3A_742 : vector<16xf32> to vector<1x16xf32>
      tpu.vector_store %arg7[%swap3A_744, %swap3A_745], %swap3A_748 {strides = array<i32>} : memref<8x64xf32, #tpu.memory_space<vmem>>, vector<1x16xf32>,
      %mul3A_749 = vector.broadcast %scan3A_6 : f32 to vector<16xf32>
      %mul3A_750 = arith.mulf %scan3A_739#1, %mul3A_749 : vector<16xf32>
      %swap3A_751 = arith.constant 7 : i32
      %swap3A_752 = arith.index_cast %swap3A_751 : i32 to index
      %swap3A_753 = arith.constant 16 : index
      %swap3A_754 = tpu.vector_load %arg7[%swap3A_752, %swap3A_753] {strides = array<i32>} : memref<8x64xf32, #tpu.memory_space<vmem>>, vector<1x16xf32>,
      %swap3A_755 = vector.shape_cast %swap3A_754 : vector<1x16xf32> to vector<16xf32>
      %swap3A_756 = vector.shape_cast %mul3A_750 : vector<16xf32> to vector<1x16xf32>
      tpu.vector_store %arg7[%swap3A_752, %swap3A_753], %swap3A_756 {strides = array<i32>} : memref<8x64xf32, #tpu.memory_space<vmem>>, vector<1x16xf32>,
      %mul3A_757 = vector.broadcast %scan3A_6 : f32 to vector<16xf32>
      %mul3A_758 = arith.mulf %scan3A_739#2, %mul3A_757 : vector<16xf32>
      %swap3A_759 = arith.constant 7 : i32
      %swap3A_760 = arith.index_cast %swap3A_759 : i32 to index
      %swap3A_761 = arith.constant 32 : index
      %swap3A_762 = tpu.vector_load %arg7[%swap3A_760, %swap3A_761] {strides = array<i32>} : memref<8x64xf32, #tpu.memory_space<vmem>>, vector<1x16xf32>,
      %swap3A_763 = vector.shape_cast %swap3A_762 : vector<1x16xf32> to vector<16xf32>
      %swap3A_764 = vector.shape_cast %mul3A_758 : vector<16xf32> to vector<1x16xf32>
      tpu.vector_store %arg7[%swap3A_760, %swap3A_761], %swap3A_764 {strides = array<i32>} : memref<8x64xf32, #tpu.memory_space<vmem>>, vector<1x16xf32>,
      %mul3A_765 = vector.broadcast %scan3A_6 : f32 to vector<16xf32>
      %mul3A_766 = arith.mulf %scan3A_739#3, %mul3A_765 : vector<16xf32>
      %swap3A_767 = arith.constant 7 : i32
      %swap3A_768 = arith.index_cast %swap3A_767 : i32 to index
      %swap3A_769 = arith.constant 48 : index
      %swap3A_770 = tpu.vector_load %arg7[%swap3A_768, %swap3A_769] {strides = array<i32>} : memref<8x64xf32, #tpu.memory_space<vmem>>, vector<1x16xf32>,
      %swap3A_771 = vector.shape_cast %swap3A_770 : vector<1x16xf32> to vector<16xf32>
      %swap3A_772 = vector.shape_cast %mul3A_766 : vector<16xf32> to vector<1x16xf32>
      tpu.vector_store %arg7[%swap3A_768, %swap3A_769], %swap3A_772 {strides = array<i32>} : memref<8x64xf32, #tpu.memory_space<vmem>>, vector<1x16xf32>,
      "tpu.region"() ({
        %run_scoped3A = tpu.sem_alloc : memref<!tpu.dma_semaphore, #tpu.memory_space<semaphore_mem>>
        %dma_start3A_773 = arith.constant 0 : i32
        %dma_start3A_774 = tpu.memref_slice %arg4[%add3A_15, %dma_start3A_773] : memref<4096x64xf32, #tpu.memory_space<hbm>> -> memref<8x64xf32, #tpu.memory_space<hbm>>
        %dma_start3A_775 = arith.constant 0 : i32
        %dma_start3A_776 = tpu.memref_slice %arg4[%add3A_15, %dma_start3A_775] : memref<4096x64xf32, #tpu.memory_space<hbm>> -> memref<8x64xf32, #tpu.memory_space<hbm>>
        tpu.enqueue_dma source(%arg7 : memref<8x64xf32, #tpu.memory_space<vmem>>) target(%dma_start3A_776 : memref<8x64xf32, #tpu.memory_space<hbm>>) target_semaphore(%run_scoped3A : memref<!tpu.dma_semaphore, #tpu.memory_space<semaphore_mem>>)
        %dma_wait3A_777 = arith.constant 0 : i32
        %dma_wait3A_778 = tpu.memref_slice %arg4[%add3A_15, %dma_wait3A_777] : memref<4096x64xf32, #tpu.memory_space<hbm>> -> memref<8x64xf32, #tpu.memory_space<hbm>>
        %dma_wait3A_779 = arith.constant 0 : i32
        %dma_wait3A_780 = tpu.memref_slice %arg4[%add3A_15, %dma_wait3A_779] : memref<4096x64xf32, #tpu.memory_space<hbm>> -> memref<8x64xf32, #tpu.memory_space<hbm>>
        tpu.wait_dma2 semaphore(%run_scoped3A : memref<!tpu.dma_semaphore, #tpu.memory_space<semaphore_mem>>) src(%arg7 : memref<8x64xf32, #tpu.memory_space<vmem>>) dst(%dma_wait3A_780 : memref<8x64xf32, #tpu.memory_space<hbm>>)
        tpu.yield
      }) : () -> ()
    }
    %scan3A_11 = arith.constant 16 : i32
    return
  }
}

module attributes {stable_mosaic.version = 14 : i64} {
  func.func @body(%arg0: i32, %arg1: memref<64x1000000xf32, #tpu.memory_space<any>>, %arg2: memref<64x64xf32, #tpu.memory_space<vmem>>, %arg3: memref<32x128xf32, #tpu.memory_space<vmem>>, %arg4: memref<8064x128xf32, #tpu.memory_space<vmem>>, %arg5: memref<64x16128xf32, #tpu.memory_space<vmem>>, %arg6: memref<64x16128xf32, #tpu.memory_space<vmem>>, %arg7: memref<!tpu.dma_semaphore, #tpu.memory_space<semaphore_mem>>, %arg8: memref<!tpu.dma_semaphore, #tpu.memory_space<semaphore_mem>>) attributes {dimension_semantics = [#tpu.dimension_semantics<arbitrary>], iteration_bounds = array<i64: 63>, scalar_prefetch = 0 : i64, scratch_operands = 4 : i64, tpu.core_type = #tpu.core_type<tc>, window_params = [{}, {pipeline_mode = #tpu.pipeline_mode<synchronous>, transform_indices = @transform_1, window_bounds = array<i64: 64, 64>}, {pipeline_mode = #tpu.pipeline_mode<synchronous>, transform_indices = @transform_2, window_bounds = array<i64: 32, 128>}, {transform_indices = @transform_3, window_bounds = array<i64: 8064, 128>}]} {
    %eq3A = arith.constant 0 : i32
    %eq3A_0 = arith.cmpi eq, %arg0, %eq3A : i32
    %convert_element_type3A = arith.extui %eq3A_0 : i1 to i32
    %cond3A = arith.constant 0 : i32
    %cond3A_1 = arith.cmpi ne, %convert_element_type3A, %cond3A : i32
    scf.if %cond3A_1 {
      %dma_start3A = arith.constant 0 : i32
      %dma_start3A_48 = arith.constant 0 : i32
      %dma_start3A_49 = tpu.memref_slice %arg1[%dma_start3A, %dma_start3A_48] : memref<64x1000000xf32, #tpu.memory_space<any>> -> memref<64x16128xf32, #tpu.memory_space<any>>
      tpu.enqueue_dma source(%dma_start3A_49 : memref<64x16128xf32, #tpu.memory_space<any>>) target(%arg5 : memref<64x16128xf32, #tpu.memory_space<vmem>>) target_semaphore(%arg7 : memref<!tpu.dma_semaphore, #tpu.memory_space<semaphore_mem>>)
    } else {
    }
    %jit3A = arith.constant 2 : i32
    %eq3A_2 = arith.constant 0 : i32
    %eq3A_3 = arith.cmpi eq, %jit3A, %eq3A_2 : i32
    %jit3A_4 = arith.constant 1 : i32
    %select_n3A = arith.select %eq3A_3, %jit3A_4, %jit3A : i32
    %rem3A = arith.remsi %arg0, %select_n3A : i32
    %ne3A = arith.constant 0 : i32
    %ne3A_5 = arith.cmpi ne, %rem3A, %ne3A : i32
    %lt3A = arith.constant 0 : i32
    %lt3A_6 = arith.cmpi slt, %rem3A, %lt3A : i32
    %lt3A_7 = arith.constant 0 : i32
    %lt3A_8 = arith.cmpi slt, %select_n3A, %lt3A_7 : i32
    %ne3A_9 = arith.xori %lt3A_6, %lt3A_8 : i1
    %and3A = arith.andi %ne3A_9, %ne3A_5 : i1
    %add3A = arith.addi %rem3A, %select_n3A : i32
    %select_n3A_10 = arith.select %and3A, %add3A, %rem3A : i32
    %eq3A_11 = arith.constant 0 : i32
    %eq3A_12 = arith.cmpi eq, %select_n3A_10, %eq3A_11 : i32
    %lt3A_13 = arith.constant 62 : i32
    %lt3A_14 = arith.cmpi slt, %arg0, %lt3A_13 : i32
    %and3A_15 = arith.andi %eq3A_12, %lt3A_14 : i1
    %convert_element_type3A_16 = arith.extui %and3A_15 : i1 to i32
    %cond3A_17 = arith.constant 0 : i32
    %cond3A_18 = arith.cmpi ne, %convert_element_type3A_16, %cond3A_17 : i32
    scf.if %cond3A_18 {
      %add3A_48 = arith.constant 1 : i32
      %add3A_49 = arith.addi %arg0, %add3A_48 : i32
      %lt3A_50 = arith.constant 62 : i32
      %lt3A_51 = arith.cmpi slt, %add3A_49, %lt3A_50 : i32
      %convert_element_type3A_52 = arith.extui %lt3A_51 : i1 to i32
      %cond3A_53 = arith.constant 0 : i32
      %cond3A_54 = arith.cmpi ne, %convert_element_type3A_52, %cond3A_53 : i32
      scf.if %cond3A_54 {
        %add3A_66 = arith.constant 1 : i32
        %add3A_67 = arith.addi %arg0, %add3A_66 : i32
        %mul3A_68 = arith.constant 16128 : i32
        %mul3A_69 = arith.muli %mul3A_68, %add3A_67 : i32
        %dma_start3A = arith.constant 0 : i32
        %dma_start3A_70 = tpu.memref_slice %arg1[%dma_start3A, %mul3A_69] : memref<64x1000000xf32, #tpu.memory_space<any>> -> memref<64x16128xf32, #tpu.memory_space<any>>
        tpu.enqueue_dma source(%dma_start3A_70 : memref<64x16128xf32, #tpu.memory_space<any>>) target(%arg6 : memref<64x16128xf32, #tpu.memory_space<vmem>>) target_semaphore(%arg8 : memref<!tpu.dma_semaphore, #tpu.memory_space<semaphore_mem>>)
      } else {
      }
      %mul3A = arith.constant 16128 : i32
      %mul3A_55 = arith.muli %mul3A, %arg0 : i32
      %dma_wait3A = arith.constant 0 : i32
      %dma_wait3A_56 = tpu.memref_slice %arg1[%dma_wait3A, %mul3A_55] : memref<64x1000000xf32, #tpu.memory_space<any>> -> memref<64x16128xf32, #tpu.memory_space<any>>
      tpu.wait_dma2 semaphore(%arg7 : memref<!tpu.dma_semaphore, #tpu.memory_space<semaphore_mem>>) src(%dma_wait3A_56 : memref<64x16128xf32, #tpu.memory_space<any>>) dst(%arg5 : memref<64x16128xf32, #tpu.memory_space<vmem>>)
      %get3A = arith.constant 0 : index
      %get3A_57 = arith.constant 0 : index
      %get3A_58 = vector.load %arg5[%get3A, %get3A_57] : memref<64x16128xf32, #tpu.memory_space<vmem>>, vector<64x16128xf32>
      %get3A_59 = arith.constant 0 : index
      %get3A_60 = arith.constant 0 : index
      %get3A_61 = vector.load %arg2[%get3A_59, %get3A_60] : memref<64x64xf32, #tpu.memory_space<vmem>>, vector<64x64xf32>
      %dot_general3A = arith.constant dense<0.000000e+00> : vector<16128x64xf32>
      %dot_general3A_62 = tpu.matmul %get3A_58, %get3A_61, %dot_general3A {dimension_numbers = #tpu.dot_dimension_numbers<[0], [0], [1], [1], [0, 1, 1, 1], [], []>, transpose_lhs_hint = false} : vector<64x16128xf32>, vector<64x64xf32>, vector<16128x64xf32> -> vector<16128x64xf32>
      %slice3A = vector.extract_strided_slice %dot_general3A_62 {offsets = [0, 0], sizes = [8064, 64], strides = [1, 1]} : vector<16128x64xf32> to vector<8064x64xf32>
      %slice3A_63 = vector.extract_strided_slice %dot_general3A_62 {offsets = [8064, 0], sizes = [8064, 64], strides = [1, 1]} : vector<16128x64xf32> to vector<8064x64xf32>
      %concatenate3A = tpu.concatenate %slice3A, %slice3A_63 in 1 : vector<8064x64xf32>, vector<8064x64xf32> -> vector<8064x128xf32>
      %swap3A = arith.constant 0 : index
      %swap3A_64 = arith.constant 0 : index
      %swap3A_65 = vector.load %arg4[%swap3A, %swap3A_64] : memref<8064x128xf32, #tpu.memory_space<vmem>>, vector<8064x128xf32>
      tpu.vector_store %arg4[%swap3A, %swap3A_64], %concatenate3A {strides = array<i32>} : memref<8064x128xf32, #tpu.memory_space<vmem>>, vector<8064x128xf32>,
    } else {
    }
    %jit3A_19 = arith.constant 2 : i32
    %eq3A_20 = arith.constant 0 : i32
    %eq3A_21 = arith.cmpi eq, %jit3A_19, %eq3A_20 : i32
    %jit3A_22 = arith.constant 1 : i32
    %select_n3A_23 = arith.select %eq3A_21, %jit3A_22, %jit3A_19 : i32
    %rem3A_24 = arith.remsi %arg0, %select_n3A_23 : i32
    %ne3A_25 = arith.constant 0 : i32
    %ne3A_26 = arith.cmpi ne, %rem3A_24, %ne3A_25 : i32
    %lt3A_27 = arith.constant 0 : i32
    %lt3A_28 = arith.cmpi slt, %rem3A_24, %lt3A_27 : i32
    %lt3A_29 = arith.constant 0 : i32
    %lt3A_30 = arith.cmpi slt, %select_n3A_23, %lt3A_29 : i32
    %ne3A_31 = arith.xori %lt3A_28, %lt3A_30 : i1
    %and3A_32 = arith.andi %ne3A_31, %ne3A_26 : i1
    %add3A_33 = arith.addi %rem3A_24, %select_n3A_23 : i32
    %select_n3A_34 = arith.select %and3A_32, %add3A_33, %rem3A_24 : i32
    %eq3A_35 = arith.constant 1 : i32
    %eq3A_36 = arith.cmpi eq, %select_n3A_34, %eq3A_35 : i32
    %lt3A_37 = arith.constant 62 : i32
    %lt3A_38 = arith.cmpi slt, %arg0, %lt3A_37 : i32
    %and3A_39 = arith.andi %eq3A_36, %lt3A_38 : i1
    %convert_element_type3A_40 = arith.extui %and3A_39 : i1 to i32
    %cond3A_41 = arith.constant 0 : i32
    %cond3A_42 = arith.cmpi ne, %convert_element_type3A_40, %cond3A_41 : i32
    scf.if %cond3A_42 {
      %add3A_48 = arith.constant 1 : i32
      %add3A_49 = arith.addi %arg0, %add3A_48 : i32
      %lt3A_50 = arith.constant 62 : i32
      %lt3A_51 = arith.cmpi slt, %add3A_49, %lt3A_50 : i32
      %convert_element_type3A_52 = arith.extui %lt3A_51 : i1 to i32
      %cond3A_53 = arith.constant 0 : i32
      %cond3A_54 = arith.cmpi ne, %convert_element_type3A_52, %cond3A_53 : i32
      scf.if %cond3A_54 {
        %add3A_66 = arith.constant 1 : i32
        %add3A_67 = arith.addi %arg0, %add3A_66 : i32
        %mul3A_68 = arith.constant 16128 : i32
        %mul3A_69 = arith.muli %mul3A_68, %add3A_67 : i32
        %dma_start3A = arith.constant 0 : i32
        %dma_start3A_70 = tpu.memref_slice %arg1[%dma_start3A, %mul3A_69] : memref<64x1000000xf32, #tpu.memory_space<any>> -> memref<64x16128xf32, #tpu.memory_space<any>>
        tpu.enqueue_dma source(%dma_start3A_70 : memref<64x16128xf32, #tpu.memory_space<any>>) target(%arg5 : memref<64x16128xf32, #tpu.memory_space<vmem>>) target_semaphore(%arg7 : memref<!tpu.dma_semaphore, #tpu.memory_space<semaphore_mem>>)
      } else {
      }
      %mul3A = arith.constant 16128 : i32
      %mul3A_55 = arith.muli %mul3A, %arg0 : i32
      %dma_wait3A = arith.constant 0 : i32
      %dma_wait3A_56 = tpu.memref_slice %arg1[%dma_wait3A, %mul3A_55] : memref<64x1000000xf32, #tpu.memory_space<any>> -> memref<64x16128xf32, #tpu.memory_space<any>>
      tpu.wait_dma2 semaphore(%arg8 : memref<!tpu.dma_semaphore, #tpu.memory_space<semaphore_mem>>) src(%dma_wait3A_56 : memref<64x16128xf32, #tpu.memory_space<any>>) dst(%arg6 : memref<64x16128xf32, #tpu.memory_space<vmem>>)
      %get3A = arith.constant 0 : index
      %get3A_57 = arith.constant 0 : index
      %get3A_58 = vector.load %arg6[%get3A, %get3A_57] : memref<64x16128xf32, #tpu.memory_space<vmem>>, vector<64x16128xf32>
      %get3A_59 = arith.constant 0 : index
      %get3A_60 = arith.constant 0 : index
      %get3A_61 = vector.load %arg2[%get3A_59, %get3A_60] : memref<64x64xf32, #tpu.memory_space<vmem>>, vector<64x64xf32>
      %dot_general3A = arith.constant dense<0.000000e+00> : vector<16128x64xf32>
      %dot_general3A_62 = tpu.matmul %get3A_58, %get3A_61, %dot_general3A {dimension_numbers = #tpu.dot_dimension_numbers<[0], [0], [1], [1], [0, 1, 1, 1], [], []>, transpose_lhs_hint = false} : vector<64x16128xf32>, vector<64x64xf32>, vector<16128x64xf32> -> vector<16128x64xf32>
      %slice3A = vector.extract_strided_slice %dot_general3A_62 {offsets = [0, 0], sizes = [8064, 64], strides = [1, 1]} : vector<16128x64xf32> to vector<8064x64xf32>
      %slice3A_63 = vector.extract_strided_slice %dot_general3A_62 {offsets = [8064, 0], sizes = [8064, 64], strides = [1, 1]} : vector<16128x64xf32> to vector<8064x64xf32>
      %concatenate3A = tpu.concatenate %slice3A, %slice3A_63 in 1 : vector<8064x64xf32>, vector<8064x64xf32> -> vector<8064x128xf32>
      %swap3A = arith.constant 0 : index
      %swap3A_64 = arith.constant 0 : index
      %swap3A_65 = vector.load %arg4[%swap3A, %swap3A_64] : memref<8064x128xf32, #tpu.memory_space<vmem>>, vector<8064x128xf32>
      tpu.vector_store %arg4[%swap3A, %swap3A_64], %concatenate3A {strides = array<i32>} : memref<8064x128xf32, #tpu.memory_space<vmem>>, vector<8064x128xf32>,
    } else {
    }
    %eq3A_43 = arith.constant 62 : i32
    %eq3A_44 = arith.cmpi eq, %arg0, %eq3A_43 : i32
    %convert_element_type3A_45 = arith.extui %eq3A_44 : i1 to i32
    %cond3A_46 = arith.constant 0 : i32
    %cond3A_47 = arith.cmpi ne, %convert_element_type3A_45, %cond3A_46 : i32
    scf.if %cond3A_47 {
      %get3A = arith.constant 0 : index
      %get3A_48 = arith.constant 0 : index
      %get3A_49 = vector.load %arg3[%get3A, %get3A_48] : memref<32x128xf32, #tpu.memory_space<vmem>>, vector<32x128xf32>
      %swap3A = arith.constant 0 : index
      %swap3A_50 = arith.constant 0 : index
      %swap3A_51 = vector.load %arg4[%swap3A, %swap3A_50] : memref<8064x128xf32, #tpu.memory_space<vmem>>, vector<32x128xf32>
      tpu.vector_store %arg4[%swap3A, %swap3A_50], %get3A_49 {strides = array<i32>} : memref<8064x128xf32, #tpu.memory_space<vmem>>, vector<32x128xf32>,
      %broadcast_in_dim3A = arith.constant 0.000000e+00 : f32
      %broadcast_in_dim3A_52 = vector.broadcast %broadcast_in_dim3A : f32 to vector<8032x128xf32>
      %swap3A_53 = arith.constant 32 : index
      %swap3A_54 = arith.constant 0 : index
      %swap3A_55 = vector.load %arg4[%swap3A_53, %swap3A_54] : memref<8064x128xf32, #tpu.memory_space<vmem>>, vector<8032x128xf32>
      tpu.vector_store %arg4[%swap3A_53, %swap3A_54], %broadcast_in_dim3A_52 {strides = array<i32>} : memref<8064x128xf32, #tpu.memory_space<vmem>>, vector<8032x128xf32>,
    } else {
    }
    return
  }
  func.func @transform_1(%arg0: i32) -> (i32, i32) {
    %c0_i32 = arith.constant 0 : i32
    %c0_i32_0 = arith.constant 0 : i32
    %c0_i32_1 = arith.constant 0 : i32
    return %c0_i32, %c0_i32_0 : i32, i32
  }
  func.func @transform_2(%arg0: i32) -> (i32, i32) {
    %c0_i32 = arith.constant 0 : i32
    %c0_i32_0 = arith.constant 0 : i32
    %c0_i32_1 = arith.constant 0 : i32
    return %c0_i32, %c0_i32_0 : i32, i32
  }
  func.func @transform_3(%arg0: i32) -> (i32, i32) {
    %c0_i32 = arith.constant 0 : i32
    %c0_i32_0 = arith.constant 0 : i32
    return %arg0, %c0_i32 : i32, i32
  }
}

module attributes {stable_mosaic.version = 14 : i64} {
  func.func @body(%arg0: i32, %arg1: memref<512x64xf32, #tpu.memory_space<vmem>>, %arg2: memref<64x1xf32, #tpu.memory_space<vmem>>, %arg3: memref<50x64x512xf32, #tpu.memory_space<vmem>>) attributes {dimension_semantics = [#tpu.dimension_semantics<arbitrary>], iteration_bounds = array<i64: 8>, scalar_prefetch = 0 : i64, scratch_operands = 0 : i64, tpu.core_type = #tpu.core_type<tc>, window_params = [{transform_indices = @transform_0, window_bounds = array<i64: 512, 64>}, {pipeline_mode = #tpu.pipeline_mode<synchronous>, transform_indices = @transform_1, window_bounds = array<i64: 64, 1>}, {transform_indices = @transform_2, window_bounds = array<i64: 50, 64, 512>}]} {
    %get3A = arith.constant 0 : index
    %get3A_0 = arith.constant 0 : index
    %get3A_1 = vector.load %arg1[%get3A, %get3A_0] : memref<512x64xf32, #tpu.memory_space<vmem>>, vector<512x64xf32>
    %transpose3A = tpu.transpose %get3A_1, [1, 0] : vector<512x64xf32> -> vector<64x512xf32>
    %get3A_2 = arith.constant 0 : index
    %get3A_3 = arith.constant 0 : index
    %get3A_4 = vector.load %arg2[%get3A_2, %get3A_3] : memref<64x1xf32, #tpu.memory_space<vmem>>, vector<64x1xf32>
    %add3A = vector.broadcast %get3A_4 : vector<64x1xf32> to vector<64x512xf32>
    %add3A_5 = arith.addf %transpose3A, %add3A : vector<64x512xf32>
    %broadcast_in_dim3A = vector.shape_cast %add3A_5 : vector<64x512xf32> to vector<1x64x512xf32>
    %broadcast_in_dim3A_6 = vector.shape_cast %broadcast_in_dim3A : vector<1x64x512xf32> to vector<1x64x512xf32>
    %broadcast_in_dim3A_7 = vector.broadcast %broadcast_in_dim3A_6 : vector<1x64x512xf32> to vector<50x64x512xf32>
    %swap3A = arith.constant 0 : index
    %swap3A_8 = arith.constant 0 : index
    %swap3A_9 = arith.constant 0 : index
    %swap3A_10 = vector.load %arg3[%swap3A, %swap3A_8, %swap3A_9] : memref<50x64x512xf32, #tpu.memory_space<vmem>>, vector<50x64x512xf32>
    tpu.vector_store %arg3[%swap3A, %swap3A_8, %swap3A_9], %broadcast_in_dim3A_7 {strides = array<i32>} : memref<50x64x512xf32, #tpu.memory_space<vmem>>, vector<50x64x512xf32>,
    return
  }
  func.func @transform_0(%arg0: i32) -> (i32, i32) {
    %c0_i32 = arith.constant 0 : i32
    %c0_i32_0 = arith.constant 0 : i32
    return %arg0, %c0_i32 : i32, i32
  }
  func.func @transform_1(%arg0: i32) -> (i32, i32) {
    %c0_i32 = arith.constant 0 : i32
    %c0_i32_0 = arith.constant 0 : i32
    %c0_i32_1 = arith.constant 0 : i32
    return %c0_i32, %c0_i32_0 : i32, i32
  }
  func.func @transform_2(%arg0: i32) -> (i32, i32, i32) {
    %c0_i32 = arith.constant 0 : i32
    %c0_i32_0 = arith.constant 0 : i32
    %c0_i32_1 = arith.constant 0 : i32
    return %c0_i32, %c0_i32_0, %arg0 : i32, i32, i32
  }
}

</mosaic_0001>

<sc_bundles>
// kernel: kernel.5.cloned.1.call-start
scs
__scs_entry_jumppad:
0x0: {  	(pc) =	sbr.rel $0x88, $3  }
0x1: {  	(tag) =	ssettag $0x0;
	lr =	simm.s32 $0x1  }
0x2: {  	[smem:$0x3F9D] =	sst lr;
	_ =	strace $0xD0000000  }
0x3: {  	_ = 	snop  }
0x4: {  	_ = 	snop  }
0x5: {  	_ = 	snop  }
0x6: {  	_ = 	snop  }
0x7: {  	_ = 	snop  }
__scs_overlays_trampoline_lowered:
0x8: {  	[smem:$0x3FAC] =	sst s0  }
0x9: {  	[smem:$0x3FAD] =	sst s1  }
0xa: {  	[smem:$0x3FAE] =	sst s2  }
0xb: {  	[smem:$0x3FAF] =	sst s3  }
0xc: {  	[smem:$0x3FB0] =	sst s4  }
0xd: {  	[smem:$0x3FB1] =	sst s5  }
0xe: {  	[smem:$0x3FB2] =	sst s6  }
0xf: {  	[smem:$0x3FB3] =	sst s7  }
0x10: {  	[smem:$0x3FB4] =	sst s8  }
0x11: {  	[smem:$0x3FB5] =	sst s9;
	s0 =	simm.s32 @!p0 $0x0  }
0x12: {  	s1 =	sld [smem:$0x3F9B];
	s0 =	simm.s32 @p0 $0x1  }
0x13: {  	[smem:$0x3FB6] =	sst s0;
	s0 =	simm.s32 @!p1 $0x0  }
0x14: {  	s2 =	sld [smem:$0x3F9A];
	s0 =	simm.s32 @p1 $0x1  }
0x15: {  	[smem:$0x3FB7] =	sst s0;
	s0 =	simm.s32 @!p2 $0x0  }
0x16: {  	s3 =	sld [smem:$0x3FDB];
	s0 =	simm.s32 @p2 $0x1  }
0x17: {  	s4 =	simm.s32 $0x1BF5;
	[smem:$0x3FB9] =	sst s0  }
0x18: {  	s0 =	sld [smem:$0x3F9C];
	_ =	swait.ge [sflag:s4], $0x0  }
0x19: {  	s7 =	sld [smem:$0x3F9D]  }
0x1a: {  	s8 =	sadd.s32 $0xFFFFE003, lr  }
0x1b: {  	s9 =	sadd.s32 $0xFFFFFEF7, lr;
	s5 =	simm.s32 $0xFFFFFFFF;
	p2 =	slt.u32 s8, $0xFFFFF086  }
0x1c: {  	p1 =	slt.u32 s9, $0xF7A;
	s5 =	simm.s32 @!p2 $0x0  }
0x1d: {  	s5 =	simm.s32 @p1 $0x1;
	p0 =	seq.s32 s7, s2  }
0x1e: {  	s7 =	smul.u32 @!p0 $0xF7A, s2;
	p2 =	seq.s32 @!p0 s5, $0x0  }
0x1f: {  	s9 =	smul.u32 $0xF7A, s1;
	s8 =	simm.s32 @!p0 $0x1BF5;
	p2 =	por !p2, p0  }
0x20: {  	[sflag:s8] =	ssyncset.s32 @!p0 $0xFFFFF086;
	s6 =	sadd.s32 @!p0 s3, s7;
	s7 =	simm.s32 @!p0 $0x108  }
0x21: {  	s3 =	sadd.s32 s3, s9;
	s6 =	sadd.s32 @!p0 $0x88, s6;
	s7 =	simm.s32 @p2 $0x1082  }
0x22: {  	[simem:s7], [sflag:s8] =	dma.local @!p0 [hbm:s6], $0xF7A  }
0x23: {  	s9 =	sor.u32 $0xD0000000, s2;
	s6 =	simm.s32 $0x108;
	_ =	swait.ge @!p0 [sflag:s8], $0x0  }
0x24: {  	s3 =	sadd.s32 $0x88, s3;
	s6 =	simm.s32 @!p1 $0x1082;
	[sflag:s4] =	ssyncset.s32 $0xFFFFF086  }
0x25: {  	[simem:s6], [sflag:s4] =	dma.local [hbm:s3], $0xF7A  }
0x26: {  	[smem:$0x3F9D] =	sst s1;
	(tag) =	ssettag s2;
	_ =	strace s9  }
0x27: {  	s1 =	sld [smem:$0x3FAD]  }
0x28: {  	s2 =	sld [smem:$0x3FAE]  }
0x29: {  	s4 =	sld [smem:$0x3FB0]  }
0x2a: {  	p0 =	seq.s32 s5, $0x0;
	s5 =	sld [smem:$0x3FB1]  }
0x2b: {  	s6 =	sld [smem:$0x3FB2]  }
0x2c: {  	s7 =	sld [smem:$0x3FB3]  }
0x2d: {  	s3 =	simm.s32 $0x108;
	s8 =	sld [smem:$0x3FB4]  }
0x2e: {  	s3 =	simm.s32 @!p0 $0x1082;
	s9 =	sld [smem:$0x3FB5]  }
0x2f: {  	lr =	sadd.s32 s0, s3;
	s0 =	sld [smem:$0x3FAC]  }
0x30: {  	s3 =	sld [smem:$0x3FAF]  }
0x31: {  	[smem:$0x3FB8] =	sst s10  }
0x32: {  	s10 =	sld [smem:$0x3FB6];
	_ =	sdelay $0x3  }
0x33: {  	p0 =	seq.s32 s10, $0x1;
	s10 =	sld [smem:$0x3FB8];
	_ =	sdelay $0x3  }
0x34: {  	[smem:$0x3FB8] =	sst s10  }
0x35: {  	s10 =	sld [smem:$0x3FB7];
	_ =	sdelay $0x3  }
0x36: {  	p1 =	seq.s32 s10, $0x1;
	s10 =	sld [smem:$0x3FB8];
	_ =	sdelay $0x3  }
0x37: {  	[smem:$0x3FB8] =	sst s10  }
0x38: {  	s10 =	sld [smem:$0x3FB9]  }
0x39: {  	_ = 	snop;
	(pc) =	sbr.ind lr, $3  }
0x3a: {  	_ = 	snop  }
0x3b: {  	_ = 	snop  }
0x3c: {  	p2 =	seq.s32 s10, $0x1;
	s10 =	sld [smem:$0x3FB8]  }
0x3d: {  	_ =	shalt  }
0x3e: {  	_ =	shalt  }
0x3f: {  	_ =	shalt  }
0x40: {  	_ =	shalt  }
0x41: {  	_ =	shalt  }
0x42: {  	_ =	shalt  }
0x43: {  	_ =	shalt  }
0x44: {  	_ =	shalt  }
0x45: {  	_ =	shalt  }
0x46: {  	_ =	shalt  }
0x47: {  	_ =	shalt  }
0x48: {  	_ =	shalt  }
0x49: {  	_ =	shalt  }
0x4a: {  	_ =	shalt  }
0x4b: {  	_ =	shalt  }
0x4c: {  	_ =	shalt  }
0x4d: {  	_ =	shalt  }
0x4e: {  	_ =	shalt  }
0x4f: {  	_ =	shalt  }
0x50: {  	_ =	shalt  }
0x51: {  	_ =	shalt  }
0x52: {  	_ =	shalt  }
0x53: {  	_ =	shalt  }
0x54: {  	_ =	shalt  }
0x55: {  	_ =	shalt  }
0x56: {  	_ =	shalt  }
0x57: {  	_ =	shalt  }
0x58: {  	_ =	shalt  }
0x59: {  	_ =	shalt  }
0x5a: {  	_ =	shalt  }
0x5b: {  	_ =	shalt  }
0x5c: {  	_ =	shalt  }
0x5d: {  	_ =	shalt  }
0x5e: {  	_ =	shalt  }
0x5f: {  	_ =	shalt  }
0x60: {  	_ =	shalt  }
0x61: {  	_ =	shalt  }
0x62: {  	_ =	shalt  }
0x63: {  	_ =	shalt  }
0x64: {  	_ =	shalt  }
0x65: {  	_ =	shalt  }
0x66: {  	_ =	shalt  }
0x67: {  	_ =	shalt  }
0x68: {  	_ =	shalt  }
0x69: {  	_ =	shalt  }
0x6a: {  	_ =	shalt  }
0x6b: {  	_ =	shalt  }
0x6c: {  	_ =	shalt  }
0x6d: {  	_ =	shalt  }
0x6e: {  	_ =	shalt  }
0x6f: {  	_ =	shalt  }
0x70: {  	_ =	shalt  }
0x71: {  	_ =	shalt  }
0x72: {  	_ =	shalt  }
0x73: {  	_ =	shalt  }
0x74: {  	_ =	shalt  }
0x75: {  	_ =	shalt  }
0x76: {  	_ =	shalt  }
0x77: {  	_ =	shalt  }
0x78: {  	_ =	shalt  }
0x79: {  	_ =	shalt  }
0x7a: {  	_ =	shalt  }
0x7b: {  	_ =	shalt  }
0x7c: {  	_ =	shalt  }
0x7d: {  	_ =	shalt  }
0x7e: {  	_ =	shalt  }
0x7f: {  	_ =	shalt  }
0x80: {  	_ =	shalt  }
0x81: {  	_ =	shalt  }
0x82: {  	_ =	shalt  }
0x83: {  	_ =	shalt  }
0x84: {  	_ =	shalt  }
0x85: {  	_ =	shalt  }
0x86: {  	_ =	shalt  }
0x87: {  	_ =	shalt  }
.Lfunc_end0:
.L_simem_size_0:
called_computation_lowered:
.L_overlay_start_0:
0x88: {  	s2 =	sld [smem:$0x3FD9]  }
0x89: {  	s3 =	sld [smem:$0x3FFE];
	_ =	sdelay $0x1  }
0x8a: {  	s1 =	srdreg.scid  }
0x8b: {  	s0 =	sand.u32 $0x1, s1  }
0x8c: {  	s17 =	sshll.u32 s0, $0xA;
	s2 =	sadd.s32 s3, s2  }
0x8d: {  	s2 =	sadd.s32 s2, s17  }
0x8e: {  	[smem:$0x3FC4] =	sst s2  }
0x8f: {  	_ = 	snop  }
0x90: {  	s2 =	sld [smem:$0x3FD0];
	(tm) =	ssettm $0x1  }
0x91: {  	s18 =	sld [smem:$0x3FFB];
	_ =	sdelay $0x3  }
0x92: {  	_ =	strace s18  }
0x93: {  	s3 =	sld [smem:$0x3FFC];
	_ =	sdelay $0x3  }
0x94: {  	_ =	strace s3  }
0x95: {  	s3 =	sld [smem:$0x3FFD];
	_ =	sdelay $0x3  }
0x96: {  	_ =	strace s3  }
0x97: {  	_ =	strace $0x8FFFFFFF  }
0x98: {  	s19 =	sld [smem:$0x3FDB];
	_ =	sdelay $0x1  }
0x99: {  	s4 =	simm.s32 $_scs_section_size  }
0x9a: {  	s5 =	simm.s32 $_size__tile_overlayer_lowered;
	s6 =	simm.s32 $_tile_overlayer_lowered  }
0x9b: {  	s22 =	simm.s32 $0x1BFF;
	s21 =	sshll.u32 s6, $0x1;
	s3 =	sadd.s32 s4, s19  }
0x9c: {  	s7 =	simm.s32 $0x0;
	s20 =	sshll.u32 s5, $0x1;
	s5 =	sadd.s32 s21, s3  }
0x9d: {  	[timem:s7], [sflag:s22] =	dma.local [hbm:s5], s20  }
0x9e: {  	_ =	swait.ge [sflag:s22], s20  }
0x9f: {  	s4 =	ssub.s32 $0x0, s20;
	[sflag:s22] =	ssyncset.done $0x0  }
0xa0: {  	[sflag:s22] =	ssyncadd.s32 s4;
	_ =	sdelay $0x1  }
0xa1: {  	s23 =	simm.s32 $0x1B8B  }
0xa2: {  	_ =	swait.ge [sflag:s23], $0x1  }
0xa3: {  	[sflag:s23] =	ssyncset.done $0x0  }
0xa4: {  	s25 =	simm.s32 $0x1B8E;
	s24 =	sld [smem:$0x3FFE];
	[sflag:s23] =	ssyncadd.s32 $0xFFFFFFFF  }
0xa5: {  	s26 =	simm.s32 $execute0_lowered;
	[smem:$0x3FD2] =	sst s25  }
0xa6: {  	s5 =	sshll.u32 s26, $0x1;
	_ =	strace $0x80000046;
	[dreg:$0x1] =	wrdreg $0xFFFFFFFF  }
0xa7: {  	s28 =	simm.s32 $_size_execute0_lowered;
	s3 =	sadd.s32 s3, s5;
	[dreg:$0x0] =	wrdreg $0x0  }
0xa8: {  	s5 =	sshll.u32 s28, $0x1;
	[dreg:$0x2] =	wrdreg s3  }
0xa9: {  	[dreg:$0x3] =	wrdreg s5  }
0xaa: {  	[dreg:$0x4] =	wrdreg $0xC0  }
0xab: {  	_ =	task [dreg:s7], $0x5FFFF  }
0xac: {  	[dreg:$0x1] =	wrdreg $0xFFFFFFFF  }
0xad: {  	[dreg:$0x0] =	wrdreg $0x60  }
0xae: {  	[dreg:$0x2] =	wrdreg s2  }
0xaf: {  	[dreg:$0x3] =	wrdreg s24  }
0xb0: {  	[dreg:$0x4] =	wrdreg $0x9  }
0xb1: {  	_ =	task.clear_ibuf [dreg:s7], $0x5FFFF;
	_ =	strace $0x90000046  }
0xb2: {  	s29 =	simm.s32 $0x9;
	_ =	strace $0x80000048  }
0xb3: {  	_ =	swait.ge [sflag:s29], $0x1  }
0xb4: {  	[sflag:s29] =	ssyncadd.s32 $0xFFFFFFFF  }
0xb5: {  	_ =	strace $0x90000048  }
0xb6: {  	_ =	sfence  }
0xb7: {  	s30 =	sld [smem:$0x0];
	_ =	sdelay $0x2  }
0xb8: {  	s31 =	sshll.u32 s1, $0xD;
	s1 =	sshrl.u32 s1, $0x2  }
0xb9: {  	s3 =	sand.u32 $0x4000, s31;
	s1 =	sadd.s32 s1, s30  }
0xba: {  	s0 =	sor.u32 s3, s0;
	s1 =	sshll.u32 s1, $0x11  }
0xbb: {  	s0 =	sor.u32 s1, s0  }
0xbc: {  	s0 =	sadd.s32 $0x8F2B, s0  }
0xbd: {  	[sflag:s0] =	ssyncadd.remote.s32 $0x1  }
0xbe: {  	_ =	sfence.sel $0xFFFF  }
0xbf: {  	[dreg:$0x0] =	wrdreg $0xFFFFFFFF;
	(pc) =	sbr.abs _section_cstart, $3  }
0xc0: {  	[dreg:$0x1] =	wrdreg $0xFFFFFFFF  }
0xc1: {  	_ =	task.clear_ibuf [dreg:s7], $0x2FFFF;
	_ =	strace $0x9FFFFFFF  }
0xc2: {  	(tm) =	ssettm $0x7FFFFFFF  }
0xc3: {  	_ =	shalt  }
tec
execute0_lowered:
.L_overlay_start_1:
0x0: {  	(tag) =	ssettag $0x1  }
0x1: {  	s0 =	rddreg [dreg:$0x1];
	s2 =	simm.s32 $0x0;
	s1 =	srdreg.scid  }
0x2: {  	s6 =	stileid.u32;
	s8 =	simm.s32 $0x2;
	s9 =	simm.s32 $0x64  }
0x3: {  	s24 =	simm.s32 $0xB580;
	s25 =	simm.s32 $0x340;
	s28 =	simm.s32 $0x3A8  }
0x4: {  	s29 =	simm.s32 $0xE780;
	s30 =	simm.s32 $0x410;
	s31 =	simm.s32 $0x10080  }
0x5: {  	s7 =	simm.s32 $0x4E0;
	s10 =	simm.s32 $0x548;
	s11 =	simm.s32 $0x14B80  }
0x6: {  	s12 =	simm.s32 $0x5B0;
	s13 =	simm.s32 $0x16480;
	s14 =	simm.s32 $0x618  }
0x7: {  	s15 =	simm.s32 $0x17D80;
	s16 =	simm.s32 $0x1;
	s17 =	simm.s32 $0x19680  }
0x8: {  	s19 =	simm.s32 $0x0;
	[smem:$0x7FF] =	sst s2;
	s1 =	sand.u32 $0x1, s1  }
0x9: {  	s4 =	sadd.s32 $0x800, s0;
	s6 =	sshll.u32 s6, $0x8;
	s3 =	ssub.s32 $0x2, s1  }
0xa: {  	_ =	strace $0x80000047;
	s1 =	sshll.u32 s1, $0x7;
	s5 =	sshrl.u32 s3, $0x1  }
0xb: {  	s6 =	sor.u32 s1, s6;
	s1 =	simm.s32 $0x13280;
	s3 =	ssub.s32 s3, s5  }
0xc: {  	s5 =	sadd.s32 $0x7C1000, s0;
	s0 =	simm.s32 $0x478;
	s26 =	smax.u32 s3, $0x1  }
0xd: {  	vm0 =	vmmov $0xfff;
	s3 =	simm.s32 $0x11980;
	[dreg:$0x3] =	wrdreg s26;
	s26 =	simm.s32 $0xCE80  }
.LBB2_1:
0xe: {  	[dreg:$0x4] =	wrdreg s19;
	s18 =	simm.s32 $0x0  }
.LBB2_2:
0xf: {  	s19 =	sshll.u32 s18, $0x3  }
0x10: {  	s19 =	sadd.s32 s6, s19  }
0x11: {  	s20 =	smul.u32 $0x1A, s19  }
0x12: {  	s21 =	rddreg [dreg:$0x0]  }
0x13: {  	s23 =	simm.s32 $0x0;
	s20 =	sadd.s32 s21, s20  }
0x14: {  	[tilespmem:s23], [sflag:$0x2] =	stream.linear.gather [hbm4b:s20+s23], $0x680, $0x38;
	[tilespmem:$0x19880] =	vst v63  }
0x15: {  	_ =	swait.ge [sflag:s8], $0x680  }
0x16: {  	[sflag:s8] =	ssyncset.done $0x0  }
0x17: {  	s20 =	simm.s32 $0x0;
	[sflag:s8] =	ssyncadd.s32 $0xFFFFF980  }
0x18: {  	v3 =	vld [tilespmem:s20+$0x50]  }
0x19: {  	v6 =	vld [tilespmem:s20+$0x0]  }
0x1a: {  	v2 =	vld [tilespmem:s20+$0x10]  }
0x1b: {  	v4 =	vld [tilespmem:s20+$0x30]  }
0x1c: {  	v0 =	vld [tilespmem:s20+$0x20];
	_ =	sdelay $0x1  }
0x1d: {  	v1 =	vld [tilespmem:s20+$0x40];
	v5 =	vshra.s32 v3, $0x7  }
0x1e: {  	v7 =	vshra.s32 v6, $0x7;
	v5 =	vmul.u32 $0x8209, v5  }
0x1f: {  	v8 =	vshra.s32 v2, $0x7;
	v9 =	vshll.u32 v2, $0x1;
	vm1 =	vlt.s32 v2, $0xF4200  }
0x20: {  	v10 =	vshra.s32 v0, $0x7;
	v11 =	vshra.s32 v4, $0x7;
	v5 =	vshra.s32 v5, $0x16  }
0x21: {  	vm4 =	vlt.s32 v4, $0xF4200;
	v12 =	vshll.u32 v3, $0x1;
	v5 =	vmul.u32 $0xFFFFC100, v5  }
0x22: {  	v13 =	vshra.s32 v1, $0x7;
	vm3 =	vlt.s32 v3, $0xF4200;
	v63 =	vshll.u32 v1, $0x1  }
0x23: {  	v8 =	vmul.u32 $0x8209, v8;
	v12 =	vadd.s32 v12, v5;
	v5 =	vadd.s32 v3, v5  }
0x24: {  	v11 =	vmul.u32 $0x8209, v11;
	vm2 =	vlt.s32 v5, $0x1F80;
	v5 =	vadd.s32 $0xFFFFC101, v12  }
0x25: {  	v7 =	vmul.u32 $0x8209, v7;
	v10 =	vmul.u32 $0x8209, v10;
	v5 =	vsel vm2, v12, v5  }
0x26: {  	v8 =	vshra.s32 v8, $0x16;
	v11 =	vshra.s32 v11, $0x16;
	v3 =	vsel vm3, v5, v3  }
0x27: {  	vm2 =	vlt.s32 v0, $0xF4200;
	v5 =	vmul.u32 $0xFFFFC100, v8;
	v8 =	vshra.s32 v10, $0x16;
	[tilespmem:s20+$0x50] =	vst v3  }
0x28: {  	v10 =	vmul.u32 $0xFFFFC100, v11;
	v11 =	vshll.u32 v4, $0x1;
	vm3 =	vlt.s32 v6, $0xF4200;
	v14 =	vld [tilespmem:s20+$0x54]  }
0x29: {  	v3 =	vshll.u32 v0, $0x1;
	v8 =	vmul.u32 $0xFFFFC100, v8;
	v9 =	vadd.s32 v9, v5  }
0x2a: {  	v11 =	vadd.s32 v11, v10;
	v5 =	vadd.s32 v2, v5;
	v10 =	vadd.s32 v4, v10  }
0x2b: {  	v15 =	vadd.s32 $0xFFFFC101, v9;
	vm5 =	vlt.s32 v10, $0x1F80;
	v10 =	vadd.s32 $0xFFFFC101, v11  }
0x2c: {  	v3 =	vadd.s32 v3, v8;
	v8 =	vadd.s32 v0, v8;
	v10 =	vsel vm5, v11, v10  }
0x2d: {  	vm11 =	vlt.s32 v8, $0x1F80;
	v8 =	vsel vm4, v10, v4;
	v4 =	vshra.s32 v14, $0x7  }
0x2e: {  	vm12 =	vlt.s32 v5, $0x1F80;
	v5 =	vadd.s32 $0xFFFFC101, v3;
	v10 =	vmul.u32 $0x8209, v4  }
0x2f: {  	v3 =	vsel vm11, v3, v5;
	v5 =	vmul.u32 $0x8209, v13;
	v4 =	vshra.s32 v7, $0x16  }
0x30: {  	v7 =	vmul.u32 $0xFFFFC100, v4;
	v4 =	vsel vm12, v9, v15;
	v9 =	vshra.s32 v10, $0x16  }
0x31: {  	v5 =	vshra.s32 v5, $0x16;
	v10 =	vshll.u32 v6, $0x1;
	v9 =	vmul.u32 $0xFFFFC100, v9  }
0x32: {  	v11 =	vshll.u32 v14, $0x1;
	v10 =	vadd.s32 v10, v7;
	v7 =	vadd.s32 v6, v7  }
0x33: {  	vm13 =	vlt.s32 v7, $0x1F80;
	v7 =	vadd.s32 v11, v9;
	v9 =	vadd.s32 v14, v9  }
0x34: {  	v11 =	vmul.u32 $0xFFFFC100, v5;
	vm14 =	vlt.s32 v9, $0x1F80;
	v5 =	vadd.s32 $0xFFFFC101, v7  }
0x35: {  	vm15 =	vlt.s32 v14, $0xF4200;
	v9 =	vadd.s32 $0xFFFFC101, v10;
	v7 =	vsel vm14, v7, v5  }
0x36: {  	v9 =	vsel vm13, v10, v9;
	v5 =	vadd.s32 v63, v11;
	v10 =	vsel vm15, v7, v14  }
0x37: {  	s22 =	simm.s32 $0x1A0;
	s21 =	simm.s32 $0x340;
	[tilespmem:s20+$0x30] =	vst v8;
	v6 =	vsel vm3, v9, v6;
	v7 =	vadd.s32 v1, v11;
	v8 =	vsel vm0, v14, v10  }
.LBB2_3:
0x38: {  	p0 =	sne.s32 s21, $0x1860  }
0x39: {  	s23 =	sshra.s32 s22, $0x2;
	v2 =	vsel vm1, v4, v2;
	vm1 =	vlt.s32 v7, $0x1F80;
	v4 =	vadd.s32 $0xFFFFC101, v5;
	[tilespmem:s20+$0x54] =	vst v8;
	s22 =	smov.u32 s21;
	s21 =	sadd.s32 $0x1A0, s21  }
0x3a: {  	v0 =	vsel vm2, v3, v0;
	v7 =	vld [tilespmem:s23+$0x50];
	[tilespmem:s20+$0x0] =	vst v6;
	v3 =	vsel vm1, v5, v4;
	vm1 =	vlt.s32 v1, $0xF4200  }
0x3b: {  	v6 =	vld [tilespmem:s23+$0x0];
	[tilespmem:s20+$0x10] =	vst v2;
	v1 =	vsel vm1, v3, v1  }
0x3c: {  	v2 =	vld [tilespmem:s23+$0x10];
	[tilespmem:s20+$0x40] =	vst v1  }
0x3d: {  	v3 =	vld [tilespmem:s23+$0x30];
	[tilespmem:s20+$0x20] =	vst v0;
	s20 =	smov.u32 s23  }
0x3e: {  	v0 =	vld [tilespmem:s20+$0x20]  }
0x3f: {  	v1 =	vld [tilespmem:s20+$0x40];
	v4 =	vshra.s32 v7, $0x7  }
0x40: {  	v5 =	vshra.s32 v6, $0x7;
	v4 =	vmul.u32 $0x8209, v4  }
0x41: {  	v5 =	vmul.u32 $0x8209, v5;
	v8 =	vshra.s32 v2, $0x7;
	v9 =	vshll.u32 v2, $0x1  }
0x42: {  	vm1 =	vlt.s32 v2, $0xF4200;
	v8 =	vmul.u32 $0x8209, v8;
	v4 =	vshra.s32 v4, $0x16  }
0x43: {  	v11 =	vshra.s32 v3, $0x7;
	v10 =	vshra.s32 v0, $0x7;
	v4 =	vmul.u32 $0xFFFFC100, v4  }
0x44: {  	v12 =	vshll.u32 v7, $0x1;
	vm4 =	vlt.s32 v3, $0xF4200;
	v11 =	vmul.u32 $0x8209, v11  }
0x45: {  	v13 =	vshra.s32 v1, $0x7;
	v12 =	vadd.s32 v12, v4;
	v4 =	vadd.s32 v7, v4  }
0x46: {  	v10 =	vmul.u32 $0x8209, v10;
	vm2 =	vlt.s32 v4, $0x1F80;
	v4 =	vadd.s32 $0xFFFFC101, v12  }
0x47: {  	vm3 =	vlt.s32 v7, $0xF4200;
	v8 =	vshra.s32 v8, $0x16;
	v4 =	vsel vm2, v12, v4  }
0x48: {  	v11 =	vshra.s32 v11, $0x16;
	vm2 =	vlt.s32 v0, $0xF4200;
	v4 =	vsel vm3, v4, v7  }
0x49: {  	v7 =	vmul.u32 $0xFFFFC100, v8;
	v8 =	vshra.s32 v10, $0x16;
	v10 =	vmul.u32 $0xFFFFC100, v11;
	[tilespmem:s20+$0x50] =	vst v4  }
0x4a: {  	v12 =	vshll.u32 v1, $0x1;
	v11 =	vshll.u32 v3, $0x1;
	v4 =	vshll.u32 v0, $0x1;
	v14 =	vld [tilespmem:s20+$0x54]  }
0x4b: {  	v8 =	vmul.u32 $0xFFFFC100, v8;
	v9 =	vadd.s32 v9, v7;
	v11 =	vadd.s32 v11, v10  }
0x4c: {  	vm3 =	vlt.s32 v6, $0xF4200;
	v7 =	vadd.s32 v2, v7;
	v10 =	vadd.s32 v3, v10  }
0x4d: {  	v15 =	vadd.s32 $0xFFFFC101, v9;
	vm5 =	vlt.s32 v10, $0x1F80;
	v10 =	vadd.s32 $0xFFFFC101, v11  }
0x4e: {  	v4 =	vadd.s32 v4, v8;
	v8 =	vadd.s32 v0, v8;
	v10 =	vsel vm5, v11, v10  }
0x4f: {  	vm5 =	vlt.s32 v8, $0x1F80;
	v3 =	vsel vm4, v10, v3;
	v8 =	vshra.s32 v14, $0x7  }
0x50: {  	vm4 =	vlt.s32 v7, $0x1F80;
	v7 =	vadd.s32 $0xFFFFC101, v4;
	[tilespmem:s20+$0x30] =	vst v3;
	v8 =	vmul.u32 $0x8209, v8  }
0x51: {  	v5 =	vshra.s32 v5, $0x16;
	v3 =	vsel vm5, v4, v7;
	v7 =	vmul.u32 $0x8209, v13  }
0x52: {  	v5 =	vmul.u32 $0xFFFFC100, v5;
	v4 =	vsel vm4, v9, v15;
	v8 =	vshra.s32 v8, $0x16  }
0x53: {  	v9 =	vshll.u32 v6, $0x1;
	v7 =	vshra.s32 v7, $0x16;
	v8 =	vmul.u32 $0xFFFFC100, v8  }
0x54: {  	v10 =	vshll.u32 v14, $0x1;
	v9 =	vadd.s32 v9, v5;
	v5 =	vadd.s32 v6, v5  }
.Ltmp0:
0x55: {  	vm4 =	vlt.s32 v5, $0x1F80;
	v5 =	vadd.s32 v10, v8;
	v8 =	vadd.s32 v14, v8;
	(pc) =	sbr.rel @p0 .LBB2_3-.Ltmp0, $4  }
0x56: {  	v7 =	vmul.u32 $0xFFFFC100, v7;
	vm5 =	vlt.s32 v8, $0x1F80;
	v8 =	vadd.s32 $0xFFFFC101, v5  }
0x57: {  	v10 =	vadd.s32 $0xFFFFC101, v9;
	v8 =	vsel vm5, v5, v8;
	vm5 =	vlt.s32 v14, $0xF4200  }
0x58: {  	v9 =	vsel vm4, v9, v10;
	v5 =	vadd.s32 v12, v7;
	v8 =	vsel vm5, v8, v14  }
0x59: {  	v6 =	vsel vm3, v9, v6;
	v7 =	vadd.s32 v1, v7;
	v8 =	vsel vm0, v14, v8  }
0x5a: {  	s21 =	sshra.s32 s22, $0x2;
	[tilespmem:s20+$0x54] =	vst v8  }
0x5b: {  	v2 =	vsel vm1, v4, v2;
	vm1 =	vlt.s32 v7, $0x1F80;
	v4 =	vadd.s32 $0xFFFFC101, v5;
	v8 =	vld [tilespmem:s21+$0x50];
	[tilespmem:s20+$0x0] =	vst v6  }
0x5c: {  	v4 =	vsel vm1, v5, v4;
	vm1 =	vlt.s32 v1, $0xF4200;
	v6 =	vld [tilespmem:s21+$0x0];
	[tilespmem:s20+$0x10] =	vst v2  }
0x5d: {  	v1 =	vsel vm1, v4, v1;
	v2 =	vld [tilespmem:s21+$0x10]  }
0x5e: {  	v0 =	vsel vm2, v3, v0;
	[tilespmem:s20+$0x40] =	vst v1  }
0x5f: {  	v1 =	vld [tilespmem:s21+$0x30];
	[tilespmem:s20+$0x20] =	vst v0  }
0x60: {  	v0 =	vld [tilespmem:s21+$0x20];
	v3 =	vshra.s32 v8, $0x7  }
0x61: {  	v9 =	vld [tilespmem:s21+$0x40];
	v3 =	vmul.u32 $0x8209, v3;
	v4 =	vshra.s32 v6, $0x7  }
0x62: {  	v11 =	vshll.u32 v8, $0x1;
	v4 =	vmul.u32 $0x8209, v4;
	v5 =	vshra.s32 v2, $0x7  }
0x63: {  	v7 =	vshll.u32 v2, $0x1;
	vm1 =	vlt.s32 v2, $0xF4200;
	v3 =	vshra.s32 v3, $0x16  }
0x64: {  	v5 =	vmul.u32 $0x8209, v5;
	v12 =	vshra.s32 v1, $0x7;
	vm4 =	vlt.s32 v1, $0xF4200  }
0x65: {  	v13 =	vshll.u32 v1, $0x1;
	v3 =	vmul.u32 $0xFFFFC100, v3;
	v10 =	vshra.s32 v0, $0x7  }
0x66: {  	v12 =	vmul.u32 $0x8209, v12;
	v14 =	vshll.u32 v9, $0x1;
	v4 =	vshra.s32 v4, $0x16  }
0x67: {  	v10 =	vmul.u32 $0x8209, v10;
	v11 =	vadd.s32 v11, v3;
	v3 =	vadd.s32 v8, v3  }
0x68: {  	v5 =	vshra.s32 v5, $0x16;
	vm2 =	vlt.s32 v3, $0x1F80;
	v3 =	vadd.s32 $0xFFFFC101, v11  }
0x69: {  	v5 =	vmul.u32 $0xFFFFC100, v5;
	v3 =	vsel vm2, v11, v3;
	vm2 =	vlt.s32 v8, $0xF4200  }
0x6a: {  	v4 =	vmul.u32 $0xFFFFC100, v4;
	v11 =	vshra.s32 v12, $0x16;
	v3 =	vsel vm2, v3, v8  }
0x6b: {  	v7 =	vadd.s32 v7, v5;
	v5 =	vadd.s32 v2, v5;
	v8 =	vshra.s32 v9, $0x7;
	[tilespmem:s21+$0x50] =	vst v3  }
0x6c: {  	vm2 =	vlt.s32 v6, $0xF4200;
	v15 =	vadd.s32 $0xFFFFC101, v7;
	vm13 =	vlt.s32 v5, $0x1F80;
	v12 =	vld [tilespmem:s21+$0x54]  }
0x6d: {  	v3 =	vshra.s32 v10, $0x16;
	v10 =	vmul.u32 $0xFFFFC100, v11;
	v11 =	vshll.u32 v0, $0x1  }
0x6e: {  	v5 =	vmul.u32 $0x8209, v8;
	v7 =	vsel vm13, v7, v15;
	v3 =	vmul.u32 $0xFFFFC100, v3  }
0x6f: {  	v8 =	vshll.u32 v6, $0x1;
	v13 =	vadd.s32 v13, v10;
	v10 =	vadd.s32 v1, v10  }
0x70: {  	vm3 =	vlt.s32 v10, $0x1F80;
	v10 =	vadd.s32 $0xFFFFC101, v13;
	v11 =	vadd.s32 v11, v3  }
0x71: {  	v3 =	vadd.s32 v0, v3;
	v10 =	vsel vm3, v13, v10;
	v13 =	vshra.s32 v12, $0x7  }
0x72: {  	v8 =	vadd.s32 v8, v4;
	vm3 =	vlt.s32 v3, $0x1F80;
	v3 =	vmul.u32 $0x8209, v13  }
0x73: {  	v4 =	vadd.s32 v6, v4;
	v2 =	vsel vm1, v7, v2;
	v5 =	vshra.s32 v5, $0x16  }
0x74: {  	vm1 =	vlt.s32 v9, $0xF4200;
	v5 =	vmul.u32 $0xFFFFC100, v5;
	v3 =	vshra.s32 v3, $0x16  }
0x75: {  	vm14 =	vlt.s32 v4, $0x1F80;
	v1 =	vsel vm4, v10, v1;
	v3 =	vmul.u32 $0xFFFFC100, v3  }
0x76: {  	v10 =	vshll.u32 v12, $0x1;
	vm15 =	vlt.s32 v12, $0xF4200;
	[tilespmem:s21+$0x30] =	vst v1;
	v1 =	vadd.s32 v14, v5  }
0x77: {  	v4 =	vadd.s32 v10, v3;
	v3 =	vadd.s32 v12, v3;
	v10 =	vadd.s32 $0xFFFFC101, v8  }
0x78: {  	vm5 =	vlt.s32 v3, $0x1F80;
	v3 =	vadd.s32 $0xFFFFC101, v4;
	v8 =	vsel vm14, v8, v10  }
0x79: {  	v5 =	vadd.s32 v9, v5;
	v3 =	vsel vm5, v4, v3;
	v6 =	vsel vm2, v8, v6  }
0x7a: {  	[tilespmem:s21+$0x10] =	vst v2;
	vm2 =	vlt.s32 v5, $0x1F80;
	v5 =	vadd.s32 $0xFFFFC101, v1;
	v3 =	vsel vm15, v3, v12  }
0x7b: {  	v4 =	vadd.s32 $0xFFFFC101, v11;
	[tilespmem:s21+$0x0] =	vst v6;
	v1 =	vsel vm2, v1, v5;
	v3 =	vsel vm0, v12, v3  }
0x7c: {  	vm2 =	vlt.s32 v0, $0xF4200;
	v1 =	vsel vm1, v1, v9;
	[tilespmem:s21+$0x54] =	vst v3;
	v3 =	vsel vm3, v11, v4  }
0x7d: {  	[tilespmem:s21+$0x40] =	vst v1;
	v0 =	vsel vm2, v3, v0  }
0x7e: {  	[tilespmem:s21+$0x20] =	vst v0;
	s21 =	simm.s32 $0x680  }
0x7f: {  	[tilespmem:s21], [sflag:$0x1] =	stream.indirect.gather [hbm4b:s4+s9], $0x40, s2, s9, $0xb8;
	[tilespmem:$0x19880] =	vst v63  }
0x80: {  	s22 =	simm.s32 $0x68;
	s23 =	simm.s32 $0x1F80  }
0x81: {  	[tilespmem:s23], [sflag:$0x1] =	stream.indirect.gather [hbm4b:s4+s9], $0x40, s22, s9, $0xb8;
	[tilespmem:$0x19880] =	vst v63  }
0x82: {  	s22 =	simm.s32 $0xD0;
	s23 =	simm.s32 $0x3880  }
0x83: {  	[tilespmem:s23], [sflag:$0x1] =	stream.indirect.gather [hbm4b:s4+s9], $0x40, s22, s9, $0xb8;
	[tilespmem:$0x19880] =	vst v63  }
0x84: {  	s22 =	simm.s32 $0x138;
	s23 =	simm.s32 $0x5180  }
0x85: {  	[tilespmem:s23], [sflag:$0x1] =	stream.indirect.gather [hbm4b:s4+s9], $0x40, s22, s9, $0xb8;
	[tilespmem:$0x19880] =	vst v63  }
0x86: {  	s22 =	simm.s32 $0x1A0;
	s23 =	simm.s32 $0x6A80  }
0x87: {  	[tilespmem:s23], [sflag:$0x1] =	stream.indirect.gather [hbm4b:s4+s9], $0x40, s22, s9, $0xb8;
	[tilespmem:$0x19880] =	vst v63  }
0x88: {  	s22 =	simm.s32 $0x208;
	s23 =	simm.s32 $0x8380  }
0x89: {  	[tilespmem:s23], [sflag:$0x1] =	stream.indirect.gather [hbm4b:s4+s9], $0x40, s22, s9, $0xb8;
	[tilespmem:$0x19880] =	vst v63  }
0x8a: {  	s22 =	simm.s32 $0x270;
	s23 =	simm.s32 $0x9C80  }
0x8b: {  	[tilespmem:s23], [sflag:$0x1] =	stream.indirect.gather [hbm4b:s4+s9], $0x40, s22, s9, $0xb8;
	[tilespmem:$0x19880] =	vst v63  }
0x8c: {  	s22 =	simm.s32 $0x2D8  }
0x8d: {  	[tilespmem:s24], [sflag:$0x1] =	stream.indirect.gather [hbm4b:s4+s9], $0x40, s22, s9, $0xb8;
	[tilespmem:$0x19880] =	vst v63  }
0x8e: {  	_ = 	snop  }
0x8f: {  	[tilespmem:s26], [sflag:$0x1] =	stream.indirect.gather [hbm4b:s4+s9], $0x40, s25, s9, $0xb8;
	[tilespmem:$0x19880] =	vst v63  }
0x90: {  	_ = 	snop  }
0x91: {  	[tilespmem:s29], [sflag:$0x1] =	stream.indirect.gather [hbm4b:s4+s9], $0x40, s28, s9, $0xb8;
	[tilespmem:$0x19880] =	vst v63  }
0x92: {  	_ = 	snop  }
0x93: {  	[tilespmem:s31], [sflag:$0x1] =	stream.indirect.gather [hbm4b:s4+s9], $0x40, s30, s9, $0xb8;
	[tilespmem:$0x19880] =	vst v63  }
0x94: {  	_ = 	snop  }
0x95: {  	[tilespmem:s3], [sflag:$0x1] =	stream.indirect.gather [hbm4b:s4+s9], $0x40, s0, s9, $0xb8;
	[tilespmem:$0x19880] =	vst v63  }
0x96: {  	_ = 	snop  }
0x97: {  	[tilespmem:s1], [sflag:$0x1] =	stream.indirect.gather [hbm4b:s4+s9], $0x40, s7, s9, $0xb8;
	[tilespmem:$0x19880] =	vst v63  }
0x98: {  	_ = 	snop  }
0x99: {  	[tilespmem:s11], [sflag:$0x1] =	stream.indirect.gather [hbm4b:s4+s9], $0x40, s10, s9, $0xb8;
	[tilespmem:$0x19880] =	vst v63  }
0x9a: {  	_ = 	snop  }
0x9b: {  	[tilespmem:s13], [sflag:$0x1] =	stream.indirect.gather [hbm4b:s4+s9], $0x40, s12, s9, $0xb8;
	[tilespmem:$0x19880] =	vst v63  }
0x9c: {  	_ = 	snop  }
0x9d: {  	[tilespmem:s15], [sflag:$0x1] =	stream.indirect.gather [hbm4b:s4+s9], $0x40, s14, s9, $0xb8;
	[tilespmem:$0x19880] =	vst v63  }
0x9e: {  	_ =	swait.ge [sflag:s16], $0x1900  }
0x9f: {  	[sflag:s16] =	ssyncset.done $0x0  }
0xa0: {  	[sflag:s16] =	ssyncadd.s32 $0xFFFFE700  }
0xa1: {  	_ =	swait.ge [sflag:s16], $0x1900  }
0xa2: {  	[sflag:s16] =	ssyncset.done $0x0  }
0xa3: {  	[sflag:s16] =	ssyncadd.s32 $0xFFFFE700  }
0xa4: {  	_ =	swait.ge [sflag:s16], $0x1900  }
0xa5: {  	[sflag:s16] =	ssyncset.done $0x0  }
0xa6: {  	[sflag:s16] =	ssyncadd.s32 $0xFFFFE700  }
0xa7: {  	_ =	swait.ge [sflag:s16], $0x1900  }
0xa8: {  	[sflag:s16] =	ssyncset.done $0x0  }
0xa9: {  	[sflag:s16] =	ssyncadd.s32 $0xFFFFE700  }
0xaa: {  	_ =	swait.ge [sflag:s16], $0x1900  }
0xab: {  	[sflag:s16] =	ssyncset.done $0x0  }
0xac: {  	[sflag:s16] =	ssyncadd.s32 $0xFFFFE700  }
0xad: {  	_ =	swait.ge [sflag:s16], $0x1900  }
0xae: {  	[sflag:s16] =	ssyncset.done $0x0  }
0xaf: {  	[sflag:s16] =	ssyncadd.s32 $0xFFFFE700  }
0xb0: {  	_ =	swait.ge [sflag:s16], $0x1900  }
0xb1: {  	[sflag:s16] =	ssyncset.done $0x0  }
0xb2: {  	[sflag:s16] =	ssyncadd.s32 $0xFFFFE700  }
0xb3: {  	_ =	swait.ge [sflag:s16], $0x1900  }
0xb4: {  	[sflag:s16] =	ssyncset.done $0x0  }
0xb5: {  	[sflag:s16] =	ssyncadd.s32 $0xFFFFE700  }
0xb6: {  	_ =	swait.ge [sflag:s16], $0x1900  }
0xb7: {  	[sflag:s16] =	ssyncset.done $0x0  }
0xb8: {  	[sflag:s16] =	ssyncadd.s32 $0xFFFFE700  }
0xb9: {  	_ =	swait.ge [sflag:s16], $0x1900  }
0xba: {  	[sflag:s16] =	ssyncset.done $0x0  }
0xbb: {  	[sflag:s16] =	ssyncadd.s32 $0xFFFFE700  }
0xbc: {  	_ =	swait.ge [sflag:s16], $0x1900  }
0xbd: {  	[sflag:s16] =	ssyncset.done $0x0  }
0xbe: {  	[sflag:s16] =	ssyncadd.s32 $0xFFFFE700  }
0xbf: {  	_ =	swait.ge [sflag:s16], $0x1900  }
0xc0: {  	[sflag:s16] =	ssyncset.done $0x0  }
0xc1: {  	[sflag:s16] =	ssyncadd.s32 $0xFFFFE700  }
0xc2: {  	_ =	swait.ge [sflag:s16], $0x1900  }
0xc3: {  	[sflag:s16] =	ssyncset.done $0x0  }
0xc4: {  	[sflag:s16] =	ssyncadd.s32 $0xFFFFE700  }
0xc5: {  	_ =	swait.ge [sflag:s16], $0x1900  }
0xc6: {  	[sflag:s16] =	ssyncset.done $0x0  }
0xc7: {  	[sflag:s16] =	ssyncadd.s32 $0xFFFFE700  }
0xc8: {  	_ =	swait.ge [sflag:s16], $0x1900  }
0xc9: {  	[sflag:s16] =	ssyncset.done $0x0  }
0xca: {  	[sflag:s16] =	ssyncadd.s32 $0xFFFFE700  }
0xcb: {  	_ =	swait.ge [sflag:s16], $0x1900  }
0xcc: {  	[sflag:s16] =	ssyncset.done $0x0  }
0xcd: {  	s23 =	simm.s32 $0x1FF0;
	[sflag:s16] =	ssyncadd.s32 $0xFFFFE700  }
0xce: {  	v0 =	vld [tilespmem:s23+$0xFFFFFFD0]  }
0xcf: {  	v1 =	vld [tilespmem:s23+$0xFFFFFFE0]  }
0xd0: {  	v2 =	vld [tilespmem:s23+$0xFFFFE6D0]  }
0xd1: {  	v3 =	vld [tilespmem:s23+$0xFFFFE6E0]  }
0xd2: {  	v9 =	vld [tilespmem:s23+$0xFFFFFF90]  }
0xd3: {  	v12 =	vld [tilespmem:s23+$0xFFFFFFA0]  }
0xd4: {  	v5 =	vld [tilespmem:s23+$0xFFFFE690]  }
0xd5: {  	v7 =	vld [tilespmem:s23+$0xFFFFE6A0]  }
0xd6: {  	v10 =	vld [tilespmem:s23+$0xFFFFE6B0]  }
0xd7: {  	v13 =	vld [tilespmem:s23+$0xFFFFE6C0]  }
0xd8: {  	v6 =	vld [tilespmem:s23+$0xFFFFFFB0]  }
0xd9: {  	v8 =	vld [tilespmem:s23+$0xFFFFFFC0]  }
0xda: {  	v14 =	vimm.f32 $0.0e+00;
	v4 =	vld [tilespmem:s23+$0xFFFFE6F0]  }
0xdb: {  	v15 =	vadd.f32 v5, v14;
	v16 =	vadd.f32 v7, v14;
	v7 =	vld [tilespmem:s23+$0xFFFFE700]  }
0xdc: {  	v11 =	vadd.f32 v10, v14;
	v10 =	vadd.f32 v13, v14;
	v5 =	vld [tilespmem:s23+$0xFFFFFFF0]  }
0xdd: {  	s20 =	simm.s32 $0x0;
	s21 =	simm.s32 $0x2070;
	v13 =	vadd.f32 v9, v15;
	v12 =	vadd.f32 v12, v16;
	v9 =	vld [tilespmem:s23+$0x0]  }
.LBB2_5:
0xde: {  	v14 =	vld [tilespmem:s21+$0xFFFFFFD0];
	v6 =	vadd.f32 v6, v11;
	v8 =	vadd.f32 v8, v10  }
0xdf: {  	v10 =	vld [tilespmem:s21+$0xFFFFFFE0];
	v11 =	vadd.f32 v2, v13;
	v12 =	vadd.f32 v3, v12  }
0xe0: {  	v2 =	vld [tilespmem:s21+$0xFFFFE6D0];
	v4 =	vadd.f32 v4, v6;
	v6 =	vadd.f32 v7, v8  }
0xe1: {  	v3 =	vld [tilespmem:s21+$0xFFFFE6E0];
	v7 =	vadd.f32 v0, v11;
	v11 =	vadd.f32 v1, v12  }
0xe2: {  	v12 =	vld [tilespmem:s21+$0xFFFFFF90];
	v5 =	vadd.f32 v5, v4;
	v9 =	vadd.f32 v9, v6  }
0xe3: {  	v15 =	vld [tilespmem:s21+$0xFFFFFFA0];
	v0 =	vmov v14  }
0xe4: {  	v13 =	vld [tilespmem:s21+$0xFFFFE690];
	v1 =	vmov v10  }
0xe5: {  	v10 =	vld [tilespmem:s21+$0xFFFFE6A0]  }
0xe6: {  	v14 =	vld [tilespmem:s21+$0xFFFFE6B0]  }
0xe7: {  	s20 =	sadd.s32 $0x2, s20;
	v16 =	vld [tilespmem:s21+$0xFFFFE6C0]  }
0xe8: {  	p0 =	slt.u32 s20, $0x62;
	v6 =	vld [tilespmem:s21+$0xFFFFFFB0]  }
.Ltmp1:
0xe9: {  	v8 =	vld [tilespmem:s21+$0xFFFFFFC0];
	(pc) =	sbr.rel @p0 .LBB2_5-.Ltmp1, $4  }
0xea: {  	v4 =	vld [tilespmem:s21+$0xFFFFE6F0]  }
0xeb: {  	v13 =	vadd.f32 v13, v7;
	v17 =	vadd.f32 v10, v11;
	v7 =	vld [tilespmem:s21+$0xFFFFE700]  }
0xec: {  	v11 =	vadd.f32 v14, v5;
	v10 =	vadd.f32 v16, v9;
	v5 =	vld [tilespmem:s21+$0xFFFFFFF0]  }
0xed: {  	v13 =	vadd.f32 v12, v13;
	v12 =	vadd.f32 v15, v17;
	v9 =	vld [tilespmem:s21+$0x0];
	s21 =	sadd.s32 $0x80, s21  }
0xee: {  	_ = 	snop  }
0xef: {  	v6 =	vadd.f32 v6, v11;
	v2 =	vadd.f32 v2, v13  }
0xf0: {  	v8 =	vadd.f32 v8, v10;
	v3 =	vadd.f32 v3, v12  }
0xf1: {  	v4 =	vadd.f32 v4, v6;
	v0 =	vadd.f32 v0, v2  }
0xf2: {  	v2 =	vadd.f32 v7, v8;
	v1 =	vadd.f32 v1, v3  }
0xf3: {  	v3 =	vadd.f32 v5, v4;
	v0 =	vmul.f32 $4.999999890e-03, v0  }
0xf4: {  	v2 =	vadd.f32 v9, v2;
	v1 =	vmul.f32 $4.999999890e-03, v1  }
0xf5: {  	[tilespmem:$0x19680] =	vst v0;
	v0 =	vmul.f32 $4.999999890e-03, v3  }
0xf6: {  	[tilespmem:$0x19690] =	vst v1;
	v1 =	vmul.f32 $4.999999890e-03, v2  }
0xf7: {  	[tilespmem:$0x196A0] =	vst v0  }
0xf8: {  	s21 =	simm.s32 $0x51F0;
	[tilespmem:$0x196B0] =	vst v1  }
0xf9: {  	v0 =	vld [tilespmem:s21+$0xFFFFFFD0]  }
0xfa: {  	v1 =	vld [tilespmem:s21+$0xFFFFFFE0]  }
0xfb: {  	v2 =	vld [tilespmem:s21+$0xFFFFE6D0]  }
0xfc: {  	v3 =	vld [tilespmem:s21+$0xFFFFE6E0]  }
0xfd: {  	v9 =	vld [tilespmem:s21+$0xFFFFFF90]  }
0xfe: {  	v12 =	vld [tilespmem:s21+$0xFFFFFFA0]  }
0xff: {  	v5 =	vld [tilespmem:s21+$0xFFFFE690]  }
0x100: {  	v7 =	vld [tilespmem:s21+$0xFFFFE6A0]  }
0x101: {  	v10 =	vld [tilespmem:s21+$0xFFFFE6B0]  }
0x102: {  	v13 =	vld [tilespmem:s21+$0xFFFFE6C0]  }
0x103: {  	v6 =	vld [tilespmem:s21+$0xFFFFFFB0]  }
0x104: {  	v8 =	vld [tilespmem:s21+$0xFFFFFFC0]  }
0x105: {  	v14 =	vimm.f32 $0.0e+00;
	v4 =	vld [tilespmem:s21+$0xFFFFE6F0]  }
0x106: {  	v15 =	vadd.f32 v5, v14;
	v16 =	vadd.f32 v7, v14;
	v7 =	vld [tilespmem:s21+$0xFFFFE700]  }
0x107: {  	v11 =	vadd.f32 v10, v14;
	v10 =	vadd.f32 v13, v14;
	v5 =	vld [tilespmem:s21+$0xFFFFFFF0]  }
0x108: {  	s20 =	simm.s32 $0x0;
	v13 =	vadd.f32 v9, v15;
	v12 =	vadd.f32 v12, v16;
	v9 =	vld [tilespmem:s21+$0x0];
	s21 =	simm.s32 $0x5270  }
.LBB2_7:
0x109: {  	v14 =	vld [tilespmem:s21+$0xFFFFFFD0];
	v6 =	vadd.f32 v6, v11;
	v8 =	vadd.f32 v8, v10  }
0x10a: {  	v10 =	vld [tilespmem:s21+$0xFFFFFFE0];
	v11 =	vadd.f32 v2, v13;
	v12 =	vadd.f32 v3, v12  }
0x10b: {  	v2 =	vld [tilespmem:s21+$0xFFFFE6D0];
	v4 =	vadd.f32 v4, v6;
	v6 =	vadd.f32 v7, v8  }
0x10c: {  	v3 =	vld [tilespmem:s21+$0xFFFFE6E0];
	v7 =	vadd.f32 v0, v11;
	v11 =	vadd.f32 v1, v12  }
0x10d: {  	v12 =	vld [tilespmem:s21+$0xFFFFFF90];
	v5 =	vadd.f32 v5, v4;
	v9 =	vadd.f32 v9, v6  }
0x10e: {  	v15 =	vld [tilespmem:s21+$0xFFFFFFA0];
	v0 =	vmov v14  }
0x10f: {  	v13 =	vld [tilespmem:s21+$0xFFFFE690];
	v1 =	vmov v10  }
0x110: {  	v10 =	vld [tilespmem:s21+$0xFFFFE6A0]  }
0x111: {  	v14 =	vld [tilespmem:s21+$0xFFFFE6B0]  }
0x112: {  	s20 =	sadd.s32 $0x2, s20;
	v16 =	vld [tilespmem:s21+$0xFFFFE6C0]  }
0x113: {  	p0 =	slt.u32 s20, $0x62;
	v6 =	vld [tilespmem:s21+$0xFFFFFFB0]  }
.Ltmp2:
0x114: {  	v8 =	vld [tilespmem:s21+$0xFFFFFFC0];
	(pc) =	sbr.rel @p0 .LBB2_7-.Ltmp2, $4  }
0x115: {  	v4 =	vld [tilespmem:s21+$0xFFFFE6F0]  }
0x116: {  	v13 =	vadd.f32 v13, v7;
	v17 =	vadd.f32 v10, v11;
	v7 =	vld [tilespmem:s21+$0xFFFFE700]  }
0x117: {  	v11 =	vadd.f32 v14, v5;
	v10 =	vadd.f32 v16, v9;
	v5 =	vld [tilespmem:s21+$0xFFFFFFF0]  }
0x118: {  	v13 =	vadd.f32 v12, v13;
	v12 =	vadd.f32 v15, v17;
	v9 =	vld [tilespmem:s21+$0x0];
	s21 =	sadd.s32 $0x80, s21  }
0x119: {  	_ = 	snop  }
0x11a: {  	v6 =	vadd.f32 v6, v11;
	v2 =	vadd.f32 v2, v13  }
0x11b: {  	v8 =	vadd.f32 v8, v10;
	v3 =	vadd.f32 v3, v12  }
0x11c: {  	v4 =	vadd.f32 v4, v6;
	v0 =	vadd.f32 v0, v2  }
0x11d: {  	v2 =	vadd.f32 v7, v8;
	v1 =	vadd.f32 v1, v3  }
0x11e: {  	v3 =	vadd.f32 v5, v4;
	v0 =	vmul.f32 $4.999999890e-03, v0  }
0x11f: {  	v2 =	vadd.f32 v9, v2;
	v1 =	vmul.f32 $4.999999890e-03, v1  }
0x120: {  	[tilespmem:$0x196C0] =	vst v0;
	v0 =	vmul.f32 $4.999999890e-03, v3  }
0x121: {  	[tilespmem:$0x196D0] =	vst v1;
	v1 =	vmul.f32 $4.999999890e-03, v2  }
0x122: {  	[tilespmem:$0x196E0] =	vst v0  }
0x123: {  	s21 =	simm.s32 $0x6A80;
	[tilespmem:$0x196F0] =	vst v1  }
0x124: {  	v0 =	vld [tilespmem:s21+$0x1940]  }
0x125: {  	v1 =	vld [tilespmem:s21+$0x1950]  }
0x126: {  	v2 =	vld [tilespmem:s21+$0x40]  }
0x127: {  	v3 =	vld [tilespmem:s21+$0x50]  }
0x128: {  	v9 =	vld [tilespmem:s21+$0x1900]  }
0x129: {  	v12 =	vld [tilespmem:s21+$0x1910]  }
0x12a: {  	v5 =	vld [tilespmem:s21+$0x0]  }
0x12b: {  	v7 =	vld [tilespmem:s21+$0x10]  }
0x12c: {  	v10 =	vld [tilespmem:s21+$0x20]  }
0x12d: {  	v13 =	vld [tilespmem:s21+$0x30]  }
0x12e: {  	v6 =	vld [tilespmem:s21+$0x1920]  }
0x12f: {  	v8 =	vld [tilespmem:s21+$0x1930]  }
0x130: {  	v14 =	vimm.f32 $0.0e+00;
	v4 =	vld [tilespmem:s21+$0x60]  }
0x131: {  	v15 =	vadd.f32 v5, v14;
	v16 =	vadd.f32 v7, v14;
	v7 =	vld [tilespmem:s21+$0x70]  }
0x132: {  	v11 =	vadd.f32 v10, v14;
	v10 =	vadd.f32 v13, v14;
	v5 =	vld [tilespmem:s21+$0x1960]  }
0x133: {  	s20 =	simm.s32 $0x0;
	v13 =	vadd.f32 v9, v15;
	v12 =	vadd.f32 v12, v16;
	v9 =	vld [tilespmem:s21+$0x1970];
	s21 =	simm.s32 $0x6B00  }
.LBB2_9:
0x134: {  	v14 =	vld [tilespmem:s21+$0x1940];
	v6 =	vadd.f32 v6, v11;
	v8 =	vadd.f32 v8, v10  }
0x135: {  	v10 =	vld [tilespmem:s21+$0x1950];
	v11 =	vadd.f32 v2, v13;
	v12 =	vadd.f32 v3, v12  }
0x136: {  	v2 =	vld [tilespmem:s21+$0x40];
	v4 =	vadd.f32 v4, v6;
	v6 =	vadd.f32 v7, v8  }
0x137: {  	v3 =	vld [tilespmem:s21+$0x50];
	v7 =	vadd.f32 v0, v11;
	v11 =	vadd.f32 v1, v12  }
0x138: {  	v12 =	vld [tilespmem:s21+$0x1900];
	v5 =	vadd.f32 v5, v4;
	v9 =	vadd.f32 v9, v6  }
0x139: {  	v15 =	vld [tilespmem:s21+$0x1910];
	v0 =	vmov v14  }
0x13a: {  	v13 =	vld [tilespmem:s21+$0x0];
	v1 =	vmov v10  }
0x13b: {  	v10 =	vld [tilespmem:s21+$0x10]  }
0x13c: {  	v14 =	vld [tilespmem:s21+$0x20]  }
0x13d: {  	s20 =	sadd.s32 $0x2, s20;
	v16 =	vld [tilespmem:s21+$0x30]  }
0x13e: {  	p0 =	slt.u32 s20, $0x62;
	v6 =	vld [tilespmem:s21+$0x1920]  }
.Ltmp3:
0x13f: {  	v8 =	vld [tilespmem:s21+$0x1930];
	(pc) =	sbr.rel @p0 .LBB2_9-.Ltmp3, $4  }
0x140: {  	v4 =	vld [tilespmem:s21+$0x60]  }
0x141: {  	v13 =	vadd.f32 v13, v7;
	v17 =	vadd.f32 v10, v11;
	v7 =	vld [tilespmem:s21+$0x70]  }
0x142: {  	v11 =	vadd.f32 v14, v5;
	v10 =	vadd.f32 v16, v9;
	v5 =	vld [tilespmem:s21+$0x1960]  }
0x143: {  	v13 =	vadd.f32 v12, v13;
	v12 =	vadd.f32 v15, v17;
	v9 =	vld [tilespmem:s21+$0x1970];
	s21 =	sadd.s32 $0x80, s21  }
0x144: {  	_ = 	snop  }
0x145: {  	v6 =	vadd.f32 v6, v11;
	v2 =	vadd.f32 v2, v13  }
0x146: {  	v8 =	vadd.f32 v8, v10;
	v3 =	vadd.f32 v3, v12  }
0x147: {  	v4 =	vadd.f32 v4, v6;
	v0 =	vadd.f32 v0, v2  }
0x148: {  	v2 =	vadd.f32 v7, v8;
	v1 =	vadd.f32 v1, v3  }
0x149: {  	v3 =	vadd.f32 v5, v4;
	v0 =	vmul.f32 $4.999999890e-03, v0  }
0x14a: {  	v2 =	vadd.f32 v9, v2;
	v1 =	vmul.f32 $4.999999890e-03, v1  }
0x14b: {  	[tilespmem:$0x19700] =	vst v0;
	v0 =	vmul.f32 $4.999999890e-03, v3  }
0x14c: {  	[tilespmem:$0x19710] =	vst v1;
	v1 =	vmul.f32 $4.999999890e-03, v2  }
0x14d: {  	[tilespmem:$0x19720] =	vst v0  }
0x14e: {  	s21 =	simm.s32 $0x9C80;
	[tilespmem:$0x19730] =	vst v1  }
0x14f: {  	v0 =	vld [tilespmem:s21+$0x1940]  }
0x150: {  	v1 =	vld [tilespmem:s21+$0x1950]  }
0x151: {  	v2 =	vld [tilespmem:s21+$0x40]  }
0x152: {  	v3 =	vld [tilespmem:s21+$0x50]  }
0x153: {  	v9 =	vld [tilespmem:s21+$0x1900]  }
0x154: {  	v12 =	vld [tilespmem:s21+$0x1910]  }
0x155: {  	v5 =	vld [tilespmem:s21+$0x0]  }
0x156: {  	v7 =	vld [tilespmem:s21+$0x10]  }
0x157: {  	v10 =	vld [tilespmem:s21+$0x20]  }
0x158: {  	v13 =	vld [tilespmem:s21+$0x30]  }
0x159: {  	v6 =	vld [tilespmem:s21+$0x1920]  }
0x15a: {  	v8 =	vld [tilespmem:s21+$0x1930]  }
0x15b: {  	v14 =	vimm.f32 $0.0e+00;
	v4 =	vld [tilespmem:s21+$0x60]  }
0x15c: {  	v15 =	vadd.f32 v5, v14;
	v16 =	vadd.f32 v7, v14;
	v7 =	vld [tilespmem:s21+$0x70]  }
0x15d: {  	v11 =	vadd.f32 v10, v14;
	v10 =	vadd.f32 v13, v14;
	v5 =	vld [tilespmem:s21+$0x1960]  }
0x15e: {  	s20 =	simm.s32 $0x0;
	v13 =	vadd.f32 v9, v15;
	v12 =	vadd.f32 v12, v16;
	v9 =	vld [tilespmem:s21+$0x1970];
	s21 =	simm.s32 $0x9D00  }
.LBB2_11:
0x15f: {  	v14 =	vld [tilespmem:s21+$0x1940];
	v6 =	vadd.f32 v6, v11;
	v8 =	vadd.f32 v8, v10  }
0x160: {  	v10 =	vld [tilespmem:s21+$0x1950];
	v11 =	vadd.f32 v2, v13;
	v12 =	vadd.f32 v3, v12  }
0x161: {  	v2 =	vld [tilespmem:s21+$0x40];
	v4 =	vadd.f32 v4, v6;
	v6 =	vadd.f32 v7, v8  }
0x162: {  	v3 =	vld [tilespmem:s21+$0x50];
	v7 =	vadd.f32 v0, v11;
	v11 =	vadd.f32 v1, v12  }
0x163: {  	v12 =	vld [tilespmem:s21+$0x1900];
	v5 =	vadd.f32 v5, v4;
	v9 =	vadd.f32 v9, v6  }
0x164: {  	v15 =	vld [tilespmem:s21+$0x1910];
	v0 =	vmov v14  }
0x165: {  	v13 =	vld [tilespmem:s21+$0x0];
	v1 =	vmov v10  }
0x166: {  	v10 =	vld [tilespmem:s21+$0x10]  }
0x167: {  	v14 =	vld [tilespmem:s21+$0x20]  }
0x168: {  	s20 =	sadd.s32 $0x2, s20;
	v16 =	vld [tilespmem:s21+$0x30]  }
0x169: {  	p0 =	slt.u32 s20, $0x62;
	v6 =	vld [tilespmem:s21+$0x1920]  }
.Ltmp4:
0x16a: {  	v8 =	vld [tilespmem:s21+$0x1930];
	(pc) =	sbr.rel @p0 .LBB2_11-.Ltmp4, $4  }
0x16b: {  	v4 =	vld [tilespmem:s21+$0x60]  }
0x16c: {  	v13 =	vadd.f32 v13, v7;
	v17 =	vadd.f32 v10, v11;
	v7 =	vld [tilespmem:s21+$0x70]  }
0x16d: {  	v11 =	vadd.f32 v14, v5;
	v10 =	vadd.f32 v16, v9;
	v5 =	vld [tilespmem:s21+$0x1960]  }
0x16e: {  	v13 =	vadd.f32 v12, v13;
	v12 =	vadd.f32 v15, v17;
	v9 =	vld [tilespmem:s21+$0x1970];
	s21 =	sadd.s32 $0x80, s21  }
0x16f: {  	_ = 	snop  }
0x170: {  	v6 =	vadd.f32 v6, v11;
	v2 =	vadd.f32 v2, v13  }
0x171: {  	v8 =	vadd.f32 v8, v10;
	v3 =	vadd.f32 v3, v12  }
0x172: {  	v4 =	vadd.f32 v4, v6;
	v0 =	vadd.f32 v0, v2  }
0x173: {  	v2 =	vadd.f32 v7, v8;
	v1 =	vadd.f32 v1, v3  }
0x174: {  	v3 =	vadd.f32 v5, v4;
	v0 =	vmul.f32 $4.999999890e-03, v0  }
0x175: {  	v2 =	vadd.f32 v9, v2;
	v1 =	vmul.f32 $4.999999890e-03, v1  }
0x176: {  	[tilespmem:$0x19740] =	vst v0;
	v0 =	vmul.f32 $4.999999890e-03, v3  }
0x177: {  	[tilespmem:$0x19750] =	vst v1;
	v1 =	vmul.f32 $4.999999890e-03, v2  }
0x178: {  	[tilespmem:$0x19760] =	vst v0  }
0x179: {  	s21 =	simm.s32 $0xCE80;
	[tilespmem:$0x19770] =	vst v1  }
0x17a: {  	v0 =	vld [tilespmem:s21+$0x1940]  }
0x17b: {  	v1 =	vld [tilespmem:s21+$0x1950]  }
0x17c: {  	v2 =	vld [tilespmem:s21+$0x40]  }
0x17d: {  	v3 =	vld [tilespmem:s21+$0x50]  }
0x17e: {  	v9 =	vld [tilespmem:s21+$0x1900]  }
0x17f: {  	v12 =	vld [tilespmem:s21+$0x1910]  }
0x180: {  	v5 =	vld [tilespmem:s21+$0x0]  }
0x181: {  	v7 =	vld [tilespmem:s21+$0x10]  }
0x182: {  	v10 =	vld [tilespmem:s21+$0x20]  }
0x183: {  	v13 =	vld [tilespmem:s21+$0x30]  }
0x184: {  	v6 =	vld [tilespmem:s21+$0x1920]  }
0x185: {  	v8 =	vld [tilespmem:s21+$0x1930]  }
0x186: {  	v14 =	vimm.f32 $0.0e+00;
	v4 =	vld [tilespmem:s21+$0x60]  }
0x187: {  	v15 =	vadd.f32 v5, v14;
	v16 =	vadd.f32 v7, v14;
	v7 =	vld [tilespmem:s21+$0x70]  }
0x188: {  	v11 =	vadd.f32 v10, v14;
	v10 =	vadd.f32 v13, v14;
	v5 =	vld [tilespmem:s21+$0x1960]  }
0x189: {  	s20 =	simm.s32 $0x0;
	v13 =	vadd.f32 v9, v15;
	v12 =	vadd.f32 v12, v16;
	v9 =	vld [tilespmem:s21+$0x1970];
	s21 =	simm.s32 $0xCF00  }
.LBB2_13:
0x18a: {  	v14 =	vld [tilespmem:s21+$0x1940];
	v6 =	vadd.f32 v6, v11;
	v8 =	vadd.f32 v8, v10  }
0x18b: {  	v10 =	vld [tilespmem:s21+$0x1950];
	v11 =	vadd.f32 v2, v13;
	v12 =	vadd.f32 v3, v12  }
0x18c: {  	v2 =	vld [tilespmem:s21+$0x40];
	v4 =	vadd.f32 v4, v6;
	v6 =	vadd.f32 v7, v8  }
0x18d: {  	v3 =	vld [tilespmem:s21+$0x50];
	v7 =	vadd.f32 v0, v11;
	v11 =	vadd.f32 v1, v12  }
0x18e: {  	v12 =	vld [tilespmem:s21+$0x1900];
	v5 =	vadd.f32 v5, v4;
	v9 =	vadd.f32 v9, v6  }
0x18f: {  	v15 =	vld [tilespmem:s21+$0x1910];
	v0 =	vmov v14  }
0x190: {  	v13 =	vld [tilespmem:s21+$0x0];
	v1 =	vmov v10  }
0x191: {  	v10 =	vld [tilespmem:s21+$0x10]  }
0x192: {  	v14 =	vld [tilespmem:s21+$0x20]  }
0x193: {  	s20 =	sadd.s32 $0x2, s20;
	v16 =	vld [tilespmem:s21+$0x30]  }
0x194: {  	p0 =	slt.u32 s20, $0x62;
	v6 =	vld [tilespmem:s21+$0x1920]  }
.Ltmp5:
0x195: {  	v8 =	vld [tilespmem:s21+$0x1930];
	(pc) =	sbr.rel @p0 .LBB2_13-.Ltmp5, $4  }
0x196: {  	v4 =	vld [tilespmem:s21+$0x60]  }
0x197: {  	v13 =	vadd.f32 v13, v7;
	v17 =	vadd.f32 v10, v11;
	v7 =	vld [tilespmem:s21+$0x70]  }
0x198: {  	v11 =	vadd.f32 v14, v5;
	v10 =	vadd.f32 v16, v9;
	v5 =	vld [tilespmem:s21+$0x1960]  }
0x199: {  	v13 =	vadd.f32 v12, v13;
	v12 =	vadd.f32 v15, v17;
	v9 =	vld [tilespmem:s21+$0x1970];
	s21 =	sadd.s32 $0x80, s21  }
0x19a: {  	_ = 	snop  }
0x19b: {  	v6 =	vadd.f32 v6, v11;
	v2 =	vadd.f32 v2, v13  }
0x19c: {  	v8 =	vadd.f32 v8, v10;
	v3 =	vadd.f32 v3, v12  }
0x19d: {  	v4 =	vadd.f32 v4, v6;
	v0 =	vadd.f32 v0, v2  }
0x19e: {  	v2 =	vadd.f32 v7, v8;
	v1 =	vadd.f32 v1, v3  }
0x19f: {  	v3 =	vadd.f32 v5, v4;
	v0 =	vmul.f32 $4.999999890e-03, v0  }
0x1a0: {  	v2 =	vadd.f32 v9, v2;
	v1 =	vmul.f32 $4.999999890e-03, v1  }
0x1a1: {  	[tilespmem:$0x19780] =	vst v0;
	v0 =	vmul.f32 $4.999999890e-03, v3  }
0x1a2: {  	[tilespmem:$0x19790] =	vst v1;
	v1 =	vmul.f32 $4.999999890e-03, v2  }
0x1a3: {  	[tilespmem:$0x197A0] =	vst v0  }
0x1a4: {  	s21 =	simm.s32 $0x10080;
	[tilespmem:$0x197B0] =	vst v1  }
0x1a5: {  	v0 =	vld [tilespmem:s21+$0x1940]  }
0x1a6: {  	v1 =	vld [tilespmem:s21+$0x1950]  }
0x1a7: {  	v2 =	vld [tilespmem:s21+$0x40]  }
0x1a8: {  	v3 =	vld [tilespmem:s21+$0x50]  }
0x1a9: {  	v9 =	vld [tilespmem:s21+$0x1900]  }
0x1aa: {  	v12 =	vld [tilespmem:s21+$0x1910]  }
0x1ab: {  	v5 =	vld [tilespmem:s21+$0x0]  }
0x1ac: {  	v7 =	vld [tilespmem:s21+$0x10]  }
0x1ad: {  	v10 =	vld [tilespmem:s21+$0x20]  }
0x1ae: {  	v13 =	vld [tilespmem:s21+$0x30]  }
0x1af: {  	v6 =	vld [tilespmem:s21+$0x1920]  }
0x1b0: {  	v8 =	vld [tilespmem:s21+$0x1930]  }
0x1b1: {  	v14 =	vimm.f32 $0.0e+00;
	v4 =	vld [tilespmem:s21+$0x60]  }
0x1b2: {  	v15 =	vadd.f32 v5, v14;
	v16 =	vadd.f32 v7, v14;
	v7 =	vld [tilespmem:s21+$0x70]  }
0x1b3: {  	v11 =	vadd.f32 v10, v14;
	v10 =	vadd.f32 v13, v14;
	v5 =	vld [tilespmem:s21+$0x1960]  }
0x1b4: {  	s20 =	simm.s32 $0x0;
	v13 =	vadd.f32 v9, v15;
	v12 =	vadd.f32 v12, v16;
	v9 =	vld [tilespmem:s21+$0x1970];
	s21 =	simm.s32 $0x10100  }
.LBB2_15:
0x1b5: {  	v14 =	vld [tilespmem:s21+$0x1940];
	v6 =	vadd.f32 v6, v11;
	v8 =	vadd.f32 v8, v10  }
0x1b6: {  	v10 =	vld [tilespmem:s21+$0x1950];
	v11 =	vadd.f32 v2, v13;
	v12 =	vadd.f32 v3, v12  }
0x1b7: {  	v2 =	vld [tilespmem:s21+$0x40];
	v4 =	vadd.f32 v4, v6;
	v6 =	vadd.f32 v7, v8  }
0x1b8: {  	v3 =	vld [tilespmem:s21+$0x50];
	v7 =	vadd.f32 v0, v11;
	v11 =	vadd.f32 v1, v12  }
0x1b9: {  	v12 =	vld [tilespmem:s21+$0x1900];
	v5 =	vadd.f32 v5, v4;
	v9 =	vadd.f32 v9, v6  }
0x1ba: {  	v15 =	vld [tilespmem:s21+$0x1910];
	v0 =	vmov v14  }
0x1bb: {  	v13 =	vld [tilespmem:s21+$0x0];
	v1 =	vmov v10  }
0x1bc: {  	v10 =	vld [tilespmem:s21+$0x10]  }
0x1bd: {  	v14 =	vld [tilespmem:s21+$0x20]  }
0x1be: {  	s20 =	sadd.s32 $0x2, s20;
	v16 =	vld [tilespmem:s21+$0x30]  }
0x1bf: {  	p0 =	slt.u32 s20, $0x62;
	v6 =	vld [tilespmem:s21+$0x1920]  }
.Ltmp6:
0x1c0: {  	v8 =	vld [tilespmem:s21+$0x1930];
	(pc) =	sbr.rel @p0 .LBB2_15-.Ltmp6, $4  }
0x1c1: {  	v4 =	vld [tilespmem:s21+$0x60]  }
0x1c2: {  	v13 =	vadd.f32 v13, v7;
	v17 =	vadd.f32 v10, v11;
	v7 =	vld [tilespmem:s21+$0x70]  }
0x1c3: {  	v11 =	vadd.f32 v14, v5;
	v10 =	vadd.f32 v16, v9;
	v5 =	vld [tilespmem:s21+$0x1960]  }
0x1c4: {  	v13 =	vadd.f32 v12, v13;
	v12 =	vadd.f32 v15, v17;
	v9 =	vld [tilespmem:s21+$0x1970];
	s21 =	sadd.s32 $0x80, s21  }
0x1c5: {  	_ = 	snop  }
0x1c6: {  	v6 =	vadd.f32 v6, v11;
	v2 =	vadd.f32 v2, v13  }
0x1c7: {  	v8 =	vadd.f32 v8, v10;
	v3 =	vadd.f32 v3, v12  }
0x1c8: {  	v4 =	vadd.f32 v4, v6;
	v0 =	vadd.f32 v0, v2  }
0x1c9: {  	v2 =	vadd.f32 v7, v8;
	v1 =	vadd.f32 v1, v3  }
0x1ca: {  	v3 =	vadd.f32 v5, v4;
	v0 =	vmul.f32 $4.999999890e-03, v0  }
0x1cb: {  	v2 =	vadd.f32 v9, v2;
	v1 =	vmul.f32 $4.999999890e-03, v1  }
0x1cc: {  	[tilespmem:$0x197C0] =	vst v0;
	v0 =	vmul.f32 $4.999999890e-03, v3  }
0x1cd: {  	[tilespmem:$0x197D0] =	vst v1;
	v1 =	vmul.f32 $4.999999890e-03, v2  }
0x1ce: {  	[tilespmem:$0x197E0] =	vst v0  }
0x1cf: {  	s21 =	simm.s32 $0x13280;
	[tilespmem:$0x197F0] =	vst v1  }
0x1d0: {  	v0 =	vld [tilespmem:s21+$0x1940]  }
0x1d1: {  	v1 =	vld [tilespmem:s21+$0x1950]  }
0x1d2: {  	v2 =	vld [tilespmem:s21+$0x40]  }
0x1d3: {  	v3 =	vld [tilespmem:s21+$0x50]  }
0x1d4: {  	v9 =	vld [tilespmem:s21+$0x1900]  }
0x1d5: {  	v12 =	vld [tilespmem:s21+$0x1910]  }
0x1d6: {  	v5 =	vld [tilespmem:s21+$0x0]  }
0x1d7: {  	v7 =	vld [tilespmem:s21+$0x10]  }
0x1d8: {  	v10 =	vld [tilespmem:s21+$0x20]  }
0x1d9: {  	v13 =	vld [tilespmem:s21+$0x30]  }
0x1da: {  	v6 =	vld [tilespmem:s21+$0x1920]  }
0x1db: {  	v8 =	vld [tilespmem:s21+$0x1930]  }
0x1dc: {  	v14 =	vimm.f32 $0.0e+00;
	v4 =	vld [tilespmem:s21+$0x60]  }
0x1dd: {  	v15 =	vadd.f32 v5, v14;
	v16 =	vadd.f32 v7, v14;
	v7 =	vld [tilespmem:s21+$0x70]  }
0x1de: {  	v11 =	vadd.f32 v10, v14;
	v10 =	vadd.f32 v13, v14;
	v5 =	vld [tilespmem:s21+$0x1960]  }
0x1df: {  	s20 =	simm.s32 $0x0;
	v13 =	vadd.f32 v9, v15;
	v12 =	vadd.f32 v12, v16;
	v9 =	vld [tilespmem:s21+$0x1970];
	s21 =	simm.s32 $0x13300  }
.LBB2_17:
0x1e0: {  	v14 =	vld [tilespmem:s21+$0x1940];
	v6 =	vadd.f32 v6, v11;
	v8 =	vadd.f32 v8, v10  }
0x1e1: {  	v10 =	vld [tilespmem:s21+$0x1950];
	v11 =	vadd.f32 v2, v13;
	v12 =	vadd.f32 v3, v12  }
0x1e2: {  	v2 =	vld [tilespmem:s21+$0x40];
	v4 =	vadd.f32 v4, v6;
	v6 =	vadd.f32 v7, v8  }
0x1e3: {  	v3 =	vld [tilespmem:s21+$0x50];
	v7 =	vadd.f32 v0, v11;
	v11 =	vadd.f32 v1, v12  }
0x1e4: {  	v12 =	vld [tilespmem:s21+$0x1900];
	v5 =	vadd.f32 v5, v4;
	v9 =	vadd.f32 v9, v6  }
0x1e5: {  	v15 =	vld [tilespmem:s21+$0x1910];
	v0 =	vmov v14  }
0x1e6: {  	v13 =	vld [tilespmem:s21+$0x0];
	v1 =	vmov v10  }
0x1e7: {  	v10 =	vld [tilespmem:s21+$0x10]  }
0x1e8: {  	v14 =	vld [tilespmem:s21+$0x20]  }
0x1e9: {  	s20 =	sadd.s32 $0x2, s20;
	v16 =	vld [tilespmem:s21+$0x30]  }
0x1ea: {  	p0 =	slt.u32 s20, $0x62;
	v6 =	vld [tilespmem:s21+$0x1920]  }
.Ltmp7:
0x1eb: {  	v8 =	vld [tilespmem:s21+$0x1930];
	(pc) =	sbr.rel @p0 .LBB2_17-.Ltmp7, $4  }
0x1ec: {  	v4 =	vld [tilespmem:s21+$0x60]  }
0x1ed: {  	v13 =	vadd.f32 v13, v7;
	v17 =	vadd.f32 v10, v11;
	v7 =	vld [tilespmem:s21+$0x70]  }
0x1ee: {  	v11 =	vadd.f32 v14, v5;
	v10 =	vadd.f32 v16, v9;
	v5 =	vld [tilespmem:s21+$0x1960]  }
0x1ef: {  	v13 =	vadd.f32 v12, v13;
	v12 =	vadd.f32 v15, v17;
	v9 =	vld [tilespmem:s21+$0x1970];
	s21 =	sadd.s32 $0x80, s21  }
0x1f0: {  	_ = 	snop  }
0x1f1: {  	v6 =	vadd.f32 v6, v11;
	v2 =	vadd.f32 v2, v13  }
0x1f2: {  	v8 =	vadd.f32 v8, v10;
	v3 =	vadd.f32 v3, v12  }
0x1f3: {  	v4 =	vadd.f32 v4, v6;
	v0 =	vadd.f32 v0, v2  }
0x1f4: {  	v2 =	vadd.f32 v7, v8;
	v1 =	vadd.f32 v1, v3  }
0x1f5: {  	v3 =	vadd.f32 v5, v4;
	v0 =	vmul.f32 $4.999999890e-03, v0  }
0x1f6: {  	v2 =	vadd.f32 v9, v2;
	v1 =	vmul.f32 $4.999999890e-03, v1  }
0x1f7: {  	[tilespmem:$0x19800] =	vst v0;
	v0 =	vmul.f32 $4.999999890e-03, v3  }
0x1f8: {  	[tilespmem:$0x19810] =	vst v1;
	v1 =	vmul.f32 $4.999999890e-03, v2  }
0x1f9: {  	[tilespmem:$0x19820] =	vst v0  }
0x1fa: {  	s21 =	simm.s32 $0x16480;
	[tilespmem:$0x19830] =	vst v1  }
0x1fb: {  	v0 =	vld [tilespmem:s21+$0x1940]  }
0x1fc: {  	v1 =	vld [tilespmem:s21+$0x1950]  }
0x1fd: {  	v2 =	vld [tilespmem:s21+$0x40]  }
0x1fe: {  	v3 =	vld [tilespmem:s21+$0x50]  }
0x1ff: {  	v9 =	vld [tilespmem:s21+$0x1900]  }
0x200: {  	v12 =	vld [tilespmem:s21+$0x1910]  }
0x201: {  	v5 =	vld [tilespmem:s21+$0x0]  }
0x202: {  	v7 =	vld [tilespmem:s21+$0x10]  }
0x203: {  	v10 =	vld [tilespmem:s21+$0x20]  }
0x204: {  	v13 =	vld [tilespmem:s21+$0x30]  }
0x205: {  	v6 =	vld [tilespmem:s21+$0x1920]  }
0x206: {  	v8 =	vld [tilespmem:s21+$0x1930]  }
0x207: {  	v14 =	vimm.f32 $0.0e+00;
	v4 =	vld [tilespmem:s21+$0x60]  }
0x208: {  	v15 =	vadd.f32 v5, v14;
	v16 =	vadd.f32 v7, v14;
	v7 =	vld [tilespmem:s21+$0x70]  }
0x209: {  	v11 =	vadd.f32 v10, v14;
	v10 =	vadd.f32 v13, v14;
	v5 =	vld [tilespmem:s21+$0x1960]  }
0x20a: {  	s20 =	simm.s32 $0x0;
	v13 =	vadd.f32 v9, v15;
	v12 =	vadd.f32 v12, v16;
	v9 =	vld [tilespmem:s21+$0x1970];
	s21 =	simm.s32 $0x16500  }
.LBB2_19:
0x20b: {  	v14 =	vld [tilespmem:s21+$0x1940];
	v6 =	vadd.f32 v6, v11;
	v8 =	vadd.f32 v8, v10  }
0x20c: {  	v10 =	vld [tilespmem:s21+$0x1950];
	v11 =	vadd.f32 v2, v13;
	v12 =	vadd.f32 v3, v12  }
0x20d: {  	v2 =	vld [tilespmem:s21+$0x40];
	v4 =	vadd.f32 v4, v6;
	v6 =	vadd.f32 v7, v8  }
0x20e: {  	v3 =	vld [tilespmem:s21+$0x50];
	v7 =	vadd.f32 v0, v11;
	v11 =	vadd.f32 v1, v12  }
0x20f: {  	v12 =	vld [tilespmem:s21+$0x1900];
	v5 =	vadd.f32 v5, v4;
	v9 =	vadd.f32 v9, v6  }
0x210: {  	v15 =	vld [tilespmem:s21+$0x1910];
	v0 =	vmov v14  }
0x211: {  	v13 =	vld [tilespmem:s21+$0x0];
	v1 =	vmov v10  }
0x212: {  	v10 =	vld [tilespmem:s21+$0x10]  }
0x213: {  	v14 =	vld [tilespmem:s21+$0x20]  }
0x214: {  	s20 =	sadd.s32 $0x2, s20;
	v16 =	vld [tilespmem:s21+$0x30]  }
0x215: {  	p0 =	slt.u32 s20, $0x62;
	v6 =	vld [tilespmem:s21+$0x1920]  }
.Ltmp8:
0x216: {  	v8 =	vld [tilespmem:s21+$0x1930];
	(pc) =	sbr.rel @p0 .LBB2_19-.Ltmp8, $4  }
0x217: {  	v4 =	vld [tilespmem:s21+$0x60]  }
0x218: {  	v13 =	vadd.f32 v13, v7;
	v17 =	vadd.f32 v10, v11;
	v7 =	vld [tilespmem:s21+$0x70]  }
0x219: {  	v11 =	vadd.f32 v14, v5;
	v10 =	vadd.f32 v16, v9;
	v5 =	vld [tilespmem:s21+$0x1960]  }
0x21a: {  	v13 =	vadd.f32 v12, v13;
	v12 =	vadd.f32 v15, v17;
	v9 =	vld [tilespmem:s21+$0x1970];
	s21 =	sadd.s32 $0x80, s21  }
0x21b: {  	_ = 	snop  }
0x21c: {  	v6 =	vadd.f32 v6, v11;
	v2 =	vadd.f32 v2, v13  }
0x21d: {  	v8 =	vadd.f32 v8, v10;
	v3 =	vadd.f32 v3, v12  }
0x21e: {  	v4 =	vadd.f32 v4, v6;
	v0 =	vadd.f32 v0, v2  }
0x21f: {  	v60 =	vadd.f32 v7, v8;
	v1 =	vadd.f32 v1, v3  }
0x220: {  	v61 =	vadd.f32 v5, v4;
	v0 =	vmul.f32 $4.999999890e-03, v0  }
0x221: {  	v2 =	vadd.f32 v9, v60;
	v1 =	vmul.f32 $4.999999890e-03, v1  }
0x222: {  	v62 =	vmul.f32 $4.999999890e-03, v61;
	[tilespmem:$0x19840] =	vst v0  }
0x223: {  	s18 =	sadd.s32 $0x1, s18;
	v63 =	vmul.f32 $4.999999890e-03, v2;
	[tilespmem:$0x19850] =	vst v1  }
0x224: {  	s19 =	sshll.u32 s19, $0x3;
	p0 =	sne.s32 s18, $0x10;
	[tilespmem:$0x19860] =	vst v62  }
.Ltmp9:
0x225: {  	s19 =	sadd.s32 s5, s19;
	[tilespmem:$0x19870] =	vst v63;
	(pc) =	sbr.rel @p0 .LBB2_2-.Ltmp9, $4  }
0x226: {  	[hbm4b:s19+s2] =	stream.linear.scatter [tilespmem:s17], [sflag:$0x2], $0x200, $0x38;
	[tilespmem:$0x19880] =	vst v63  }
0x227: {  	_ =	swait.ge [sflag:s8], $0x200  }
0x228: {  	[sflag:s8] =	ssyncset.done $0x0  }
0x229: {  	[sflag:s8] =	ssyncadd.s32 $0xFFFFFE00  }
0x22a: {  	s19 =	rddreg [dreg:$0x4]  }
0x22b: {  	s18 =	rddreg [dreg:$0x3];
	s19 =	sadd.s32 $0x1, s19  }
0x22c: {  	p0 =	sne.s32 s19, s18  }
.Ltmp10:
0x22d: {  	_ = 	snop;
	(pc) =	sbr.rel @p0 .LBB2_1-.Ltmp10, $1  }
0x22e: {  	_ =	sdelay $0x3  }
0x22f: {  	_ =	sfence.sel $0x180000  }
0x230: {  	[bflag:$0x0] =	sbarrier.arrive $0xFFFF  }
0x231: {  	_ =	strace $0x90000047  }
0x232: {  	s0 =	stileid.u32;
	[bflag:$0x2] =	sbarrier.arrive $0xFFFF  }
0x233: {  	p0 =	sne.s32 s0, $0x0;
	s0 =	rddreg [dreg:$0x2]  }
0x234: {  	s0 =	sadd.s32 @!p0 $0x100000, s0  }
0x235: {  	[sflag:s0] =	ssyncadd.tile.s32 @!p0 $0x1;
	_ =	shalt  }
.Lfunc_end2:
_tile_overlayer_lowered:
.L_overlay_start_2:
0x236: {  	(tag) =	ssettag $0x2  }
0x237: {  	s0 =	rddreg [dreg:$0x0];
	s2 =	stileid.u32  }
0x238: {  	s1 =	rddreg [dreg:$0x1];
	p0 =	sne.s32 s2, $0x0  }
0x239: {  	s3 =	rddreg [dreg:$0x2];
	[bflag:$0x3] =	sbarrier.arrive $0xFFFF;
	s2 =	simm.s32 @!p0 $0x1C02  }
0x23a: {  	[timem:s3], [sflag:s2] =	dma.local @!p0 [hbm:s0], s1  }
0x23b: {  	s0 =	simm.s32 @!p0 $0x2  }
0x23c: {  	_ =	swait.ge @!p0 [sflag:s0], s1  }
0x23d: {  	s1 =	ssub.s32 @!p0 $0x0, s1;
	[sflag:s0] =	ssyncset.done @!p0 $0x0  }
0x23e: {  	[sflag:s0] =	ssyncadd.s32 @!p0 s1  }
0x23f: {  	[bflag:$0x3] =	sbarrier.arrive $0xFFFF  }
0x240: {  	_ =	shalt  }

</sc_bundles>
